<compile_context>
chip_gen: v7x
topology: tpu7x:2x2x1
jax: 0.10.2.dev20260603
libtpu: 0.0.44.dev20260713+nightly
codegen_flags: <defaults>
</compile_context>

<pallas_src>
import functools

import jax
import jax.numpy as jnp
from jax import lax
from jax.experimental import pallas as pl
from jax.experimental.pallas import tpu as pltpu
from jax.experimental.pallas import tpu_sc as plsc

B = 16384
D = 32
L = 16
W = 128
R = 4


def _mfnet_sc(user_ids, item_ids, user_table_t, item_table_t):
    info = plsc.get_sparse_core_info()
    nc, ns = info.num_cores, info.num_subcores
    nw = nc * ns
    bpw = B // nw
    nq = bpw // R

    mesh = plsc.VectorSubcoreMesh(core_axis_name="c", subcore_axis_name="s")

    @functools.partial(
        pl.kernel,
        mesh=mesh,
        out_type=jax.ShapeDtypeStruct((B,), jnp.float32),
        compiler_params=pltpu.CompilerParams(
            needs_layout_passes=False,
            use_tc_tiling_on_sc=True,
        ),
        scratch_types=[
            pltpu.VMEM((bpw + L,), jnp.int32),
            pltpu.VMEM((bpw + L,), jnp.int32),
            pltpu.VMEM((2, 2 * R, D, W), jnp.float32),
            pltpu.VMEM((L * bpw,), jnp.float32),
            pltpu.VMEM((bpw,), jnp.float32),
            pltpu.SemaphoreType.DMA,
            pltpu.SemaphoreType.DMA,
        ],
    )
    def k(uids_hbm, iids_hbm, utab_hbm, itab_hbm, out_hbm,
          uidx, iidx, win, pbuf, dots, sem_a, sem_b):
        wid = lax.axis_index("s") * nc + lax.axis_index("c")
        base = wid * bpw
        pltpu.sync_copy(uids_hbm.at[pl.ds(base, bpw)], uidx.at[pl.ds(0, bpw)])
        pltpu.sync_copy(iids_hbm.at[pl.ds(base, bpw)], iidx.at[pl.ds(0, bpw)])
        zeros16 = jnp.zeros((L,), jnp.int32)
        uidx[pl.ds(bpw, L)] = zeros16
        iidx[pl.ds(bpw, L)] = zeros16

        lane = lax.iota(jnp.int32, L)
        lane_base = lane * bpw

        def fire(q, bank, sem):
            u16 = uidx[pl.ds(q * R, L)]
            i16 = iidx[pl.ds(q * R, L)]
            ub = (u16 // W) * W
            ib = (i16 // W) * W
            copies = []
            for j in range(R):
                us = pl.multiple_of(ub[j], W)
                is_ = pl.multiple_of(ib[j], W)
                copies.append(pltpu.async_copy(
                    utab_hbm.at[:, pl.ds(us, W)], win.at[bank, 2 * j], sem))
                copies.append(pltpu.async_copy(
                    itab_hbm.at[:, pl.ds(is_, W)], win.at[bank, 2 * j + 1], sem))
            return copies

        def extract(q, bank):
            u16 = uidx[pl.ds(q * R, L)]
            i16 = iidx[pl.ds(q * R, L)]
            uk16 = u16 % W
            ik16 = i16 % W
            for j in range(R):
                uk = jnp.full((L,), uk16[j], jnp.int32)
                ik = jnp.full((L,), ik16[j], jnp.int32)
                u_lo = plsc.load_gather(win.at[bank, 2 * j], [lane, uk])
                u_hi = plsc.load_gather(win.at[bank, 2 * j], [lane + L, uk])
                v_lo = plsc.load_gather(win.at[bank, 2 * j + 1], [lane, ik])
                v_hi = plsc.load_gather(win.at[bank, 2 * j + 1], [lane + L, ik])
                q_vec = u_lo * v_lo + u_hi * v_hi
                plsc.store_scatter(pbuf, [lane_base + (q * R + j)], q_vec)

        def drain(copies):
            for cp in copies:
                cp.wait()

        drain(fire(0, 0, sem_a))

        def body(t2, carry):
            q0 = 2 * t2
            q1 = q0 + 1
            q2 = jnp.minimum(q0 + 2, nq - 1)
            cb = fire(q1, 1, sem_b)
            extract(q0, 0)
            ca = fire(q2, 0, sem_a)
            drain(cb)
            extract(q1, 1)
            drain(ca)
            return carry

        lax.fori_loop(0, nq // 2, body, 0)

        def group(g, carry):
            acc = jnp.zeros((L,), jnp.float32)
            for l in range(L):
                acc = acc + pbuf[pl.ds(l * bpw + g * L, L)]
            dots[pl.ds(g * L, L)] = acc
            return carry

        lax.fori_loop(0, bpw // L, group, 0)
        pltpu.sync_copy(dots, out_hbm.at[pl.ds(base, bpw)])

    return k(user_ids, item_ids, user_table_t, item_table_t)


def kernel(user_ids, item_ids, user_table, item_table, user_bias_table, item_bias_table):
    del user_bias_table, item_bias_table
    return _mfnet_sc(user_ids.astype(jnp.int32), item_ids.astype(jnp.int32),
                     user_table.T, item_table.T)

# --- scband reference (transcript-rebuilt; emitter-appended) ---
"""Pipeline reference for scband-mfnet-34634616275252 (READ-ONLY COPY).

The authoritative reference and input builder live on the scoring server;
editing this copy changes nothing except your own understanding.
"""

import jax, jax.numpy as jnp
import numpy as np

N_USERS = 1000000
N_ITEMS = 1000000
EMBED_DIM = 32
BATCH = 16384

def setup_inputs(seed: int = 0) -> dict:
    key = jax.random.key(seed)
    k1, k2, k3, k4 = jax.random.split(key, 4)
    user_ids = jax.random.randint(k1, (BATCH,), 0, N_USERS, dtype=jnp.int64 if jax.config.jax_enable_x64 else jnp.int32)
    item_ids = jax.random.randint(k2, (BATCH,), 0, N_ITEMS, dtype=jnp.int64 if jax.config.jax_enable_x64 else jnp.int32)
    user_table = jax.random.normal(k3, (N_USERS, EMBED_DIM), dtype=jnp.float32) * (1.0 / EMBED_DIM)
    item_table = jax.random.normal(k4, (N_ITEMS, EMBED_DIM), dtype=jnp.float32) * (1.0 / EMBED_DIM)
    user_bias_table = jnp.zeros((N_USERS, 1), dtype=jnp.float32)
    item_bias_table = jnp.zeros((N_ITEMS, 1), dtype=jnp.float32)
    return {
        'user_ids': user_ids,
        'item_ids': item_ids,
        'user_table': user_table,
        'item_table': item_table,
        'user_bias_table': user_bias_table,
        'item_bias_table': item_bias_table,
    }

def reference(user_ids, item_ids, user_table, item_table, user_bias_table, item_bias_table):
    user_embedding = jnp.take(user_table, user_ids, axis=0)  # [B, D]
    item_embedding = jnp.take(item_table, item_ids, axis=0)  # [B, D]
    user_embedding = jnp.squeeze(user_embedding)
    item_embedding = jnp.squeeze(item_embedding)
    dot = user_embedding * item_embedding
    if dot.ndim > 1:
        dot = dot.sum(axis=1)
    user_bias = jnp.squeeze(jnp.take(user_bias_table, user_ids, axis=0))
    item_bias = jnp.squeeze(jnp.take(item_bias_table, item_ids, axis=0))
    dot = dot + user_bias + item_bias
    return dot

if __name__ == "__main__":
    import jax
    _d = setup_inputs()
    print(jax.jit(kernel)(*tuple(_d.values())))

</pallas_src>

<mosaic_0001>
#map = affine_map<(d0, d1) -> (0)>
#map1 = affine_map<(d0, d1) -> (0, 0)>
module attributes {stable_mosaic.version = 14 : i64} {
  func.func @k(%arg0: i32, %arg1: i32, %arg2: memref<16384xi32, #tpu.memory_space<hbm>>, %arg3: memref<16384xi32, #tpu.memory_space<hbm>>, %arg4: memref<32x1000000xf32, #tpu.memory_space<hbm>>, %arg5: memref<32x1000000xf32, #tpu.memory_space<hbm>>, %arg6: memref<16384xf32, #tpu.memory_space<hbm>>, %arg7: memref<528xi32, #tpu.memory_space<vmem>>, %arg8: memref<528xi32, #tpu.memory_space<vmem>>, %arg9: memref<2x8x32x128xf32, #tpu.memory_space<vmem>>, %arg10: memref<8192xf32, #tpu.memory_space<vmem>>, %arg11: memref<512xf32, #tpu.memory_space<vmem>>, %arg12: memref<!tpu.dma_semaphore, #tpu.memory_space<semaphore_mem>>, %arg13: memref<!tpu.dma_semaphore, #tpu.memory_space<semaphore_mem>>) attributes {dimension_semantics = [#tpu.dimension_semantics<core_parallel>, #tpu.dimension_semantics<subcore_parallel>], iteration_bounds = array<i64: 2, 16>, scalar_prefetch = 0 : i64, scratch_operands = 7 : i64, tpu.core_type = #tpu.core_type<sc_vector_subcore>, window_params = [{transform_indices = #map}, {transform_indices = #map}, {transform_indices = #map1}, {transform_indices = #map1}, {transform_indices = #map}]} {
    %mul3A = arith.constant 2 : i32
    %mul3A_0 = arith.muli %arg1, %mul3A : i32
    %add3A = arith.addi %mul3A_0, %arg0 : i32
    %mul3A_1 = arith.constant 512 : i32
    %mul3A_2 = arith.muli %add3A, %mul3A_1 : i32
    "tpu.region"() ({
      %run_scoped3A = tpu.sem_alloc : memref<!tpu.dma_semaphore, #tpu.memory_space<semaphore_mem>>
      %dma_start3A_327 = arith.constant 0 : i32
      %dma_start3A_328 = tpu.memref_slice %arg7[%dma_start3A_327] : memref<528xi32, #tpu.memory_space<vmem>> -> memref<512xi32, #tpu.memory_space<vmem>>
      %dma_start3A_329 = tpu.memref_slice %arg2[%mul3A_2] : memref<16384xi32, #tpu.memory_space<hbm>> -> memref<512xi32, #tpu.memory_space<hbm>>
      %dma_start3A_330 = arith.constant 0 : i32
      %dma_start3A_331 = tpu.memref_slice %arg7[%dma_start3A_330] : memref<528xi32, #tpu.memory_space<vmem>> -> memref<512xi32, #tpu.memory_space<vmem>>
      %dma_start3A_332 = tpu.memref_slice %arg2[%mul3A_2] : memref<16384xi32, #tpu.memory_space<hbm>> -> memref<512xi32, #tpu.memory_space<hbm>>
      tpu.enqueue_dma source(%dma_start3A_332 : memref<512xi32, #tpu.memory_space<hbm>>) target(%dma_start3A_331 : memref<512xi32, #tpu.memory_space<vmem>>) target_semaphore(%run_scoped3A : memref<!tpu.dma_semaphore, #tpu.memory_space<semaphore_mem>>)
      %dma_wait3A_333 = arith.constant 0 : i32
      %dma_wait3A_334 = tpu.memref_slice %arg7[%dma_wait3A_333] : memref<528xi32, #tpu.memory_space<vmem>> -> memref<512xi32, #tpu.memory_space<vmem>>
      %dma_wait3A_335 = tpu.memref_slice %arg2[%mul3A_2] : memref<16384xi32, #tpu.memory_space<hbm>> -> memref<512xi32, #tpu.memory_space<hbm>>
      %dma_wait3A_336 = arith.constant 0 : i32
      %dma_wait3A_337 = tpu.memref_slice %arg7[%dma_wait3A_336] : memref<528xi32, #tpu.memory_space<vmem>> -> memref<512xi32, #tpu.memory_space<vmem>>
      %dma_wait3A_338 = tpu.memref_slice %arg2[%mul3A_2] : memref<16384xi32, #tpu.memory_space<hbm>> -> memref<512xi32, #tpu.memory_space<hbm>>
      tpu.wait_dma2 semaphore(%run_scoped3A : memref<!tpu.dma_semaphore, #tpu.memory_space<semaphore_mem>>) src(%dma_wait3A_338 : memref<512xi32, #tpu.memory_space<hbm>>) dst(%dma_wait3A_337 : memref<512xi32, #tpu.memory_space<vmem>>)
      tpu.yield
    }) : () -> ()
    "tpu.region"() ({
      %run_scoped3A = tpu.sem_alloc : memref<!tpu.dma_semaphore, #tpu.memory_space<semaphore_mem>>
      %dma_start3A_327 = arith.constant 0 : i32
      %dma_start3A_328 = tpu.memref_slice %arg8[%dma_start3A_327] : memref<528xi32, #tpu.memory_space<vmem>> -> memref<512xi32, #tpu.memory_space<vmem>>
      %dma_start3A_329 = tpu.memref_slice %arg3[%mul3A_2] : memref<16384xi32, #tpu.memory_space<hbm>> -> memref<512xi32, #tpu.memory_space<hbm>>
      %dma_start3A_330 = arith.constant 0 : i32
      %dma_start3A_331 = tpu.memref_slice %arg8[%dma_start3A_330] : memref<528xi32, #tpu.memory_space<vmem>> -> memref<512xi32, #tpu.memory_space<vmem>>
      %dma_start3A_332 = tpu.memref_slice %arg3[%mul3A_2] : memref<16384xi32, #tpu.memory_space<hbm>> -> memref<512xi32, #tpu.memory_space<hbm>>
      tpu.enqueue_dma source(%dma_start3A_332 : memref<512xi32, #tpu.memory_space<hbm>>) target(%dma_start3A_331 : memref<512xi32, #tpu.memory_space<vmem>>) target_semaphore(%run_scoped3A : memref<!tpu.dma_semaphore, #tpu.memory_space<semaphore_mem>>)
      %dma_wait3A_333 = arith.constant 0 : i32
      %dma_wait3A_334 = tpu.memref_slice %arg8[%dma_wait3A_333] : memref<528xi32, #tpu.memory_space<vmem>> -> memref<512xi32, #tpu.memory_space<vmem>>
      %dma_wait3A_335 = tpu.memref_slice %arg3[%mul3A_2] : memref<16384xi32, #tpu.memory_space<hbm>> -> memref<512xi32, #tpu.memory_space<hbm>>
      %dma_wait3A_336 = arith.constant 0 : i32
      %dma_wait3A_337 = tpu.memref_slice %arg8[%dma_wait3A_336] : memref<528xi32, #tpu.memory_space<vmem>> -> memref<512xi32, #tpu.memory_space<vmem>>
      %dma_wait3A_338 = tpu.memref_slice %arg3[%mul3A_2] : memref<16384xi32, #tpu.memory_space<hbm>> -> memref<512xi32, #tpu.memory_space<hbm>>
      tpu.wait_dma2 semaphore(%run_scoped3A : memref<!tpu.dma_semaphore, #tpu.memory_space<semaphore_mem>>) src(%dma_wait3A_338 : memref<512xi32, #tpu.memory_space<hbm>>) dst(%dma_wait3A_337 : memref<512xi32, #tpu.memory_space<vmem>>)
      tpu.yield
    }) : () -> ()
    %broadcast_in_dim3A = arith.constant 0 : i32
    %broadcast_in_dim3A_3 = vector.broadcast %broadcast_in_dim3A : i32 to vector<16xi32>
    %swap3A = arith.constant 512 : index
    %swap3A_4 = tpu.vector_load %arg7[%swap3A] {strides = array<i32>} : memref<528xi32, #tpu.memory_space<vmem>>, vector<16xi32>,
    tpu.vector_store %arg7[%swap3A], %broadcast_in_dim3A_3 {strides = array<i32>} : memref<528xi32, #tpu.memory_space<vmem>>, vector<16xi32>,
    %swap3A_5 = arith.constant 512 : index
    %swap3A_6 = tpu.vector_load %arg8[%swap3A_5] {strides = array<i32>} : memref<528xi32, #tpu.memory_space<vmem>>, vector<16xi32>,
    tpu.vector_store %arg8[%swap3A_5], %broadcast_in_dim3A_3 {strides = array<i32>} : memref<528xi32, #tpu.memory_space<vmem>>, vector<16xi32>,
    %iota3A = tpu.iota {dimensions = array<i32: 0>} : vector<16xi32>
    %mul3A_7 = arith.constant 512 : i32
    %mul3A_8 = vector.broadcast %mul3A_7 : i32 to vector<16xi32>
    %mul3A_9 = arith.muli %iota3A, %mul3A_8 : vector<16xi32>
    %get3A = arith.constant 0 : index
    %get3A_10 = tpu.vector_load %arg7[%get3A] {strides = array<i32>} : memref<528xi32, #tpu.memory_space<vmem>>, vector<16xi32>,
    %get3A_11 = arith.constant 0 : index
    %get3A_12 = tpu.vector_load %arg8[%get3A_11] {strides = array<i32>} : memref<528xi32, #tpu.memory_space<vmem>>, vector<16xi32>,
    %jit3A = arith.constant 128 : i32
    %div3A = vector.broadcast %jit3A : i32 to vector<16xi32>
    %div3A_13 = arith.divsi %get3A_10, %div3A : vector<16xi32>
    %sign3A = arith.constant 0 : i32
    %sign3A_14 = vector.broadcast %sign3A : i32 to vector<16xi32>
    %sign3A_15 = arith.cmpi sgt, %get3A_10, %sign3A_14 : vector<16xi32>
    %sign3A_16 = arith.extui %sign3A_15 : vector<16xi1> to vector<16xi32>
    %sign3A_17 = arith.constant 0 : i32
    %sign3A_18 = vector.broadcast %sign3A_17 : i32 to vector<16xi32>
    %sign3A_19 = arith.cmpi slt, %get3A_10, %sign3A_18 : vector<16xi32>
    %sign3A_20 = arith.extui %sign3A_19 : vector<16xi1> to vector<16xi32>
    %sign3A_21 = arith.subi %sign3A_16, %sign3A_20 : vector<16xi32>
    %sign3A_22 = arith.constant 0 : i32
    %sign3A_23 = arith.cmpi sgt, %jit3A, %sign3A_22 : i32
    %sign3A_24 = arith.extui %sign3A_23 : i1 to i32
    %sign3A_25 = arith.constant 0 : i32
    %sign3A_26 = arith.cmpi slt, %jit3A, %sign3A_25 : i32
    %sign3A_27 = arith.extui %sign3A_26 : i1 to i32
    %sign3A_28 = arith.subi %sign3A_24, %sign3A_27 : i32
    %ne3A = vector.broadcast %sign3A_28 : i32 to vector<16xi32>
    %ne3A_29 = arith.cmpi ne, %sign3A_21, %ne3A : vector<16xi32>
    %rem3A = vector.broadcast %jit3A : i32 to vector<16xi32>
    %rem3A_30 = arith.remsi %get3A_10, %rem3A : vector<16xi32>
    %ne3A_31 = arith.constant 0 : i32
    %ne3A_32 = vector.broadcast %ne3A_31 : i32 to vector<16xi32>
    %ne3A_33 = arith.cmpi ne, %rem3A_30, %ne3A_32 : vector<16xi32>
    %and3A = arith.andi %ne3A_29, %ne3A_33 : vector<16xi1>
    %sub3A = arith.constant 1 : i32
    %sub3A_34 = vector.broadcast %sub3A : i32 to vector<16xi32>
    %sub3A_35 = arith.subi %div3A_13, %sub3A_34 : vector<16xi32>
    %select_n3A = arith.select %and3A, %sub3A_35, %div3A_13 : vector<16xi1>, vector<16xi32>
    %mul3A_36 = arith.constant 128 : i32
    %mul3A_37 = vector.broadcast %mul3A_36 : i32 to vector<16xi32>
    %mul3A_38 = arith.muli %select_n3A, %mul3A_37 : vector<16xi32>
    %jit3A_39 = arith.constant 128 : i32
    %div3A_40 = vector.broadcast %jit3A_39 : i32 to vector<16xi32>
    %div3A_41 = arith.divsi %get3A_12, %div3A_40 : vector<16xi32>
    %sign3A_42 = arith.constant 0 : i32
    %sign3A_43 = vector.broadcast %sign3A_42 : i32 to vector<16xi32>
    %sign3A_44 = arith.cmpi sgt, %get3A_12, %sign3A_43 : vector<16xi32>
    %sign3A_45 = arith.extui %sign3A_44 : vector<16xi1> to vector<16xi32>
    %sign3A_46 = arith.constant 0 : i32
    %sign3A_47 = vector.broadcast %sign3A_46 : i32 to vector<16xi32>
    %sign3A_48 = arith.cmpi slt, %get3A_12, %sign3A_47 : vector<16xi32>
    %sign3A_49 = arith.extui %sign3A_48 : vector<16xi1> to vector<16xi32>
    %sign3A_50 = arith.subi %sign3A_45, %sign3A_49 : vector<16xi32>
    %sign3A_51 = arith.constant 0 : i32
    %sign3A_52 = arith.cmpi sgt, %jit3A_39, %sign3A_51 : i32
    %sign3A_53 = arith.extui %sign3A_52 : i1 to i32
    %sign3A_54 = arith.constant 0 : i32
    %sign3A_55 = arith.cmpi slt, %jit3A_39, %sign3A_54 : i32
    %sign3A_56 = arith.extui %sign3A_55 : i1 to i32
    %sign3A_57 = arith.subi %sign3A_53, %sign3A_56 : i32
    %ne3A_58 = vector.broadcast %sign3A_57 : i32 to vector<16xi32>
    %ne3A_59 = arith.cmpi ne, %sign3A_50, %ne3A_58 : vector<16xi32>
    %rem3A_60 = vector.broadcast %jit3A_39 : i32 to vector<16xi32>
    %rem3A_61 = arith.remsi %get3A_12, %rem3A_60 : vector<16xi32>
    %ne3A_62 = arith.constant 0 : i32
    %ne3A_63 = vector.broadcast %ne3A_62 : i32 to vector<16xi32>
    %ne3A_64 = arith.cmpi ne, %rem3A_61, %ne3A_63 : vector<16xi32>
    %and3A_65 = arith.andi %ne3A_59, %ne3A_64 : vector<16xi1>
    %sub3A_66 = arith.constant 1 : i32
    %sub3A_67 = vector.broadcast %sub3A_66 : i32 to vector<16xi32>
    %sub3A_68 = arith.subi %div3A_41, %sub3A_67 : vector<16xi32>
    %select_n3A_69 = arith.select %and3A_65, %sub3A_68, %div3A_41 : vector<16xi1>, vector<16xi32>
    %mul3A_70 = arith.constant 128 : i32
    %mul3A_71 = vector.broadcast %mul3A_70 : i32 to vector<16xi32>
    %mul3A_72 = arith.muli %select_n3A_69, %mul3A_71 : vector<16xi32>
    %slice3A = vector.extract_strided_slice %mul3A_38 {offsets = [0], sizes = [1], strides = [1]} : vector<16xi32> to vector<1xi32>
    %squeeze3A = vector.extract %slice3A[0] : i32 from vector<1xi32>
    %multiple_of3A = tpu.assume_multiple %squeeze3A, 128 : i32
    %slice3A_73 = vector.extract_strided_slice %mul3A_72 {offsets = [0], sizes = [1], strides = [1]} : vector<16xi32> to vector<1xi32>
    %squeeze3A_74 = vector.extract %slice3A_73[0] : i32 from vector<1xi32>
    %multiple_of3A_75 = tpu.assume_multiple %squeeze3A_74, 128 : i32
    %dma_start3A = arith.constant 0 : i32
    %dma_start3A_76 = arith.constant 0 : i32
    %dma_start3A_77 = arith.constant 0 : i32
    %dma_start3A_78 = arith.constant 0 : i32
    %dma_start3A_79 = tpu.memref_slice %arg9[%dma_start3A, %dma_start3A_76, %dma_start3A_77, %dma_start3A_78] : memref<2x8x32x128xf32, #tpu.memory_space<vmem>> -> memref<1x1x32x128xf32, #tpu.memory_space<vmem>>
    %dma_start3A_80 = tpu.memref_squeeze %dma_start3A_79 : memref<1x1x32x128xf32, #tpu.memory_space<vmem>> -> memref<32x128xf32, #tpu.memory_space<vmem>>
    %dma_start3A_81 = arith.constant 0 : i32
    %dma_start3A_82 = tpu.memref_slice %arg4[%dma_start3A_81, %multiple_of3A] : memref<32x1000000xf32, #tpu.memory_space<hbm>> -> memref<32x128xf32, #tpu.memory_space<hbm>>
    %dma_start3A_83 = arith.constant 0 : i32
    %dma_start3A_84 = arith.constant 0 : i32
    %dma_start3A_85 = tpu.memref_slice %arg9[%dma_start3A, %dma_start3A_76, %dma_start3A_83, %dma_start3A_84] : memref<2x8x32x128xf32, #tpu.memory_space<vmem>> -> memref<1x1x32x128xf32, #tpu.memory_space<vmem>>
    %dma_start3A_86 = tpu.memref_squeeze %dma_start3A_85 : memref<1x1x32x128xf32, #tpu.memory_space<vmem>> -> memref<32x128xf32, #tpu.memory_space<vmem>>
    %dma_start3A_87 = arith.constant 0 : i32
    %dma_start3A_88 = tpu.memref_slice %arg4[%dma_start3A_87, %multiple_of3A] : memref<32x1000000xf32, #tpu.memory_space<hbm>> -> memref<32x128xf32, #tpu.memory_space<hbm>>
    tpu.enqueue_dma source(%dma_start3A_88 : memref<32x128xf32, #tpu.memory_space<hbm>>) target(%dma_start3A_86 : memref<32x128xf32, #tpu.memory_space<vmem>>) target_semaphore(%arg12 : memref<!tpu.dma_semaphore, #tpu.memory_space<semaphore_mem>>)
    %dma_start3A_89 = arith.constant 0 : i32
    %dma_start3A_90 = arith.constant 1 : i32
    %dma_start3A_91 = arith.constant 0 : i32
    %dma_start3A_92 = arith.constant 0 : i32
    %dma_start3A_93 = tpu.memref_slice %arg9[%dma_start3A_89, %dma_start3A_90, %dma_start3A_91, %dma_start3A_92] : memref<2x8x32x128xf32, #tpu.memory_space<vmem>> -> memref<1x1x32x128xf32, #tpu.memory_space<vmem>>
    %dma_start3A_94 = tpu.memref_squeeze %dma_start3A_93 : memref<1x1x32x128xf32, #tpu.memory_space<vmem>> -> memref<32x128xf32, #tpu.memory_space<vmem>>
    %dma_start3A_95 = arith.constant 0 : i32
    %dma_start3A_96 = tpu.memref_slice %arg5[%dma_start3A_95, %multiple_of3A_75] : memref<32x1000000xf32, #tpu.memory_space<hbm>> -> memref<32x128xf32, #tpu.memory_space<hbm>>
    %dma_start3A_97 = arith.constant 0 : i32
    %dma_start3A_98 = arith.constant 0 : i32
    %dma_start3A_99 = tpu.memref_slice %arg9[%dma_start3A_89, %dma_start3A_90, %dma_start3A_97, %dma_start3A_98] : memref<2x8x32x128xf32, #tpu.memory_space<vmem>> -> memref<1x1x32x128xf32, #tpu.memory_space<vmem>>
    %dma_start3A_100 = tpu.memref_squeeze %dma_start3A_99 : memref<1x1x32x128xf32, #tpu.memory_space<vmem>> -> memref<32x128xf32, #tpu.memory_space<vmem>>
    %dma_start3A_101 = arith.constant 0 : i32
    %dma_start3A_102 = tpu.memref_slice %arg5[%dma_start3A_101, %multiple_of3A_75] : memref<32x1000000xf32, #tpu.memory_space<hbm>> -> memref<32x128xf32, #tpu.memory_space<hbm>>
    tpu.enqueue_dma source(%dma_start3A_102 : memref<32x128xf32, #tpu.memory_space<hbm>>) target(%dma_start3A_100 : memref<32x128xf32, #tpu.memory_space<vmem>>) target_semaphore(%arg12 : memref<!tpu.dma_semaphore, #tpu.memory_space<semaphore_mem>>)
    %slice3A_103 = vector.extract_strided_slice %mul3A_38 {offsets = [1], sizes = [1], strides = [1]} : vector<16xi32> to vector<1xi32>
    %squeeze3A_104 = vector.extract %slice3A_103[0] : i32 from vector<1xi32>
    %multiple_of3A_105 = tpu.assume_multiple %squeeze3A_104, 128 : i32
    %slice3A_106 = vector.extract_strided_slice %mul3A_72 {offsets = [1], sizes = [1], strides = [1]} : vector<16xi32> to vector<1xi32>
    %squeeze3A_107 = vector.extract %slice3A_106[0] : i32 from vector<1xi32>
    %multiple_of3A_108 = tpu.assume_multiple %squeeze3A_107, 128 : i32
    %dma_start3A_109 = arith.constant 0 : i32
    %dma_start3A_110 = arith.constant 2 : i32
    %dma_start3A_111 = arith.constant 0 : i32
    %dma_start3A_112 = arith.constant 0 : i32
    %dma_start3A_113 = tpu.memref_slice %arg9[%dma_start3A_109, %dma_start3A_110, %dma_start3A_111, %dma_start3A_112] : memref<2x8x32x128xf32, #tpu.memory_space<vmem>> -> memref<1x1x32x128xf32, #tpu.memory_space<vmem>>
    %dma_start3A_114 = tpu.memref_squeeze %dma_start3A_113 : memref<1x1x32x128xf32, #tpu.memory_space<vmem>> -> memref<32x128xf32, #tpu.memory_space<vmem>>
    %dma_start3A_115 = arith.constant 0 : i32
    %dma_start3A_116 = tpu.memref_slice %arg4[%dma_start3A_115, %multiple_of3A_105] : memref<32x1000000xf32, #tpu.memory_space<hbm>> -> memref<32x128xf32, #tpu.memory_space<hbm>>
    %dma_start3A_117 = arith.constant 0 : i32
    %dma_start3A_118 = arith.constant 0 : i32
    %dma_start3A_119 = tpu.memref_slice %arg9[%dma_start3A_109, %dma_start3A_110, %dma_start3A_117, %dma_start3A_118] : memref<2x8x32x128xf32, #tpu.memory_space<vmem>> -> memref<1x1x32x128xf32, #tpu.memory_space<vmem>>
    %dma_start3A_120 = tpu.memref_squeeze %dma_start3A_119 : memref<1x1x32x128xf32, #tpu.memory_space<vmem>> -> memref<32x128xf32, #tpu.memory_space<vmem>>
    %dma_start3A_121 = arith.constant 0 : i32
    %dma_start3A_122 = tpu.memref_slice %arg4[%dma_start3A_121, %multiple_of3A_105] : memref<32x1000000xf32, #tpu.memory_space<hbm>> -> memref<32x128xf32, #tpu.memory_space<hbm>>
    tpu.enqueue_dma source(%dma_start3A_122 : memref<32x128xf32, #tpu.memory_space<hbm>>) target(%dma_start3A_120 : memref<32x128xf32, #tpu.memory_space<vmem>>) target_semaphore(%arg12 : memref<!tpu.dma_semaphore, #tpu.memory_space<semaphore_mem>>)
    %dma_start3A_123 = arith.constant 0 : i32
    %dma_start3A_124 = arith.constant 3 : i32
    %dma_start3A_125 = arith.constant 0 : i32
    %dma_start3A_126 = arith.constant 0 : i32
    %dma_start3A_127 = tpu.memref_slice %arg9[%dma_start3A_123, %dma_start3A_124, %dma_start3A_125, %dma_start3A_126] : memref<2x8x32x128xf32, #tpu.memory_space<vmem>> -> memref<1x1x32x128xf32, #tpu.memory_space<vmem>>
    %dma_start3A_128 = tpu.memref_squeeze %dma_start3A_127 : memref<1x1x32x128xf32, #tpu.memory_space<vmem>> -> memref<32x128xf32, #tpu.memory_space<vmem>>
    %dma_start3A_129 = arith.constant 0 : i32
    %dma_start3A_130 = tpu.memref_slice %arg5[%dma_start3A_129, %multiple_of3A_108] : memref<32x1000000xf32, #tpu.memory_space<hbm>> -> memref<32x128xf32, #tpu.memory_space<hbm>>
    %dma_start3A_131 = arith.constant 0 : i32
    %dma_start3A_132 = arith.constant 0 : i32
    %dma_start3A_133 = tpu.memref_slice %arg9[%dma_start3A_123, %dma_start3A_124, %dma_start3A_131, %dma_start3A_132] : memref<2x8x32x128xf32, #tpu.memory_space<vmem>> -> memref<1x1x32x128xf32, #tpu.memory_space<vmem>>
    %dma_start3A_134 = tpu.memref_squeeze %dma_start3A_133 : memref<1x1x32x128xf32, #tpu.memory_space<vmem>> -> memref<32x128xf32, #tpu.memory_space<vmem>>
    %dma_start3A_135 = arith.constant 0 : i32
    %dma_start3A_136 = tpu.memref_slice %arg5[%dma_start3A_135, %multiple_of3A_108] : memref<32x1000000xf32, #tpu.memory_space<hbm>> -> memref<32x128xf32, #tpu.memory_space<hbm>>
    tpu.enqueue_dma source(%dma_start3A_136 : memref<32x128xf32, #tpu.memory_space<hbm>>) target(%dma_start3A_134 : memref<32x128xf32, #tpu.memory_space<vmem>>) target_semaphore(%arg12 : memref<!tpu.dma_semaphore, #tpu.memory_space<semaphore_mem>>)
    %slice3A_137 = vector.extract_strided_slice %mul3A_38 {offsets = [2], sizes = [1], strides = [1]} : vector<16xi32> to vector<1xi32>
    %squeeze3A_138 = vector.extract %slice3A_137[0] : i32 from vector<1xi32>
    %multiple_of3A_139 = tpu.assume_multiple %squeeze3A_138, 128 : i32
    %slice3A_140 = vector.extract_strided_slice %mul3A_72 {offsets = [2], sizes = [1], strides = [1]} : vector<16xi32> to vector<1xi32>
    %squeeze3A_141 = vector.extract %slice3A_140[0] : i32 from vector<1xi32>
    %multiple_of3A_142 = tpu.assume_multiple %squeeze3A_141, 128 : i32
    %dma_start3A_143 = arith.constant 0 : i32
    %dma_start3A_144 = arith.constant 4 : i32
    %dma_start3A_145 = arith.constant 0 : i32
    %dma_start3A_146 = arith.constant 0 : i32
    %dma_start3A_147 = tpu.memref_slice %arg9[%dma_start3A_143, %dma_start3A_144, %dma_start3A_145, %dma_start3A_146] : memref<2x8x32x128xf32, #tpu.memory_space<vmem>> -> memref<1x1x32x128xf32, #tpu.memory_space<vmem>>
    %dma_start3A_148 = tpu.memref_squeeze %dma_start3A_147 : memref<1x1x32x128xf32, #tpu.memory_space<vmem>> -> memref<32x128xf32, #tpu.memory_space<vmem>>
    %dma_start3A_149 = arith.constant 0 : i32
    %dma_start3A_150 = tpu.memref_slice %arg4[%dma_start3A_149, %multiple_of3A_139] : memref<32x1000000xf32, #tpu.memory_space<hbm>> -> memref<32x128xf32, #tpu.memory_space<hbm>>
    %dma_start3A_151 = arith.constant 0 : i32
    %dma_start3A_152 = arith.constant 0 : i32
    %dma_start3A_153 = tpu.memref_slice %arg9[%dma_start3A_143, %dma_start3A_144, %dma_start3A_151, %dma_start3A_152] : memref<2x8x32x128xf32, #tpu.memory_space<vmem>> -> memref<1x1x32x128xf32, #tpu.memory_space<vmem>>
    %dma_start3A_154 = tpu.memref_squeeze %dma_start3A_153 : memref<1x1x32x128xf32, #tpu.memory_space<vmem>> -> memref<32x128xf32, #tpu.memory_space<vmem>>
    %dma_start3A_155 = arith.constant 0 : i32
    %dma_start3A_156 = tpu.memref_slice %arg4[%dma_start3A_155, %multiple_of3A_139] : memref<32x1000000xf32, #tpu.memory_space<hbm>> -> memref<32x128xf32, #tpu.memory_space<hbm>>
    tpu.enqueue_dma source(%dma_start3A_156 : memref<32x128xf32, #tpu.memory_space<hbm>>) target(%dma_start3A_154 : memref<32x128xf32, #tpu.memory_space<vmem>>) target_semaphore(%arg12 : memref<!tpu.dma_semaphore, #tpu.memory_space<semaphore_mem>>)
    %dma_start3A_157 = arith.constant 0 : i32
    %dma_start3A_158 = arith.constant 5 : i32
    %dma_start3A_159 = arith.constant 0 : i32
    %dma_start3A_160 = arith.constant 0 : i32
    %dma_start3A_161 = tpu.memref_slice %arg9[%dma_start3A_157, %dma_start3A_158, %dma_start3A_159, %dma_start3A_160] : memref<2x8x32x128xf32, #tpu.memory_space<vmem>> -> memref<1x1x32x128xf32, #tpu.memory_space<vmem>>
    %dma_start3A_162 = tpu.memref_squeeze %dma_start3A_161 : memref<1x1x32x128xf32, #tpu.memory_space<vmem>> -> memref<32x128xf32, #tpu.memory_space<vmem>>
    %dma_start3A_163 = arith.constant 0 : i32
    %dma_start3A_164 = tpu.memref_slice %arg5[%dma_start3A_163, %multiple_of3A_142] : memref<32x1000000xf32, #tpu.memory_space<hbm>> -> memref<32x128xf32, #tpu.memory_space<hbm>>
    %dma_start3A_165 = arith.constant 0 : i32
    %dma_start3A_166 = arith.constant 0 : i32
    %dma_start3A_167 = tpu.memref_slice %arg9[%dma_start3A_157, %dma_start3A_158, %dma_start3A_165, %dma_start3A_166] : memref<2x8x32x128xf32, #tpu.memory_space<vmem>> -> memref<1x1x32x128xf32, #tpu.memory_space<vmem>>
    %dma_start3A_168 = tpu.memref_squeeze %dma_start3A_167 : memref<1x1x32x128xf32, #tpu.memory_space<vmem>> -> memref<32x128xf32, #tpu.memory_space<vmem>>
    %dma_start3A_169 = arith.constant 0 : i32
    %dma_start3A_170 = tpu.memref_slice %arg5[%dma_start3A_169, %multiple_of3A_142] : memref<32x1000000xf32, #tpu.memory_space<hbm>> -> memref<32x128xf32, #tpu.memory_space<hbm>>
    tpu.enqueue_dma source(%dma_start3A_170 : memref<32x128xf32, #tpu.memory_space<hbm>>) target(%dma_start3A_168 : memref<32x128xf32, #tpu.memory_space<vmem>>) target_semaphore(%arg12 : memref<!tpu.dma_semaphore, #tpu.memory_space<semaphore_mem>>)
    %slice3A_171 = vector.extract_strided_slice %mul3A_38 {offsets = [3], sizes = [1], strides = [1]} : vector<16xi32> to vector<1xi32>
    %squeeze3A_172 = vector.extract %slice3A_171[0] : i32 from vector<1xi32>
    %multiple_of3A_173 = tpu.assume_multiple %squeeze3A_172, 128 : i32
    %slice3A_174 = vector.extract_strided_slice %mul3A_72 {offsets = [3], sizes = [1], strides = [1]} : vector<16xi32> to vector<1xi32>
    %squeeze3A_175 = vector.extract %slice3A_174[0] : i32 from vector<1xi32>
    %multiple_of3A_176 = tpu.assume_multiple %squeeze3A_175, 128 : i32
    %dma_start3A_177 = arith.constant 0 : i32
    %dma_start3A_178 = arith.constant 6 : i32
    %dma_start3A_179 = arith.constant 0 : i32
    %dma_start3A_180 = arith.constant 0 : i32
    %dma_start3A_181 = tpu.memref_slice %arg9[%dma_start3A_177, %dma_start3A_178, %dma_start3A_179, %dma_start3A_180] : memref<2x8x32x128xf32, #tpu.memory_space<vmem>> -> memref<1x1x32x128xf32, #tpu.memory_space<vmem>>
    %dma_start3A_182 = tpu.memref_squeeze %dma_start3A_181 : memref<1x1x32x128xf32, #tpu.memory_space<vmem>> -> memref<32x128xf32, #tpu.memory_space<vmem>>
    %dma_start3A_183 = arith.constant 0 : i32
    %dma_start3A_184 = tpu.memref_slice %arg4[%dma_start3A_183, %multiple_of3A_173] : memref<32x1000000xf32, #tpu.memory_space<hbm>> -> memref<32x128xf32, #tpu.memory_space<hbm>>
    %dma_start3A_185 = arith.constant 0 : i32
    %dma_start3A_186 = arith.constant 0 : i32
    %dma_start3A_187 = tpu.memref_slice %arg9[%dma_start3A_177, %dma_start3A_178, %dma_start3A_185, %dma_start3A_186] : memref<2x8x32x128xf32, #tpu.memory_space<vmem>> -> memref<1x1x32x128xf32, #tpu.memory_space<vmem>>
    %dma_start3A_188 = tpu.memref_squeeze %dma_start3A_187 : memref<1x1x32x128xf32, #tpu.memory_space<vmem>> -> memref<32x128xf32, #tpu.memory_space<vmem>>
    %dma_start3A_189 = arith.constant 0 : i32
    %dma_start3A_190 = tpu.memref_slice %arg4[%dma_start3A_189, %multiple_of3A_173] : memref<32x1000000xf32, #tpu.memory_space<hbm>> -> memref<32x128xf32, #tpu.memory_space<hbm>>
    tpu.enqueue_dma source(%dma_start3A_190 : memref<32x128xf32, #tpu.memory_space<hbm>>) target(%dma_start3A_188 : memref<32x128xf32, #tpu.memory_space<vmem>>) target_semaphore(%arg12 : memref<!tpu.dma_semaphore, #tpu.memory_space<semaphore_mem>>)
    %dma_start3A_191 = arith.constant 0 : i32
    %dma_start3A_192 = arith.constant 7 : i32
    %dma_start3A_193 = arith.constant 0 : i32
    %dma_start3A_194 = arith.constant 0 : i32
    %dma_start3A_195 = tpu.memref_slice %arg9[%dma_start3A_191, %dma_start3A_192, %dma_start3A_193, %dma_start3A_194] : memref<2x8x32x128xf32, #tpu.memory_space<vmem>> -> memref<1x1x32x128xf32, #tpu.memory_space<vmem>>
    %dma_start3A_196 = tpu.memref_squeeze %dma_start3A_195 : memref<1x1x32x128xf32, #tpu.memory_space<vmem>> -> memref<32x128xf32, #tpu.memory_space<vmem>>
    %dma_start3A_197 = arith.constant 0 : i32
    %dma_start3A_198 = tpu.memref_slice %arg5[%dma_start3A_197, %multiple_of3A_176] : memref<32x1000000xf32, #tpu.memory_space<hbm>> -> memref<32x128xf32, #tpu.memory_space<hbm>>
    %dma_start3A_199 = arith.constant 0 : i32
    %dma_start3A_200 = arith.constant 0 : i32
    %dma_start3A_201 = tpu.memref_slice %arg9[%dma_start3A_191, %dma_start3A_192, %dma_start3A_199, %dma_start3A_200] : memref<2x8x32x128xf32, #tpu.memory_space<vmem>> -> memref<1x1x32x128xf32, #tpu.memory_space<vmem>>
    %dma_start3A_202 = tpu.memref_squeeze %dma_start3A_201 : memref<1x1x32x128xf32, #tpu.memory_space<vmem>> -> memref<32x128xf32, #tpu.memory_space<vmem>>
    %dma_start3A_203 = arith.constant 0 : i32
    %dma_start3A_204 = tpu.memref_slice %arg5[%dma_start3A_203, %multiple_of3A_176] : memref<32x1000000xf32, #tpu.memory_space<hbm>> -> memref<32x128xf32, #tpu.memory_space<hbm>>
    tpu.enqueue_dma source(%dma_start3A_204 : memref<32x128xf32, #tpu.memory_space<hbm>>) target(%dma_start3A_202 : memref<32x128xf32, #tpu.memory_space<vmem>>) target_semaphore(%arg12 : memref<!tpu.dma_semaphore, #tpu.memory_space<semaphore_mem>>)
    %dma_wait3A = arith.constant 0 : i32
    %dma_wait3A_205 = arith.constant 0 : i32
    %dma_wait3A_206 = arith.constant 0 : i32
    %dma_wait3A_207 = arith.constant 0 : i32
    %dma_wait3A_208 = tpu.memref_slice %arg9[%dma_wait3A, %dma_wait3A_205, %dma_wait3A_206, %dma_wait3A_207] : memref<2x8x32x128xf32, #tpu.memory_space<vmem>> -> memref<1x1x32x128xf32, #tpu.memory_space<vmem>>
    %dma_wait3A_209 = tpu.memref_squeeze %dma_wait3A_208 : memref<1x1x32x128xf32, #tpu.memory_space<vmem>> -> memref<32x128xf32, #tpu.memory_space<vmem>>
    %dma_wait3A_210 = arith.constant 0 : i32
    %dma_wait3A_211 = tpu.memref_slice %arg4[%dma_wait3A_210, %multiple_of3A] : memref<32x1000000xf32, #tpu.memory_space<hbm>> -> memref<32x128xf32, #tpu.memory_space<hbm>>
    %dma_wait3A_212 = arith.constant 0 : i32
    %dma_wait3A_213 = arith.constant 0 : i32
    %dma_wait3A_214 = tpu.memref_slice %arg9[%dma_wait3A, %dma_wait3A_205, %dma_wait3A_212, %dma_wait3A_213] : memref<2x8x32x128xf32, #tpu.memory_space<vmem>> -> memref<1x1x32x128xf32, #tpu.memory_space<vmem>>
    %dma_wait3A_215 = tpu.memref_squeeze %dma_wait3A_214 : memref<1x1x32x128xf32, #tpu.memory_space<vmem>> -> memref<32x128xf32, #tpu.memory_space<vmem>>
    %dma_wait3A_216 = arith.constant 0 : i32
    %dma_wait3A_217 = tpu.memref_slice %arg4[%dma_wait3A_216, %multiple_of3A] : memref<32x1000000xf32, #tpu.memory_space<hbm>> -> memref<32x128xf32, #tpu.memory_space<hbm>>
    tpu.wait_dma2 semaphore(%arg12 : memref<!tpu.dma_semaphore, #tpu.memory_space<semaphore_mem>>) src(%dma_wait3A_217 : memref<32x128xf32, #tpu.memory_space<hbm>>) dst(%dma_wait3A_215 : memref<32x128xf32, #tpu.memory_space<vmem>>)
    %dma_wait3A_218 = arith.constant 0 : i32
    %dma_wait3A_219 = arith.constant 1 : i32
    %dma_wait3A_220 = arith.constant 0 : i32
    %dma_wait3A_221 = arith.constant 0 : i32
    %dma_wait3A_222 = tpu.memref_slice %arg9[%dma_wait3A_218, %dma_wait3A_219, %dma_wait3A_220, %dma_wait3A_221] : memref<2x8x32x128xf32, #tpu.memory_space<vmem>> -> memref<1x1x32x128xf32, #tpu.memory_space<vmem>>
    %dma_wait3A_223 = tpu.memref_squeeze %dma_wait3A_222 : memref<1x1x32x128xf32, #tpu.memory_space<vmem>> -> memref<32x128xf32, #tpu.memory_space<vmem>>
    %dma_wait3A_224 = arith.constant 0 : i32
    %dma_wait3A_225 = tpu.memref_slice %arg5[%dma_wait3A_224, %multiple_of3A_75] : memref<32x1000000xf32, #tpu.memory_space<hbm>> -> memref<32x128xf32, #tpu.memory_space<hbm>>
    %dma_wait3A_226 = arith.constant 0 : i32
    %dma_wait3A_227 = arith.constant 0 : i32
    %dma_wait3A_228 = tpu.memref_slice %arg9[%dma_wait3A_218, %dma_wait3A_219, %dma_wait3A_226, %dma_wait3A_227] : memref<2x8x32x128xf32, #tpu.memory_space<vmem>> -> memref<1x1x32x128xf32, #tpu.memory_space<vmem>>
    %dma_wait3A_229 = tpu.memref_squeeze %dma_wait3A_228 : memref<1x1x32x128xf32, #tpu.memory_space<vmem>> -> memref<32x128xf32, #tpu.memory_space<vmem>>
    %dma_wait3A_230 = arith.constant 0 : i32
    %dma_wait3A_231 = tpu.memref_slice %arg5[%dma_wait3A_230, %multiple_of3A_75] : memref<32x1000000xf32, #tpu.memory_space<hbm>> -> memref<32x128xf32, #tpu.memory_space<hbm>>
    tpu.wait_dma2 semaphore(%arg12 : memref<!tpu.dma_semaphore, #tpu.memory_space<semaphore_mem>>) src(%dma_wait3A_231 : memref<32x128xf32, #tpu.memory_space<hbm>>) dst(%dma_wait3A_229 : memref<32x128xf32, #tpu.memory_space<vmem>>)
    %dma_wait3A_232 = arith.constant 0 : i32
    %dma_wait3A_233 = arith.constant 2 : i32
    %dma_wait3A_234 = arith.constant 0 : i32
    %dma_wait3A_235 = arith.constant 0 : i32
    %dma_wait3A_236 = tpu.memref_slice %arg9[%dma_wait3A_232, %dma_wait3A_233, %dma_wait3A_234, %dma_wait3A_235] : memref<2x8x32x128xf32, #tpu.memory_space<vmem>> -> memref<1x1x32x128xf32, #tpu.memory_space<vmem>>
    %dma_wait3A_237 = tpu.memref_squeeze %dma_wait3A_236 : memref<1x1x32x128xf32, #tpu.memory_space<vmem>> -> memref<32x128xf32, #tpu.memory_space<vmem>>
    %dma_wait3A_238 = arith.constant 0 : i32
    %dma_wait3A_239 = tpu.memref_slice %arg4[%dma_wait3A_238, %multiple_of3A_105] : memref<32x1000000xf32, #tpu.memory_space<hbm>> -> memref<32x128xf32, #tpu.memory_space<hbm>>
    %dma_wait3A_240 = arith.constant 0 : i32
    %dma_wait3A_241 = arith.constant 0 : i32
    %dma_wait3A_242 = tpu.memref_slice %arg9[%dma_wait3A_232, %dma_wait3A_233, %dma_wait3A_240, %dma_wait3A_241] : memref<2x8x32x128xf32, #tpu.memory_space<vmem>> -> memref<1x1x32x128xf32, #tpu.memory_space<vmem>>
    %dma_wait3A_243 = tpu.memref_squeeze %dma_wait3A_242 : memref<1x1x32x128xf32, #tpu.memory_space<vmem>> -> memref<32x128xf32, #tpu.memory_space<vmem>>
    %dma_wait3A_244 = arith.constant 0 : i32
    %dma_wait3A_245 = tpu.memref_slice %arg4[%dma_wait3A_244, %multiple_of3A_105] : memref<32x1000000xf32, #tpu.memory_space<hbm>> -> memref<32x128xf32, #tpu.memory_space<hbm>>
    tpu.wait_dma2 semaphore(%arg12 : memref<!tpu.dma_semaphore, #tpu.memory_space<semaphore_mem>>) src(%dma_wait3A_245 : memref<32x128xf32, #tpu.memory_space<hbm>>) dst(%dma_wait3A_243 : memref<32x128xf32, #tpu.memory_space<vmem>>)
    %dma_wait3A_246 = arith.constant 0 : i32
    %dma_wait3A_247 = arith.constant 3 : i32
    %dma_wait3A_248 = arith.constant 0 : i32
    %dma_wait3A_249 = arith.constant 0 : i32
    %dma_wait3A_250 = tpu.memref_slice %arg9[%dma_wait3A_246, %dma_wait3A_247, %dma_wait3A_248, %dma_wait3A_249] : memref<2x8x32x128xf32, #tpu.memory_space<vmem>> -> memref<1x1x32x128xf32, #tpu.memory_space<vmem>>
    %dma_wait3A_251 = tpu.memref_squeeze %dma_wait3A_250 : memref<1x1x32x128xf32, #tpu.memory_space<vmem>> -> memref<32x128xf32, #tpu.memory_space<vmem>>
    %dma_wait3A_252 = arith.constant 0 : i32
    %dma_wait3A_253 = tpu.memref_slice %arg5[%dma_wait3A_252, %multiple_of3A_108] : memref<32x1000000xf32, #tpu.memory_space<hbm>> -> memref<32x128xf32, #tpu.memory_space<hbm>>
    %dma_wait3A_254 = arith.constant 0 : i32
    %dma_wait3A_255 = arith.constant 0 : i32
    %dma_wait3A_256 = tpu.memref_slice %arg9[%dma_wait3A_246, %dma_wait3A_247, %dma_wait3A_254, %dma_wait3A_255] : memref<2x8x32x128xf32, #tpu.memory_space<vmem>> -> memref<1x1x32x128xf32, #tpu.memory_space<vmem>>
    %dma_wait3A_257 = tpu.memref_squeeze %dma_wait3A_256 : memref<1x1x32x128xf32, #tpu.memory_space<vmem>> -> memref<32x128xf32, #tpu.memory_space<vmem>>
    %dma_wait3A_258 = arith.constant 0 : i32
    %dma_wait3A_259 = tpu.memref_slice %arg5[%dma_wait3A_258, %multiple_of3A_108] : memref<32x1000000xf32, #tpu.memory_space<hbm>> -> memref<32x128xf32, #tpu.memory_space<hbm>>
    tpu.wait_dma2 semaphore(%arg12 : memref<!tpu.dma_semaphore, #tpu.memory_space<semaphore_mem>>) src(%dma_wait3A_259 : memref<32x128xf32, #tpu.memory_space<hbm>>) dst(%dma_wait3A_257 : memref<32x128xf32, #tpu.memory_space<vmem>>)
    %dma_wait3A_260 = arith.constant 0 : i32
    %dma_wait3A_261 = arith.constant 4 : i32
    %dma_wait3A_262 = arith.constant 0 : i32
    %dma_wait3A_263 = arith.constant 0 : i32
    %dma_wait3A_264 = tpu.memref_slice %arg9[%dma_wait3A_260, %dma_wait3A_261, %dma_wait3A_262, %dma_wait3A_263] : memref<2x8x32x128xf32, #tpu.memory_space<vmem>> -> memref<1x1x32x128xf32, #tpu.memory_space<vmem>>
    %dma_wait3A_265 = tpu.memref_squeeze %dma_wait3A_264 : memref<1x1x32x128xf32, #tpu.memory_space<vmem>> -> memref<32x128xf32, #tpu.memory_space<vmem>>
    %dma_wait3A_266 = arith.constant 0 : i32
    %dma_wait3A_267 = tpu.memref_slice %arg4[%dma_wait3A_266, %multiple_of3A_139] : memref<32x1000000xf32, #tpu.memory_space<hbm>> -> memref<32x128xf32, #tpu.memory_space<hbm>>
    %dma_wait3A_268 = arith.constant 0 : i32
    %dma_wait3A_269 = arith.constant 0 : i32
    %dma_wait3A_270 = tpu.memref_slice %arg9[%dma_wait3A_260, %dma_wait3A_261, %dma_wait3A_268, %dma_wait3A_269] : memref<2x8x32x128xf32, #tpu.memory_space<vmem>> -> memref<1x1x32x128xf32, #tpu.memory_space<vmem>>
    %dma_wait3A_271 = tpu.memref_squeeze %dma_wait3A_270 : memref<1x1x32x128xf32, #tpu.memory_space<vmem>> -> memref<32x128xf32, #tpu.memory_space<vmem>>
    %dma_wait3A_272 = arith.constant 0 : i32
    %dma_wait3A_273 = tpu.memref_slice %arg4[%dma_wait3A_272, %multiple_of3A_139] : memref<32x1000000xf32, #tpu.memory_space<hbm>> -> memref<32x128xf32, #tpu.memory_space<hbm>>
    tpu.wait_dma2 semaphore(%arg12 : memref<!tpu.dma_semaphore, #tpu.memory_space<semaphore_mem>>) src(%dma_wait3A_273 : memref<32x128xf32, #tpu.memory_space<hbm>>) dst(%dma_wait3A_271 : memref<32x128xf32, #tpu.memory_space<vmem>>)
    %dma_wait3A_274 = arith.constant 0 : i32
    %dma_wait3A_275 = arith.constant 5 : i32
    %dma_wait3A_276 = arith.constant 0 : i32
    %dma_wait3A_277 = arith.constant 0 : i32
    %dma_wait3A_278 = tpu.memref_slice %arg9[%dma_wait3A_274, %dma_wait3A_275, %dma_wait3A_276, %dma_wait3A_277] : memref<2x8x32x128xf32, #tpu.memory_space<vmem>> -> memref<1x1x32x128xf32, #tpu.memory_space<vmem>>
    %dma_wait3A_279 = tpu.memref_squeeze %dma_wait3A_278 : memref<1x1x32x128xf32, #tpu.memory_space<vmem>> -> memref<32x128xf32, #tpu.memory_space<vmem>>
    %dma_wait3A_280 = arith.constant 0 : i32
    %dma_wait3A_281 = tpu.memref_slice %arg5[%dma_wait3A_280, %multiple_of3A_142] : memref<32x1000000xf32, #tpu.memory_space<hbm>> -> memref<32x128xf32, #tpu.memory_space<hbm>>
    %dma_wait3A_282 = arith.constant 0 : i32
    %dma_wait3A_283 = arith.constant 0 : i32
    %dma_wait3A_284 = tpu.memref_slice %arg9[%dma_wait3A_274, %dma_wait3A_275, %dma_wait3A_282, %dma_wait3A_283] : memref<2x8x32x128xf32, #tpu.memory_space<vmem>> -> memref<1x1x32x128xf32, #tpu.memory_space<vmem>>
    %dma_wait3A_285 = tpu.memref_squeeze %dma_wait3A_284 : memref<1x1x32x128xf32, #tpu.memory_space<vmem>> -> memref<32x128xf32, #tpu.memory_space<vmem>>
    %dma_wait3A_286 = arith.constant 0 : i32
    %dma_wait3A_287 = tpu.memref_slice %arg5[%dma_wait3A_286, %multiple_of3A_142] : memref<32x1000000xf32, #tpu.memory_space<hbm>> -> memref<32x128xf32, #tpu.memory_space<hbm>>
    tpu.wait_dma2 semaphore(%arg12 : memref<!tpu.dma_semaphore, #tpu.memory_space<semaphore_mem>>) src(%dma_wait3A_287 : memref<32x128xf32, #tpu.memory_space<hbm>>) dst(%dma_wait3A_285 : memref<32x128xf32, #tpu.memory_space<vmem>>)
    %dma_wait3A_288 = arith.constant 0 : i32
    %dma_wait3A_289 = arith.constant 6 : i32
    %dma_wait3A_290 = arith.constant 0 : i32
    %dma_wait3A_291 = arith.constant 0 : i32
    %dma_wait3A_292 = tpu.memref_slice %arg9[%dma_wait3A_288, %dma_wait3A_289, %dma_wait3A_290, %dma_wait3A_291] : memref<2x8x32x128xf32, #tpu.memory_space<vmem>> -> memref<1x1x32x128xf32, #tpu.memory_space<vmem>>
    %dma_wait3A_293 = tpu.memref_squeeze %dma_wait3A_292 : memref<1x1x32x128xf32, #tpu.memory_space<vmem>> -> memref<32x128xf32, #tpu.memory_space<vmem>>
    %dma_wait3A_294 = arith.constant 0 : i32
    %dma_wait3A_295 = tpu.memref_slice %arg4[%dma_wait3A_294, %multiple_of3A_173] : memref<32x1000000xf32, #tpu.memory_space<hbm>> -> memref<32x128xf32, #tpu.memory_space<hbm>>
    %dma_wait3A_296 = arith.constant 0 : i32
    %dma_wait3A_297 = arith.constant 0 : i32
    %dma_wait3A_298 = tpu.memref_slice %arg9[%dma_wait3A_288, %dma_wait3A_289, %dma_wait3A_296, %dma_wait3A_297] : memref<2x8x32x128xf32, #tpu.memory_space<vmem>> -> memref<1x1x32x128xf32, #tpu.memory_space<vmem>>
    %dma_wait3A_299 = tpu.memref_squeeze %dma_wait3A_298 : memref<1x1x32x128xf32, #tpu.memory_space<vmem>> -> memref<32x128xf32, #tpu.memory_space<vmem>>
    %dma_wait3A_300 = arith.constant 0 : i32
    %dma_wait3A_301 = tpu.memref_slice %arg4[%dma_wait3A_300, %multiple_of3A_173] : memref<32x1000000xf32, #tpu.memory_space<hbm>> -> memref<32x128xf32, #tpu.memory_space<hbm>>
    tpu.wait_dma2 semaphore(%arg12 : memref<!tpu.dma_semaphore, #tpu.memory_space<semaphore_mem>>) src(%dma_wait3A_301 : memref<32x128xf32, #tpu.memory_space<hbm>>) dst(%dma_wait3A_299 : memref<32x128xf32, #tpu.memory_space<vmem>>)
    %dma_wait3A_302 = arith.constant 0 : i32
    %dma_wait3A_303 = arith.constant 7 : i32
    %dma_wait3A_304 = arith.constant 0 : i32
    %dma_wait3A_305 = arith.constant 0 : i32
    %dma_wait3A_306 = tpu.memref_slice %arg9[%dma_wait3A_302, %dma_wait3A_303, %dma_wait3A_304, %dma_wait3A_305] : memref<2x8x32x128xf32, #tpu.memory_space<vmem>> -> memref<1x1x32x128xf32, #tpu.memory_space<vmem>>
    %dma_wait3A_307 = tpu.memref_squeeze %dma_wait3A_306 : memref<1x1x32x128xf32, #tpu.memory_space<vmem>> -> memref<32x128xf32, #tpu.memory_space<vmem>>
    %dma_wait3A_308 = arith.constant 0 : i32
    %dma_wait3A_309 = tpu.memref_slice %arg5[%dma_wait3A_308, %multiple_of3A_176] : memref<32x1000000xf32, #tpu.memory_space<hbm>> -> memref<32x128xf32, #tpu.memory_space<hbm>>
    %dma_wait3A_310 = arith.constant 0 : i32
    %dma_wait3A_311 = arith.constant 0 : i32
    %dma_wait3A_312 = tpu.memref_slice %arg9[%dma_wait3A_302, %dma_wait3A_303, %dma_wait3A_310, %dma_wait3A_311] : memref<2x8x32x128xf32, #tpu.memory_space<vmem>> -> memref<1x1x32x128xf32, #tpu.memory_space<vmem>>
    %dma_wait3A_313 = tpu.memref_squeeze %dma_wait3A_312 : memref<1x1x32x128xf32, #tpu.memory_space<vmem>> -> memref<32x128xf32, #tpu.memory_space<vmem>>
    %dma_wait3A_314 = arith.constant 0 : i32
    %dma_wait3A_315 = tpu.memref_slice %arg5[%dma_wait3A_314, %multiple_of3A_176] : memref<32x1000000xf32, #tpu.memory_space<hbm>> -> memref<32x128xf32, #tpu.memory_space<hbm>>
    tpu.wait_dma2 semaphore(%arg12 : memref<!tpu.dma_semaphore, #tpu.memory_space<semaphore_mem>>) src(%dma_wait3A_315 : memref<32x128xf32, #tpu.memory_space<hbm>>) dst(%dma_wait3A_313 : memref<32x128xf32, #tpu.memory_space<vmem>>)
    %scan3A = arith.constant 0 : i32
    %scan3A_316 = arith.constant 0 : i32
    %scan3A_317 = arith.constant 64 : i32
    %scan3A_318 = arith.addi %scan3A_316, %scan3A_317 : i32
    %scan3A_319 = arith.constant 1 : i32
    scf.for %scan3A_327 = %scan3A_316 to %scan3A_318 step %scan3A_319  : i32 {
      %mul3A_328 = arith.constant 2 : i32
      %mul3A_329 = arith.muli %mul3A_328, %scan3A_327 : i32
      %add3A_330 = arith.constant 1 : i32
      %add3A_331 = arith.addi %mul3A_329, %add3A_330 : i32
      %add3A_332 = arith.constant 2 : i32
      %add3A_333 = arith.addi %mul3A_329, %add3A_332 : i32
      %min3A = arith.constant 127 : i32
      %min3A_334 = arith.minsi %add3A_333, %min3A : i32
      %mul3A_335 = arith.constant 4 : i32
      %mul3A_336 = arith.muli %add3A_331, %mul3A_335 : i32
      %get3A_337 = arith.index_cast %mul3A_336 : i32 to index
      %get3A_338 = tpu.vector_load %arg7[%get3A_337] {strides = array<i32>} : memref<528xi32, #tpu.memory_space<vmem>>, vector<16xi32>,
      %mul3A_339 = arith.constant 4 : i32
      %mul3A_340 = arith.muli %add3A_331, %mul3A_339 : i32
      %get3A_341 = arith.index_cast %mul3A_340 : i32 to index
      %get3A_342 = tpu.vector_load %arg8[%get3A_341] {strides = array<i32>} : memref<528xi32, #tpu.memory_space<vmem>>, vector<16xi32>,
      %jit3A_343 = arith.constant 128 : i32
      %div3A_344 = vector.broadcast %jit3A_343 : i32 to vector<16xi32>
      %div3A_345 = arith.divsi %get3A_338, %div3A_344 : vector<16xi32>
      %sign3A_346 = arith.constant 0 : i32
      %sign3A_347 = vector.broadcast %sign3A_346 : i32 to vector<16xi32>
      %sign3A_348 = arith.cmpi sgt, %get3A_338, %sign3A_347 : vector<16xi32>
      %sign3A_349 = arith.extui %sign3A_348 : vector<16xi1> to vector<16xi32>
      %sign3A_350 = arith.constant 0 : i32
      %sign3A_351 = vector.broadcast %sign3A_350 : i32 to vector<16xi32>
      %sign3A_352 = arith.cmpi slt, %get3A_338, %sign3A_351 : vector<16xi32>
      %sign3A_353 = arith.extui %sign3A_352 : vector<16xi1> to vector<16xi32>
      %sign3A_354 = arith.subi %sign3A_349, %sign3A_353 : vector<16xi32>
      %sign3A_355 = arith.constant 0 : i32
      %sign3A_356 = arith.cmpi sgt, %jit3A_343, %sign3A_355 : i32
      %sign3A_357 = arith.extui %sign3A_356 : i1 to i32
      %sign3A_358 = arith.constant 0 : i32
      %sign3A_359 = arith.cmpi slt, %jit3A_343, %sign3A_358 : i32
      %sign3A_360 = arith.extui %sign3A_359 : i1 to i32
      %sign3A_361 = arith.subi %sign3A_357, %sign3A_360 : i32
      %ne3A_362 = vector.broadcast %sign3A_361 : i32 to vector<16xi32>
      %ne3A_363 = arith.cmpi ne, %sign3A_354, %ne3A_362 : vector<16xi32>
      %rem3A_364 = vector.broadcast %jit3A_343 : i32 to vector<16xi32>
      %rem3A_365 = arith.remsi %get3A_338, %rem3A_364 : vector<16xi32>
      %ne3A_366 = arith.constant 0 : i32
      %ne3A_367 = vector.broadcast %ne3A_366 : i32 to vector<16xi32>
      %ne3A_368 = arith.cmpi ne, %rem3A_365, %ne3A_367 : vector<16xi32>
      %and3A_369 = arith.andi %ne3A_363, %ne3A_368 : vector<16xi1>
      %sub3A_370 = arith.constant 1 : i32
      %sub3A_371 = vector.broadcast %sub3A_370 : i32 to vector<16xi32>
      %sub3A_372 = arith.subi %div3A_345, %sub3A_371 : vector<16xi32>
      %select_n3A_373 = arith.select %and3A_369, %sub3A_372, %div3A_345 : vector<16xi1>, vector<16xi32>
      %mul3A_374 = arith.constant 128 : i32
      %mul3A_375 = vector.broadcast %mul3A_374 : i32 to vector<16xi32>
      %mul3A_376 = arith.muli %select_n3A_373, %mul3A_375 : vector<16xi32>
      %jit3A_377 = arith.constant 128 : i32
      %div3A_378 = vector.broadcast %jit3A_377 : i32 to vector<16xi32>
      %div3A_379 = arith.divsi %get3A_342, %div3A_378 : vector<16xi32>
      %sign3A_380 = arith.constant 0 : i32
      %sign3A_381 = vector.broadcast %sign3A_380 : i32 to vector<16xi32>
      %sign3A_382 = arith.cmpi sgt, %get3A_342, %sign3A_381 : vector<16xi32>
      %sign3A_383 = arith.extui %sign3A_382 : vector<16xi1> to vector<16xi32>
      %sign3A_384 = arith.constant 0 : i32
      %sign3A_385 = vector.broadcast %sign3A_384 : i32 to vector<16xi32>
      %sign3A_386 = arith.cmpi slt, %get3A_342, %sign3A_385 : vector<16xi32>
      %sign3A_387 = arith.extui %sign3A_386 : vector<16xi1> to vector<16xi32>
      %sign3A_388 = arith.subi %sign3A_383, %sign3A_387 : vector<16xi32>
      %sign3A_389 = arith.constant 0 : i32
      %sign3A_390 = arith.cmpi sgt, %jit3A_377, %sign3A_389 : i32
      %sign3A_391 = arith.extui %sign3A_390 : i1 to i32
      %sign3A_392 = arith.constant 0 : i32
      %sign3A_393 = arith.cmpi slt, %jit3A_377, %sign3A_392 : i32
      %sign3A_394 = arith.extui %sign3A_393 : i1 to i32
      %sign3A_395 = arith.subi %sign3A_391, %sign3A_394 : i32
      %ne3A_396 = vector.broadcast %sign3A_395 : i32 to vector<16xi32>
      %ne3A_397 = arith.cmpi ne, %sign3A_388, %ne3A_396 : vector<16xi32>
      %rem3A_398 = vector.broadcast %jit3A_377 : i32 to vector<16xi32>
      %rem3A_399 = arith.remsi %get3A_342, %rem3A_398 : vector<16xi32>
      %ne3A_400 = arith.constant 0 : i32
      %ne3A_401 = vector.broadcast %ne3A_400 : i32 to vector<16xi32>
      %ne3A_402 = arith.cmpi ne, %rem3A_399, %ne3A_401 : vector<16xi32>
      %and3A_403 = arith.andi %ne3A_397, %ne3A_402 : vector<16xi1>
      %sub3A_404 = arith.constant 1 : i32
      %sub3A_405 = vector.broadcast %sub3A_404 : i32 to vector<16xi32>
      %sub3A_406 = arith.subi %div3A_379, %sub3A_405 : vector<16xi32>
      %select_n3A_407 = arith.select %and3A_403, %sub3A_406, %div3A_379 : vector<16xi1>, vector<16xi32>
      %mul3A_408 = arith.constant 128 : i32
      %mul3A_409 = vector.broadcast %mul3A_408 : i32 to vector<16xi32>
      %mul3A_410 = arith.muli %select_n3A_407, %mul3A_409 : vector<16xi32>
      %slice3A_411 = vector.extract_strided_slice %mul3A_376 {offsets = [0], sizes = [1], strides = [1]} : vector<16xi32> to vector<1xi32>
      %squeeze3A_412 = vector.extract %slice3A_411[0] : i32 from vector<1xi32>
      %multiple_of3A_413 = tpu.assume_multiple %squeeze3A_412, 128 : i32
      %slice3A_414 = vector.extract_strided_slice %mul3A_410 {offsets = [0], sizes = [1], strides = [1]} : vector<16xi32> to vector<1xi32>
      %squeeze3A_415 = vector.extract %slice3A_414[0] : i32 from vector<1xi32>
      %multiple_of3A_416 = tpu.assume_multiple %squeeze3A_415, 128 : i32
      %dma_start3A_417 = arith.constant 1 : i32
      %dma_start3A_418 = arith.constant 0 : i32
      %dma_start3A_419 = arith.constant 0 : i32
      %dma_start3A_420 = arith.constant 0 : i32
      %dma_start3A_421 = tpu.memref_slice %arg9[%dma_start3A_417, %dma_start3A_418, %dma_start3A_419, %dma_start3A_420] : memref<2x8x32x128xf32, #tpu.memory_space<vmem>> -> memref<1x1x32x128xf32, #tpu.memory_space<vmem>>
      %dma_start3A_422 = tpu.memref_squeeze %dma_start3A_421 : memref<1x1x32x128xf32, #tpu.memory_space<vmem>> -> memref<32x128xf32, #tpu.memory_space<vmem>>
      %dma_start3A_423 = arith.constant 0 : i32
      %dma_start3A_424 = tpu.memref_slice %arg4[%dma_start3A_423, %multiple_of3A_413] : memref<32x1000000xf32, #tpu.memory_space<hbm>> -> memref<32x128xf32, #tpu.memory_space<hbm>>
      %dma_start3A_425 = arith.constant 0 : i32
      %dma_start3A_426 = arith.constant 0 : i32
      %dma_start3A_427 = tpu.memref_slice %arg9[%dma_start3A_417, %dma_start3A_418, %dma_start3A_425, %dma_start3A_426] : memref<2x8x32x128xf32, #tpu.memory_space<vmem>> -> memref<1x1x32x128xf32, #tpu.memory_space<vmem>>
      %dma_start3A_428 = tpu.memref_squeeze %dma_start3A_427 : memref<1x1x32x128xf32, #tpu.memory_space<vmem>> -> memref<32x128xf32, #tpu.memory_space<vmem>>
      %dma_start3A_429 = arith.constant 0 : i32
      %dma_start3A_430 = tpu.memref_slice %arg4[%dma_start3A_429, %multiple_of3A_413] : memref<32x1000000xf32, #tpu.memory_space<hbm>> -> memref<32x128xf32, #tpu.memory_space<hbm>>
      tpu.enqueue_dma source(%dma_start3A_430 : memref<32x128xf32, #tpu.memory_space<hbm>>) target(%dma_start3A_428 : memref<32x128xf32, #tpu.memory_space<vmem>>) target_semaphore(%arg13 : memref<!tpu.dma_semaphore, #tpu.memory_space<semaphore_mem>>)
      %dma_start3A_431 = arith.constant 1 : i32
      %dma_start3A_432 = arith.constant 1 : i32
      %dma_start3A_433 = arith.constant 0 : i32
      %dma_start3A_434 = arith.constant 0 : i32
      %dma_start3A_435 = tpu.memref_slice %arg9[%dma_start3A_431, %dma_start3A_432, %dma_start3A_433, %dma_start3A_434] : memref<2x8x32x128xf32, #tpu.memory_space<vmem>> -> memref<1x1x32x128xf32, #tpu.memory_space<vmem>>
      %dma_start3A_436 = tpu.memref_squeeze %dma_start3A_435 : memref<1x1x32x128xf32, #tpu.memory_space<vmem>> -> memref<32x128xf32, #tpu.memory_space<vmem>>
      %dma_start3A_437 = arith.constant 0 : i32
      %dma_start3A_438 = tpu.memref_slice %arg5[%dma_start3A_437, %multiple_of3A_416] : memref<32x1000000xf32, #tpu.memory_space<hbm>> -> memref<32x128xf32, #tpu.memory_space<hbm>>
      %dma_start3A_439 = arith.constant 0 : i32
      %dma_start3A_440 = arith.constant 0 : i32
      %dma_start3A_441 = tpu.memref_slice %arg9[%dma_start3A_431, %dma_start3A_432, %dma_start3A_439, %dma_start3A_440] : memref<2x8x32x128xf32, #tpu.memory_space<vmem>> -> memref<1x1x32x128xf32, #tpu.memory_space<vmem>>
      %dma_start3A_442 = tpu.memref_squeeze %dma_start3A_441 : memref<1x1x32x128xf32, #tpu.memory_space<vmem>> -> memref<32x128xf32, #tpu.memory_space<vmem>>
      %dma_start3A_443 = arith.constant 0 : i32
      %dma_start3A_444 = tpu.memref_slice %arg5[%dma_start3A_443, %multiple_of3A_416] : memref<32x1000000xf32, #tpu.memory_space<hbm>> -> memref<32x128xf32, #tpu.memory_space<hbm>>
      tpu.enqueue_dma source(%dma_start3A_444 : memref<32x128xf32, #tpu.memory_space<hbm>>) target(%dma_start3A_442 : memref<32x128xf32, #tpu.memory_space<vmem>>) target_semaphore(%arg13 : memref<!tpu.dma_semaphore, #tpu.memory_space<semaphore_mem>>)
      %slice3A_445 = vector.extract_strided_slice %mul3A_376 {offsets = [1], sizes = [1], strides = [1]} : vector<16xi32> to vector<1xi32>
      %squeeze3A_446 = vector.extract %slice3A_445[0] : i32 from vector<1xi32>
      %multiple_of3A_447 = tpu.assume_multiple %squeeze3A_446, 128 : i32
      %slice3A_448 = vector.extract_strided_slice %mul3A_410 {offsets = [1], sizes = [1], strides = [1]} : vector<16xi32> to vector<1xi32>
      %squeeze3A_449 = vector.extract %slice3A_448[0] : i32 from vector<1xi32>
      %multiple_of3A_450 = tpu.assume_multiple %squeeze3A_449, 128 : i32
      %dma_start3A_451 = arith.constant 1 : i32
      %dma_start3A_452 = arith.constant 2 : i32
      %dma_start3A_453 = arith.constant 0 : i32
      %dma_start3A_454 = arith.constant 0 : i32
      %dma_start3A_455 = tpu.memref_slice %arg9[%dma_start3A_451, %dma_start3A_452, %dma_start3A_453, %dma_start3A_454] : memref<2x8x32x128xf32, #tpu.memory_space<vmem>> -> memref<1x1x32x128xf32, #tpu.memory_space<vmem>>
      %dma_start3A_456 = tpu.memref_squeeze %dma_start3A_455 : memref<1x1x32x128xf32, #tpu.memory_space<vmem>> -> memref<32x128xf32, #tpu.memory_space<vmem>>
      %dma_start3A_457 = arith.constant 0 : i32
      %dma_start3A_458 = tpu.memref_slice %arg4[%dma_start3A_457, %multiple_of3A_447] : memref<32x1000000xf32, #tpu.memory_space<hbm>> -> memref<32x128xf32, #tpu.memory_space<hbm>>
      %dma_start3A_459 = arith.constant 0 : i32
      %dma_start3A_460 = arith.constant 0 : i32
      %dma_start3A_461 = tpu.memref_slice %arg9[%dma_start3A_451, %dma_start3A_452, %dma_start3A_459, %dma_start3A_460] : memref<2x8x32x128xf32, #tpu.memory_space<vmem>> -> memref<1x1x32x128xf32, #tpu.memory_space<vmem>>
      %dma_start3A_462 = tpu.memref_squeeze %dma_start3A_461 : memref<1x1x32x128xf32, #tpu.memory_space<vmem>> -> memref<32x128xf32, #tpu.memory_space<vmem>>
      %dma_start3A_463 = arith.constant 0 : i32
      %dma_start3A_464 = tpu.memref_slice %arg4[%dma_start3A_463, %multiple_of3A_447] : memref<32x1000000xf32, #tpu.memory_space<hbm>> -> memref<32x128xf32, #tpu.memory_space<hbm>>
      tpu.enqueue_dma source(%dma_start3A_464 : memref<32x128xf32, #tpu.memory_space<hbm>>) target(%dma_start3A_462 : memref<32x128xf32, #tpu.memory_space<vmem>>) target_semaphore(%arg13 : memref<!tpu.dma_semaphore, #tpu.memory_space<semaphore_mem>>)
      %dma_start3A_465 = arith.constant 1 : i32
      %dma_start3A_466 = arith.constant 3 : i32
      %dma_start3A_467 = arith.constant 0 : i32
      %dma_start3A_468 = arith.constant 0 : i32
      %dma_start3A_469 = tpu.memref_slice %arg9[%dma_start3A_465, %dma_start3A_466, %dma_start3A_467, %dma_start3A_468] : memref<2x8x32x128xf32, #tpu.memory_space<vmem>> -> memref<1x1x32x128xf32, #tpu.memory_space<vmem>>
      %dma_start3A_470 = tpu.memref_squeeze %dma_start3A_469 : memref<1x1x32x128xf32, #tpu.memory_space<vmem>> -> memref<32x128xf32, #tpu.memory_space<vmem>>
      %dma_start3A_471 = arith.constant 0 : i32
      %dma_start3A_472 = tpu.memref_slice %arg5[%dma_start3A_471, %multiple_of3A_450] : memref<32x1000000xf32, #tpu.memory_space<hbm>> -> memref<32x128xf32, #tpu.memory_space<hbm>>
      %dma_start3A_473 = arith.constant 0 : i32
      %dma_start3A_474 = arith.constant 0 : i32
      %dma_start3A_475 = tpu.memref_slice %arg9[%dma_start3A_465, %dma_start3A_466, %dma_start3A_473, %dma_start3A_474] : memref<2x8x32x128xf32, #tpu.memory_space<vmem>> -> memref<1x1x32x128xf32, #tpu.memory_space<vmem>>
      %dma_start3A_476 = tpu.memref_squeeze %dma_start3A_475 : memref<1x1x32x128xf32, #tpu.memory_space<vmem>> -> memref<32x128xf32, #tpu.memory_space<vmem>>
      %dma_start3A_477 = arith.constant 0 : i32
      %dma_start3A_478 = tpu.memref_slice %arg5[%dma_start3A_477, %multiple_of3A_450] : memref<32x1000000xf32, #tpu.memory_space<hbm>> -> memref<32x128xf32, #tpu.memory_space<hbm>>
      tpu.enqueue_dma source(%dma_start3A_478 : memref<32x128xf32, #tpu.memory_space<hbm>>) target(%dma_start3A_476 : memref<32x128xf32, #tpu.memory_space<vmem>>) target_semaphore(%arg13 : memref<!tpu.dma_semaphore, #tpu.memory_space<semaphore_mem>>)
      %slice3A_479 = vector.extract_strided_slice %mul3A_376 {offsets = [2], sizes = [1], strides = [1]} : vector<16xi32> to vector<1xi32>
      %squeeze3A_480 = vector.extract %slice3A_479[0] : i32 from vector<1xi32>
      %multiple_of3A_481 = tpu.assume_multiple %squeeze3A_480, 128 : i32
      %slice3A_482 = vector.extract_strided_slice %mul3A_410 {offsets = [2], sizes = [1], strides = [1]} : vector<16xi32> to vector<1xi32>
      %squeeze3A_483 = vector.extract %slice3A_482[0] : i32 from vector<1xi32>
      %multiple_of3A_484 = tpu.assume_multiple %squeeze3A_483, 128 : i32
      %dma_start3A_485 = arith.constant 1 : i32
      %dma_start3A_486 = arith.constant 4 : i32
      %dma_start3A_487 = arith.constant 0 : i32
      %dma_start3A_488 = arith.constant 0 : i32
      %dma_start3A_489 = tpu.memref_slice %arg9[%dma_start3A_485, %dma_start3A_486, %dma_start3A_487, %dma_start3A_488] : memref<2x8x32x128xf32, #tpu.memory_space<vmem>> -> memref<1x1x32x128xf32, #tpu.memory_space<vmem>>
      %dma_start3A_490 = tpu.memref_squeeze %dma_start3A_489 : memref<1x1x32x128xf32, #tpu.memory_space<vmem>> -> memref<32x128xf32, #tpu.memory_space<vmem>>
      %dma_start3A_491 = arith.constant 0 : i32
      %dma_start3A_492 = tpu.memref_slice %arg4[%dma_start3A_491, %multiple_of3A_481] : memref<32x1000000xf32, #tpu.memory_space<hbm>> -> memref<32x128xf32, #tpu.memory_space<hbm>>
      %dma_start3A_493 = arith.constant 0 : i32
      %dma_start3A_494 = arith.constant 0 : i32
      %dma_start3A_495 = tpu.memref_slice %arg9[%dma_start3A_485, %dma_start3A_486, %dma_start3A_493, %dma_start3A_494] : memref<2x8x32x128xf32, #tpu.memory_space<vmem>> -> memref<1x1x32x128xf32, #tpu.memory_space<vmem>>
      %dma_start3A_496 = tpu.memref_squeeze %dma_start3A_495 : memref<1x1x32x128xf32, #tpu.memory_space<vmem>> -> memref<32x128xf32, #tpu.memory_space<vmem>>
      %dma_start3A_497 = arith.constant 0 : i32
      %dma_start3A_498 = tpu.memref_slice %arg4[%dma_start3A_497, %multiple_of3A_481] : memref<32x1000000xf32, #tpu.memory_space<hbm>> -> memref<32x128xf32, #tpu.memory_space<hbm>>
      tpu.enqueue_dma source(%dma_start3A_498 : memref<32x128xf32, #tpu.memory_space<hbm>>) target(%dma_start3A_496 : memref<32x128xf32, #tpu.memory_space<vmem>>) target_semaphore(%arg13 : memref<!tpu.dma_semaphore, #tpu.memory_space<semaphore_mem>>)
      %dma_start3A_499 = arith.constant 1 : i32
      %dma_start3A_500 = arith.constant 5 : i32
      %dma_start3A_501 = arith.constant 0 : i32
      %dma_start3A_502 = arith.constant 0 : i32
      %dma_start3A_503 = tpu.memref_slice %arg9[%dma_start3A_499, %dma_start3A_500, %dma_start3A_501, %dma_start3A_502] : memref<2x8x32x128xf32, #tpu.memory_space<vmem>> -> memref<1x1x32x128xf32, #tpu.memory_space<vmem>>
      %dma_start3A_504 = tpu.memref_squeeze %dma_start3A_503 : memref<1x1x32x128xf32, #tpu.memory_space<vmem>> -> memref<32x128xf32, #tpu.memory_space<vmem>>
      %dma_start3A_505 = arith.constant 0 : i32
      %dma_start3A_506 = tpu.memref_slice %arg5[%dma_start3A_505, %multiple_of3A_484] : memref<32x1000000xf32, #tpu.memory_space<hbm>> -> memref<32x128xf32, #tpu.memory_space<hbm>>
      %dma_start3A_507 = arith.constant 0 : i32
      %dma_start3A_508 = arith.constant 0 : i32
      %dma_start3A_509 = tpu.memref_slice %arg9[%dma_start3A_499, %dma_start3A_500, %dma_start3A_507, %dma_start3A_508] : memref<2x8x32x128xf32, #tpu.memory_space<vmem>> -> memref<1x1x32x128xf32, #tpu.memory_space<vmem>>
      %dma_start3A_510 = tpu.memref_squeeze %dma_start3A_509 : memref<1x1x32x128xf32, #tpu.memory_space<vmem>> -> memref<32x128xf32, #tpu.memory_space<vmem>>
      %dma_start3A_511 = arith.constant 0 : i32
      %dma_start3A_512 = tpu.memref_slice %arg5[%dma_start3A_511, %multiple_of3A_484] : memref<32x1000000xf32, #tpu.memory_space<hbm>> -> memref<32x128xf32, #tpu.memory_space<hbm>>
      tpu.enqueue_dma source(%dma_start3A_512 : memref<32x128xf32, #tpu.memory_space<hbm>>) target(%dma_start3A_510 : memref<32x128xf32, #tpu.memory_space<vmem>>) target_semaphore(%arg13 : memref<!tpu.dma_semaphore, #tpu.memory_space<semaphore_mem>>)
      %slice3A_513 = vector.extract_strided_slice %mul3A_376 {offsets = [3], sizes = [1], strides = [1]} : vector<16xi32> to vector<1xi32>
      %squeeze3A_514 = vector.extract %slice3A_513[0] : i32 from vector<1xi32>
      %multiple_of3A_515 = tpu.assume_multiple %squeeze3A_514, 128 : i32
      %slice3A_516 = vector.extract_strided_slice %mul3A_410 {offsets = [3], sizes = [1], strides = [1]} : vector<16xi32> to vector<1xi32>
      %squeeze3A_517 = vector.extract %slice3A_516[0] : i32 from vector<1xi32>
      %multiple_of3A_518 = tpu.assume_multiple %squeeze3A_517, 128 : i32
      %dma_start3A_519 = arith.constant 1 : i32
      %dma_start3A_520 = arith.constant 6 : i32
      %dma_start3A_521 = arith.constant 0 : i32
      %dma_start3A_522 = arith.constant 0 : i32
      %dma_start3A_523 = tpu.memref_slice %arg9[%dma_start3A_519, %dma_start3A_520, %dma_start3A_521, %dma_start3A_522] : memref<2x8x32x128xf32, #tpu.memory_space<vmem>> -> memref<1x1x32x128xf32, #tpu.memory_space<vmem>>
      %dma_start3A_524 = tpu.memref_squeeze %dma_start3A_523 : memref<1x1x32x128xf32, #tpu.memory_space<vmem>> -> memref<32x128xf32, #tpu.memory_space<vmem>>
      %dma_start3A_525 = arith.constant 0 : i32
      %dma_start3A_526 = tpu.memref_slice %arg4[%dma_start3A_525, %multiple_of3A_515] : memref<32x1000000xf32, #tpu.memory_space<hbm>> -> memref<32x128xf32, #tpu.memory_space<hbm>>
      %dma_start3A_527 = arith.constant 0 : i32
      %dma_start3A_528 = arith.constant 0 : i32
      %dma_start3A_529 = tpu.memref_slice %arg9[%dma_start3A_519, %dma_start3A_520, %dma_start3A_527, %dma_start3A_528] : memref<2x8x32x128xf32, #tpu.memory_space<vmem>> -> memref<1x1x32x128xf32, #tpu.memory_space<vmem>>
      %dma_start3A_530 = tpu.memref_squeeze %dma_start3A_529 : memref<1x1x32x128xf32, #tpu.memory_space<vmem>> -> memref<32x128xf32, #tpu.memory_space<vmem>>
      %dma_start3A_531 = arith.constant 0 : i32
      %dma_start3A_532 = tpu.memref_slice %arg4[%dma_start3A_531, %multiple_of3A_515] : memref<32x1000000xf32, #tpu.memory_space<hbm>> -> memref<32x128xf32, #tpu.memory_space<hbm>>
      tpu.enqueue_dma source(%dma_start3A_532 : memref<32x128xf32, #tpu.memory_space<hbm>>) target(%dma_start3A_530 : memref<32x128xf32, #tpu.memory_space<vmem>>) target_semaphore(%arg13 : memref<!tpu.dma_semaphore, #tpu.memory_space<semaphore_mem>>)
      %dma_start3A_533 = arith.constant 1 : i32
      %dma_start3A_534 = arith.constant 7 : i32
      %dma_start3A_535 = arith.constant 0 : i32
      %dma_start3A_536 = arith.constant 0 : i32
      %dma_start3A_537 = tpu.memref_slice %arg9[%dma_start3A_533, %dma_start3A_534, %dma_start3A_535, %dma_start3A_536] : memref<2x8x32x128xf32, #tpu.memory_space<vmem>> -> memref<1x1x32x128xf32, #tpu.memory_space<vmem>>
      %dma_start3A_538 = tpu.memref_squeeze %dma_start3A_537 : memref<1x1x32x128xf32, #tpu.memory_space<vmem>> -> memref<32x128xf32, #tpu.memory_space<vmem>>
      %dma_start3A_539 = arith.constant 0 : i32
      %dma_start3A_540 = tpu.memref_slice %arg5[%dma_start3A_539, %multiple_of3A_518] : memref<32x1000000xf32, #tpu.memory_space<hbm>> -> memref<32x128xf32, #tpu.memory_space<hbm>>
      %dma_start3A_541 = arith.constant 0 : i32
      %dma_start3A_542 = arith.constant 0 : i32
      %dma_start3A_543 = tpu.memref_slice %arg9[%dma_start3A_533, %dma_start3A_534, %dma_start3A_541, %dma_start3A_542] : memref<2x8x32x128xf32, #tpu.memory_space<vmem>> -> memref<1x1x32x128xf32, #tpu.memory_space<vmem>>
      %dma_start3A_544 = tpu.memref_squeeze %dma_start3A_543 : memref<1x1x32x128xf32, #tpu.memory_space<vmem>> -> memref<32x128xf32, #tpu.memory_space<vmem>>
      %dma_start3A_545 = arith.constant 0 : i32
      %dma_start3A_546 = tpu.memref_slice %arg5[%dma_start3A_545, %multiple_of3A_518] : memref<32x1000000xf32, #tpu.memory_space<hbm>> -> memref<32x128xf32, #tpu.memory_space<hbm>>
      tpu.enqueue_dma source(%dma_start3A_546 : memref<32x128xf32, #tpu.memory_space<hbm>>) target(%dma_start3A_544 : memref<32x128xf32, #tpu.memory_space<vmem>>) target_semaphore(%arg13 : memref<!tpu.dma_semaphore, #tpu.memory_space<semaphore_mem>>)
      %mul3A_547 = arith.constant 4 : i32
      %mul3A_548 = arith.muli %mul3A_329, %mul3A_547 : i32
      %get3A_549 = arith.index_cast %mul3A_548 : i32 to index
      %get3A_550 = tpu.vector_load %arg7[%get3A_549] {strides = array<i32>} : memref<528xi32, #tpu.memory_space<vmem>>, vector<16xi32>,
      %mul3A_551 = arith.constant 4 : i32
      %mul3A_552 = arith.muli %mul3A_329, %mul3A_551 : i32
      %get3A_553 = arith.index_cast %mul3A_552 : i32 to index
      %get3A_554 = tpu.vector_load %arg8[%get3A_553] {strides = array<i32>} : memref<528xi32, #tpu.memory_space<vmem>>, vector<16xi32>,
      %jit3A_555 = arith.constant 128 : i32
      %eq3A = arith.constant 0 : i32
      %eq3A_556 = arith.cmpi eq, %jit3A_555, %eq3A : i32
      %jit3A_557 = arith.constant 1 : i32
      %select_n3A_558 = arith.select %eq3A_556, %jit3A_557, %jit3A_555 : i32
      %rem3A_559 = vector.broadcast %select_n3A_558 : i32 to vector<16xi32>
      %rem3A_560 = arith.remsi %get3A_550, %rem3A_559 : vector<16xi32>
      %ne3A_561 = arith.constant 0 : i32
      %ne3A_562 = vector.broadcast %ne3A_561 : i32 to vector<16xi32>
      %ne3A_563 = arith.cmpi ne, %rem3A_560, %ne3A_562 : vector<16xi32>
      %lt3A = arith.constant 0 : i32
      %lt3A_564 = vector.broadcast %lt3A : i32 to vector<16xi32>
      %lt3A_565 = arith.cmpi slt, %rem3A_560, %lt3A_564 : vector<16xi32>
      %lt3A_566 = arith.constant 0 : i32
      %lt3A_567 = arith.cmpi slt, %select_n3A_558, %lt3A_566 : i32
      %ne3A_568 = vector.broadcast %lt3A_567 : i1 to vector<16xi1>
      %ne3A_569 = vector.broadcast %ne3A_568 : vector<16xi1> to vector<16xi1>
      %ne3A_570 = arith.xori %lt3A_565, %ne3A_569 : vector<16xi1>
      %and3A_571 = arith.andi %ne3A_570, %ne3A_563 : vector<16xi1>
      %add3A_572 = vector.broadcast %select_n3A_558 : i32 to vector<16xi32>
      %add3A_573 = arith.addi %rem3A_560, %add3A_572 : vector<16xi32>
      %select_n3A_574 = arith.select %and3A_571, %add3A_573, %rem3A_560 : vector<16xi1>, vector<16xi32>
      %jit3A_575 = arith.constant 128 : i32
      %eq3A_576 = arith.constant 0 : i32
      %eq3A_577 = arith.cmpi eq, %jit3A_575, %eq3A_576 : i32
      %jit3A_578 = arith.constant 1 : i32
      %select_n3A_579 = arith.select %eq3A_577, %jit3A_578, %jit3A_575 : i32
      %rem3A_580 = vector.broadcast %select_n3A_579 : i32 to vector<16xi32>
      %rem3A_581 = arith.remsi %get3A_554, %rem3A_580 : vector<16xi32>
      %ne3A_582 = arith.constant 0 : i32
      %ne3A_583 = vector.broadcast %ne3A_582 : i32 to vector<16xi32>
      %ne3A_584 = arith.cmpi ne, %rem3A_581, %ne3A_583 : vector<16xi32>
      %lt3A_585 = arith.constant 0 : i32
      %lt3A_586 = vector.broadcast %lt3A_585 : i32 to vector<16xi32>
      %lt3A_587 = arith.cmpi slt, %rem3A_581, %lt3A_586 : vector<16xi32>
      %lt3A_588 = arith.constant 0 : i32
      %lt3A_589 = arith.cmpi slt, %select_n3A_579, %lt3A_588 : i32
      %ne3A_590 = vector.broadcast %lt3A_589 : i1 to vector<16xi1>
      %ne3A_591 = vector.broadcast %ne3A_590 : vector<16xi1> to vector<16xi1>
      %ne3A_592 = arith.xori %lt3A_587, %ne3A_591 : vector<16xi1>
      %and3A_593 = arith.andi %ne3A_592, %ne3A_584 : vector<16xi1>
      %add3A_594 = vector.broadcast %select_n3A_579 : i32 to vector<16xi32>
      %add3A_595 = arith.addi %rem3A_581, %add3A_594 : vector<16xi32>
      %select_n3A_596 = arith.select %and3A_593, %add3A_595, %rem3A_581 : vector<16xi1>, vector<16xi32>
      %slice3A_597 = vector.extract_strided_slice %select_n3A_574 {offsets = [0], sizes = [1], strides = [1]} : vector<16xi32> to vector<1xi32>
      %squeeze3A_598 = vector.extract %slice3A_597[0] : i32 from vector<1xi32>
      %broadcast_in_dim3A_599 = vector.broadcast %squeeze3A_598 : i32 to vector<16xi32>
      %slice3A_600 = vector.extract_strided_slice %select_n3A_596 {offsets = [0], sizes = [1], strides = [1]} : vector<16xi32> to vector<1xi32>
      %squeeze3A_601 = vector.extract %slice3A_600[0] : i32 from vector<1xi32>
      %broadcast_in_dim3A_602 = vector.broadcast %squeeze3A_601 : i32 to vector<16xi32>
      %gather3A = arith.constant 0 : i32
      %gather3A_603 = arith.constant 0 : i32
      %gather3A_604 = arith.constant 0 : i32
      %gather3A_605 = arith.constant 0 : i32
      %gather3A_606 = tpu.memref_slice %arg9[%gather3A, %gather3A_603, %gather3A_604, %gather3A_605] : memref<2x8x32x128xf32, #tpu.memory_space<vmem>> -> memref<1x1x32x128xf32, #tpu.memory_space<vmem>>
      %gather3A_607 = tpu.memref_squeeze %gather3A_606 : memref<1x1x32x128xf32, #tpu.memory_space<vmem>> -> memref<32x128xf32, #tpu.memory_space<vmem>>
      %gather3A_608 = tpu.vector_load_idx %gather3A_607[%iota3A, %broadcast_in_dim3A_599] : memref<32x128xf32, #tpu.memory_space<vmem>>[vector<16xi32>, vector<16xi32>], vector<16xf32>,
      %add3A_609 = arith.constant 16 : i32
      %add3A_610 = vector.broadcast %add3A_609 : i32 to vector<16xi32>
      %add3A_611 = arith.addi %iota3A, %add3A_610 : vector<16xi32>
      %gather3A_612 = arith.constant 0 : i32
      %gather3A_613 = arith.constant 0 : i32
      %gather3A_614 = arith.constant 0 : i32
      %gather3A_615 = arith.constant 0 : i32
      %gather3A_616 = tpu.memref_slice %arg9[%gather3A_612, %gather3A_613, %gather3A_614, %gather3A_615] : memref<2x8x32x128xf32, #tpu.memory_space<vmem>> -> memref<1x1x32x128xf32, #tpu.memory_space<vmem>>
      %gather3A_617 = tpu.memref_squeeze %gather3A_616 : memref<1x1x32x128xf32, #tpu.memory_space<vmem>> -> memref<32x128xf32, #tpu.memory_space<vmem>>
      %gather3A_618 = tpu.vector_load_idx %gather3A_617[%add3A_611, %broadcast_in_dim3A_599] : memref<32x128xf32, #tpu.memory_space<vmem>>[vector<16xi32>, vector<16xi32>], vector<16xf32>,
      %gather3A_619 = arith.constant 0 : i32
      %gather3A_620 = arith.constant 1 : i32
      %gather3A_621 = arith.constant 0 : i32
      %gather3A_622 = arith.constant 0 : i32
      %gather3A_623 = tpu.memref_slice %arg9[%gather3A_619, %gather3A_620, %gather3A_621, %gather3A_622] : memref<2x8x32x128xf32, #tpu.memory_space<vmem>> -> memref<1x1x32x128xf32, #tpu.memory_space<vmem>>
      %gather3A_624 = tpu.memref_squeeze %gather3A_623 : memref<1x1x32x128xf32, #tpu.memory_space<vmem>> -> memref<32x128xf32, #tpu.memory_space<vmem>>
      %gather3A_625 = tpu.vector_load_idx %gather3A_624[%iota3A, %broadcast_in_dim3A_602] : memref<32x128xf32, #tpu.memory_space<vmem>>[vector<16xi32>, vector<16xi32>], vector<16xf32>,
      %add3A_626 = arith.constant 16 : i32
      %add3A_627 = vector.broadcast %add3A_626 : i32 to vector<16xi32>
      %add3A_628 = arith.addi %iota3A, %add3A_627 : vector<16xi32>
      %gather3A_629 = arith.constant 0 : i32
      %gather3A_630 = arith.constant 1 : i32
      %gather3A_631 = arith.constant 0 : i32
      %gather3A_632 = arith.constant 0 : i32
      %gather3A_633 = tpu.memref_slice %arg9[%gather3A_629, %gather3A_630, %gather3A_631, %gather3A_632] : memref<2x8x32x128xf32, #tpu.memory_space<vmem>> -> memref<1x1x32x128xf32, #tpu.memory_space<vmem>>
      %gather3A_634 = tpu.memref_squeeze %gather3A_633 : memref<1x1x32x128xf32, #tpu.memory_space<vmem>> -> memref<32x128xf32, #tpu.memory_space<vmem>>
      %gather3A_635 = tpu.vector_load_idx %gather3A_634[%add3A_628, %broadcast_in_dim3A_602] : memref<32x128xf32, #tpu.memory_space<vmem>>[vector<16xi32>, vector<16xi32>], vector<16xf32>,
      %mul3A_636 = arith.mulf %gather3A_608, %gather3A_625 : vector<16xf32>
      %mul3A_637 = arith.mulf %gather3A_618, %gather3A_635 : vector<16xf32>
      %add3A_638 = arith.addf %mul3A_636, %mul3A_637 : vector<16xf32>
      %mul3A_639 = arith.constant 4 : i32
      %mul3A_640 = arith.muli %mul3A_329, %mul3A_639 : i32
      %add3A_641 = arith.constant 0 : i32
      %add3A_642 = arith.addi %mul3A_640, %add3A_641 : i32
      %add3A_643 = vector.broadcast %add3A_642 : i32 to vector<16xi32>
      %add3A_644 = arith.addi %mul3A_9, %add3A_643 : vector<16xi32>
      tpu.vector_store_idx %arg10[%add3A_644], %add3A_638 : memref<8192xf32, #tpu.memory_space<vmem>>[vector<16xi32>], vector<16xf32>,
      %slice3A_645 = vector.extract_strided_slice %select_n3A_574 {offsets = [1], sizes = [1], strides = [1]} : vector<16xi32> to vector<1xi32>
      %squeeze3A_646 = vector.extract %slice3A_645[0] : i32 from vector<1xi32>
      %broadcast_in_dim3A_647 = vector.broadcast %squeeze3A_646 : i32 to vector<16xi32>
      %slice3A_648 = vector.extract_strided_slice %select_n3A_596 {offsets = [1], sizes = [1], strides = [1]} : vector<16xi32> to vector<1xi32>
      %squeeze3A_649 = vector.extract %slice3A_648[0] : i32 from vector<1xi32>
      %broadcast_in_dim3A_650 = vector.broadcast %squeeze3A_649 : i32 to vector<16xi32>
      %gather3A_651 = arith.constant 0 : i32
      %gather3A_652 = arith.constant 2 : i32
      %gather3A_653 = arith.constant 0 : i32
      %gather3A_654 = arith.constant 0 : i32
      %gather3A_655 = tpu.memref_slice %arg9[%gather3A_651, %gather3A_652, %gather3A_653, %gather3A_654] : memref<2x8x32x128xf32, #tpu.memory_space<vmem>> -> memref<1x1x32x128xf32, #tpu.memory_space<vmem>>
      %gather3A_656 = tpu.memref_squeeze %gather3A_655 : memref<1x1x32x128xf32, #tpu.memory_space<vmem>> -> memref<32x128xf32, #tpu.memory_space<vmem>>
      %gather3A_657 = tpu.vector_load_idx %gather3A_656[%iota3A, %broadcast_in_dim3A_647] : memref<32x128xf32, #tpu.memory_space<vmem>>[vector<16xi32>, vector<16xi32>], vector<16xf32>,
      %add3A_658 = arith.constant 16 : i32
      %add3A_659 = vector.broadcast %add3A_658 : i32 to vector<16xi32>
      %add3A_660 = arith.addi %iota3A, %add3A_659 : vector<16xi32>
      %gather3A_661 = arith.constant 0 : i32
      %gather3A_662 = arith.constant 2 : i32
      %gather3A_663 = arith.constant 0 : i32
      %gather3A_664 = arith.constant 0 : i32
      %gather3A_665 = tpu.memref_slice %arg9[%gather3A_661, %gather3A_662, %gather3A_663, %gather3A_664] : memref<2x8x32x128xf32, #tpu.memory_space<vmem>> -> memref<1x1x32x128xf32, #tpu.memory_space<vmem>>
      %gather3A_666 = tpu.memref_squeeze %gather3A_665 : memref<1x1x32x128xf32, #tpu.memory_space<vmem>> -> memref<32x128xf32, #tpu.memory_space<vmem>>
      %gather3A_667 = tpu.vector_load_idx %gather3A_666[%add3A_660, %broadcast_in_dim3A_647] : memref<32x128xf32, #tpu.memory_space<vmem>>[vector<16xi32>, vector<16xi32>], vector<16xf32>,
      %gather3A_668 = arith.constant 0 : i32
      %gather3A_669 = arith.constant 3 : i32
      %gather3A_670 = arith.constant 0 : i32
      %gather3A_671 = arith.constant 0 : i32
      %gather3A_672 = tpu.memref_slice %arg9[%gather3A_668, %gather3A_669, %gather3A_670, %gather3A_671] : memref<2x8x32x128xf32, #tpu.memory_space<vmem>> -> memref<1x1x32x128xf32, #tpu.memory_space<vmem>>
      %gather3A_673 = tpu.memref_squeeze %gather3A_672 : memref<1x1x32x128xf32, #tpu.memory_space<vmem>> -> memref<32x128xf32, #tpu.memory_space<vmem>>
      %gather3A_674 = tpu.vector_load_idx %gather3A_673[%iota3A, %broadcast_in_dim3A_650] : memref<32x128xf32, #tpu.memory_space<vmem>>[vector<16xi32>, vector<16xi32>], vector<16xf32>,
      %add3A_675 = arith.constant 16 : i32
      %add3A_676 = vector.broadcast %add3A_675 : i32 to vector<16xi32>
      %add3A_677 = arith.addi %iota3A, %add3A_676 : vector<16xi32>
      %gather3A_678 = arith.constant 0 : i32
      %gather3A_679 = arith.constant 3 : i32
      %gather3A_680 = arith.constant 0 : i32
      %gather3A_681 = arith.constant 0 : i32
      %gather3A_682 = tpu.memref_slice %arg9[%gather3A_678, %gather3A_679, %gather3A_680, %gather3A_681] : memref<2x8x32x128xf32, #tpu.memory_space<vmem>> -> memref<1x1x32x128xf32, #tpu.memory_space<vmem>>
      %gather3A_683 = tpu.memref_squeeze %gather3A_682 : memref<1x1x32x128xf32, #tpu.memory_space<vmem>> -> memref<32x128xf32, #tpu.memory_space<vmem>>
      %gather3A_684 = tpu.vector_load_idx %gather3A_683[%add3A_677, %broadcast_in_dim3A_650] : memref<32x128xf32, #tpu.memory_space<vmem>>[vector<16xi32>, vector<16xi32>], vector<16xf32>,
      %mul3A_685 = arith.mulf %gather3A_657, %gather3A_674 : vector<16xf32>
      %mul3A_686 = arith.mulf %gather3A_667, %gather3A_684 : vector<16xf32>
      %add3A_687 = arith.addf %mul3A_685, %mul3A_686 : vector<16xf32>
      %mul3A_688 = arith.constant 4 : i32
      %mul3A_689 = arith.muli %mul3A_329, %mul3A_688 : i32
      %add3A_690 = arith.constant 1 : i32
      %add3A_691 = arith.addi %mul3A_689, %add3A_690 : i32
      %add3A_692 = vector.broadcast %add3A_691 : i32 to vector<16xi32>
      %add3A_693 = arith.addi %mul3A_9, %add3A_692 : vector<16xi32>
      tpu.vector_store_idx %arg10[%add3A_693], %add3A_687 : memref<8192xf32, #tpu.memory_space<vmem>>[vector<16xi32>], vector<16xf32>,
      %slice3A_694 = vector.extract_strided_slice %select_n3A_574 {offsets = [2], sizes = [1], strides = [1]} : vector<16xi32> to vector<1xi32>
      %squeeze3A_695 = vector.extract %slice3A_694[0] : i32 from vector<1xi32>
      %broadcast_in_dim3A_696 = vector.broadcast %squeeze3A_695 : i32 to vector<16xi32>
      %slice3A_697 = vector.extract_strided_slice %select_n3A_596 {offsets = [2], sizes = [1], strides = [1]} : vector<16xi32> to vector<1xi32>
      %squeeze3A_698 = vector.extract %slice3A_697[0] : i32 from vector<1xi32>
      %broadcast_in_dim3A_699 = vector.broadcast %squeeze3A_698 : i32 to vector<16xi32>
      %gather3A_700 = arith.constant 0 : i32
      %gather3A_701 = arith.constant 4 : i32
      %gather3A_702 = arith.constant 0 : i32
      %gather3A_703 = arith.constant 0 : i32
      %gather3A_704 = tpu.memref_slice %arg9[%gather3A_700, %gather3A_701, %gather3A_702, %gather3A_703] : memref<2x8x32x128xf32, #tpu.memory_space<vmem>> -> memref<1x1x32x128xf32, #tpu.memory_space<vmem>>
      %gather3A_705 = tpu.memref_squeeze %gather3A_704 : memref<1x1x32x128xf32, #tpu.memory_space<vmem>> -> memref<32x128xf32, #tpu.memory_space<vmem>>
      %gather3A_706 = tpu.vector_load_idx %gather3A_705[%iota3A, %broadcast_in_dim3A_696] : memref<32x128xf32, #tpu.memory_space<vmem>>[vector<16xi32>, vector<16xi32>], vector<16xf32>,
      %add3A_707 = arith.constant 16 : i32
      %add3A_708 = vector.broadcast %add3A_707 : i32 to vector<16xi32>
      %add3A_709 = arith.addi %iota3A, %add3A_708 : vector<16xi32>
      %gather3A_710 = arith.constant 0 : i32
      %gather3A_711 = arith.constant 4 : i32
      %gather3A_712 = arith.constant 0 : i32
      %gather3A_713 = arith.constant 0 : i32
      %gather3A_714 = tpu.memref_slice %arg9[%gather3A_710, %gather3A_711, %gather3A_712, %gather3A_713] : memref<2x8x32x128xf32, #tpu.memory_space<vmem>> -> memref<1x1x32x128xf32, #tpu.memory_space<vmem>>
      %gather3A_715 = tpu.memref_squeeze %gather3A_714 : memref<1x1x32x128xf32, #tpu.memory_space<vmem>> -> memref<32x128xf32, #tpu.memory_space<vmem>>
      %gather3A_716 = tpu.vector_load_idx %gather3A_715[%add3A_709, %broadcast_in_dim3A_696] : memref<32x128xf32, #tpu.memory_space<vmem>>[vector<16xi32>, vector<16xi32>], vector<16xf32>,
      %gather3A_717 = arith.constant 0 : i32
      %gather3A_718 = arith.constant 5 : i32
      %gather3A_719 = arith.constant 0 : i32
      %gather3A_720 = arith.constant 0 : i32
      %gather3A_721 = tpu.memref_slice %arg9[%gather3A_717, %gather3A_718, %gather3A_719, %gather3A_720] : memref<2x8x32x128xf32, #tpu.memory_space<vmem>> -> memref<1x1x32x128xf32, #tpu.memory_space<vmem>>
      %gather3A_722 = tpu.memref_squeeze %gather3A_721 : memref<1x1x32x128xf32, #tpu.memory_space<vmem>> -> memref<32x128xf32, #tpu.memory_space<vmem>>
      %gather3A_723 = tpu.vector_load_idx %gather3A_722[%iota3A, %broadcast_in_dim3A_699] : memref<32x128xf32, #tpu.memory_space<vmem>>[vector<16xi32>, vector<16xi32>], vector<16xf32>,
      %add3A_724 = arith.constant 16 : i32
      %add3A_725 = vector.broadcast %add3A_724 : i32 to vector<16xi32>
      %add3A_726 = arith.addi %iota3A, %add3A_725 : vector<16xi32>
      %gather3A_727 = arith.constant 0 : i32
      %gather3A_728 = arith.constant 5 : i32
      %gather3A_729 = arith.constant 0 : i32
      %gather3A_730 = arith.constant 0 : i32
      %gather3A_731 = tpu.memref_slice %arg9[%gather3A_727, %gather3A_728, %gather3A_729, %gather3A_730] : memref<2x8x32x128xf32, #tpu.memory_space<vmem>> -> memref<1x1x32x128xf32, #tpu.memory_space<vmem>>
      %gather3A_732 = tpu.memref_squeeze %gather3A_731 : memref<1x1x32x128xf32, #tpu.memory_space<vmem>> -> memref<32x128xf32, #tpu.memory_space<vmem>>
      %gather3A_733 = tpu.vector_load_idx %gather3A_732[%add3A_726, %broadcast_in_dim3A_699] : memref<32x128xf32, #tpu.memory_space<vmem>>[vector<16xi32>, vector<16xi32>], vector<16xf32>,
      %mul3A_734 = arith.mulf %gather3A_706, %gather3A_723 : vector<16xf32>
      %mul3A_735 = arith.mulf %gather3A_716, %gather3A_733 : vector<16xf32>
      %add3A_736 = arith.addf %mul3A_734, %mul3A_735 : vector<16xf32>
      %mul3A_737 = arith.constant 4 : i32
      %mul3A_738 = arith.muli %mul3A_329, %mul3A_737 : i32
      %add3A_739 = arith.constant 2 : i32
      %add3A_740 = arith.addi %mul3A_738, %add3A_739 : i32
      %add3A_741 = vector.broadcast %add3A_740 : i32 to vector<16xi32>
      %add3A_742 = arith.addi %mul3A_9, %add3A_741 : vector<16xi32>
      tpu.vector_store_idx %arg10[%add3A_742], %add3A_736 : memref<8192xf32, #tpu.memory_space<vmem>>[vector<16xi32>], vector<16xf32>,
      %slice3A_743 = vector.extract_strided_slice %select_n3A_574 {offsets = [3], sizes = [1], strides = [1]} : vector<16xi32> to vector<1xi32>
      %squeeze3A_744 = vector.extract %slice3A_743[0] : i32 from vector<1xi32>
      %broadcast_in_dim3A_745 = vector.broadcast %squeeze3A_744 : i32 to vector<16xi32>
      %slice3A_746 = vector.extract_strided_slice %select_n3A_596 {offsets = [3], sizes = [1], strides = [1]} : vector<16xi32> to vector<1xi32>
      %squeeze3A_747 = vector.extract %slice3A_746[0] : i32 from vector<1xi32>
      %broadcast_in_dim3A_748 = vector.broadcast %squeeze3A_747 : i32 to vector<16xi32>
      %gather3A_749 = arith.constant 0 : i32
      %gather3A_750 = arith.constant 6 : i32
      %gather3A_751 = arith.constant 0 : i32
      %gather3A_752 = arith.constant 0 : i32
      %gather3A_753 = tpu.memref_slice %arg9[%gather3A_749, %gather3A_750, %gather3A_751, %gather3A_752] : memref<2x8x32x128xf32, #tpu.memory_space<vmem>> -> memref<1x1x32x128xf32, #tpu.memory_space<vmem>>
      %gather3A_754 = tpu.memref_squeeze %gather3A_753 : memref<1x1x32x128xf32, #tpu.memory_space<vmem>> -> memref<32x128xf32, #tpu.memory_space<vmem>>
      %gather3A_755 = tpu.vector_load_idx %gather3A_754[%iota3A, %broadcast_in_dim3A_745] : memref<32x128xf32, #tpu.memory_space<vmem>>[vector<16xi32>, vector<16xi32>], vector<16xf32>,
      %add3A_756 = arith.constant 16 : i32
      %add3A_757 = vector.broadcast %add3A_756 : i32 to vector<16xi32>
      %add3A_758 = arith.addi %iota3A, %add3A_757 : vector<16xi32>
      %gather3A_759 = arith.constant 0 : i32
      %gather3A_760 = arith.constant 6 : i32
      %gather3A_761 = arith.constant 0 : i32
      %gather3A_762 = arith.constant 0 : i32
      %gather3A_763 = tpu.memref_slice %arg9[%gather3A_759, %gather3A_760, %gather3A_761, %gather3A_762] : memref<2x8x32x128xf32, #tpu.memory_space<vmem>> -> memref<1x1x32x128xf32, #tpu.memory_space<vmem>>
      %gather3A_764 = tpu.memref_squeeze %gather3A_763 : memref<1x1x32x128xf32, #tpu.memory_space<vmem>> -> memref<32x128xf32, #tpu.memory_space<vmem>>
      %gather3A_765 = tpu.vector_load_idx %gather3A_764[%add3A_758, %broadcast_in_dim3A_745] : memref<32x128xf32, #tpu.memory_space<vmem>>[vector<16xi32>, vector<16xi32>], vector<16xf32>,
      %gather3A_766 = arith.constant 0 : i32
      %gather3A_767 = arith.constant 7 : i32
      %gather3A_768 = arith.constant 0 : i32
      %gather3A_769 = arith.constant 0 : i32
      %gather3A_770 = tpu.memref_slice %arg9[%gather3A_766, %gather3A_767, %gather3A_768, %gather3A_769] : memref<2x8x32x128xf32, #tpu.memory_space<vmem>> -> memref<1x1x32x128xf32, #tpu.memory_space<vmem>>
      %gather3A_771 = tpu.memref_squeeze %gather3A_770 : memref<1x1x32x128xf32, #tpu.memory_space<vmem>> -> memref<32x128xf32, #tpu.memory_space<vmem>>
      %gather3A_772 = tpu.vector_load_idx %gather3A_771[%iota3A, %broadcast_in_dim3A_748] : memref<32x128xf32, #tpu.memory_space<vmem>>[vector<16xi32>, vector<16xi32>], vector<16xf32>,
      %add3A_773 = arith.constant 16 : i32
      %add3A_774 = vector.broadcast %add3A_773 : i32 to vector<16xi32>
      %add3A_775 = arith.addi %iota3A, %add3A_774 : vector<16xi32>
      %gather3A_776 = arith.constant 0 : i32
      %gather3A_777 = arith.constant 7 : i32
      %gather3A_778 = arith.constant 0 : i32
      %gather3A_779 = arith.constant 0 : i32
      %gather3A_780 = tpu.memref_slice %arg9[%gather3A_776, %gather3A_777, %gather3A_778, %gather3A_779] : memref<2x8x32x128xf32, #tpu.memory_space<vmem>> -> memref<1x1x32x128xf32, #tpu.memory_space<vmem>>
      %gather3A_781 = tpu.memref_squeeze %gather3A_780 : memref<1x1x32x128xf32, #tpu.memory_space<vmem>> -> memref<32x128xf32, #tpu.memory_space<vmem>>
      %gather3A_782 = tpu.vector_load_idx %gather3A_781[%add3A_775, %broadcast_in_dim3A_748] : memref<32x128xf32, #tpu.memory_space<vmem>>[vector<16xi32>, vector<16xi32>], vector<16xf32>,
      %mul3A_783 = arith.mulf %gather3A_755, %gather3A_772 : vector<16xf32>
      %mul3A_784 = arith.mulf %gather3A_765, %gather3A_782 : vector<16xf32>
      %add3A_785 = arith.addf %mul3A_783, %mul3A_784 : vector<16xf32>
      %mul3A_786 = arith.constant 4 : i32
      %mul3A_787 = arith.muli %mul3A_329, %mul3A_786 : i32
      %add3A_788 = arith.constant 3 : i32
      %add3A_789 = arith.addi %mul3A_787, %add3A_788 : i32
      %add3A_790 = vector.broadcast %add3A_789 : i32 to vector<16xi32>
      %add3A_791 = arith.addi %mul3A_9, %add3A_790 : vector<16xi32>
      tpu.vector_store_idx %arg10[%add3A_791], %add3A_785 : memref<8192xf32, #tpu.memory_space<vmem>>[vector<16xi32>], vector<16xf32>,
      %mul3A_792 = arith.constant 4 : i32
      %mul3A_793 = arith.muli %min3A_334, %mul3A_792 : i32
      %get3A_794 = arith.index_cast %mul3A_793 : i32 to index
      %get3A_795 = tpu.vector_load %arg7[%get3A_794] {strides = array<i32>} : memref<528xi32, #tpu.memory_space<vmem>>, vector<16xi32>,
      %mul3A_796 = arith.constant 4 : i32
      %mul3A_797 = arith.muli %min3A_334, %mul3A_796 : i32
      %get3A_798 = arith.index_cast %mul3A_797 : i32 to index
      %get3A_799 = tpu.vector_load %arg8[%get3A_798] {strides = array<i32>} : memref<528xi32, #tpu.memory_space<vmem>>, vector<16xi32>,
      %jit3A_800 = arith.constant 128 : i32
      %div3A_801 = vector.broadcast %jit3A_800 : i32 to vector<16xi32>
      %div3A_802 = arith.divsi %get3A_795, %div3A_801 : vector<16xi32>
      %sign3A_803 = arith.constant 0 : i32
      %sign3A_804 = vector.broadcast %sign3A_803 : i32 to vector<16xi32>
      %sign3A_805 = arith.cmpi sgt, %get3A_795, %sign3A_804 : vector<16xi32>
      %sign3A_806 = arith.extui %sign3A_805 : vector<16xi1> to vector<16xi32>
      %sign3A_807 = arith.constant 0 : i32
      %sign3A_808 = vector.broadcast %sign3A_807 : i32 to vector<16xi32>
      %sign3A_809 = arith.cmpi slt, %get3A_795, %sign3A_808 : vector<16xi32>
      %sign3A_810 = arith.extui %sign3A_809 : vector<16xi1> to vector<16xi32>
      %sign3A_811 = arith.subi %sign3A_806, %sign3A_810 : vector<16xi32>
      %sign3A_812 = arith.constant 0 : i32
      %sign3A_813 = arith.cmpi sgt, %jit3A_800, %sign3A_812 : i32
      %sign3A_814 = arith.extui %sign3A_813 : i1 to i32
      %sign3A_815 = arith.constant 0 : i32
      %sign3A_816 = arith.cmpi slt, %jit3A_800, %sign3A_815 : i32
      %sign3A_817 = arith.extui %sign3A_816 : i1 to i32
      %sign3A_818 = arith.subi %sign3A_814, %sign3A_817 : i32
      %ne3A_819 = vector.broadcast %sign3A_818 : i32 to vector<16xi32>
      %ne3A_820 = arith.cmpi ne, %sign3A_811, %ne3A_819 : vector<16xi32>
      %rem3A_821 = vector.broadcast %jit3A_800 : i32 to vector<16xi32>
      %rem3A_822 = arith.remsi %get3A_795, %rem3A_821 : vector<16xi32>
      %ne3A_823 = arith.constant 0 : i32
      %ne3A_824 = vector.broadcast %ne3A_823 : i32 to vector<16xi32>
      %ne3A_825 = arith.cmpi ne, %rem3A_822, %ne3A_824 : vector<16xi32>
      %and3A_826 = arith.andi %ne3A_820, %ne3A_825 : vector<16xi1>
      %sub3A_827 = arith.constant 1 : i32
      %sub3A_828 = vector.broadcast %sub3A_827 : i32 to vector<16xi32>
      %sub3A_829 = arith.subi %div3A_802, %sub3A_828 : vector<16xi32>
      %select_n3A_830 = arith.select %and3A_826, %sub3A_829, %div3A_802 : vector<16xi1>, vector<16xi32>
      %mul3A_831 = arith.constant 128 : i32
      %mul3A_832 = vector.broadcast %mul3A_831 : i32 to vector<16xi32>
      %mul3A_833 = arith.muli %select_n3A_830, %mul3A_832 : vector<16xi32>
      %jit3A_834 = arith.constant 128 : i32
      %div3A_835 = vector.broadcast %jit3A_834 : i32 to vector<16xi32>
      %div3A_836 = arith.divsi %get3A_799, %div3A_835 : vector<16xi32>
      %sign3A_837 = arith.constant 0 : i32
      %sign3A_838 = vector.broadcast %sign3A_837 : i32 to vector<16xi32>
      %sign3A_839 = arith.cmpi sgt, %get3A_799, %sign3A_838 : vector<16xi32>
      %sign3A_840 = arith.extui %sign3A_839 : vector<16xi1> to vector<16xi32>
      %sign3A_841 = arith.constant 0 : i32
      %sign3A_842 = vector.broadcast %sign3A_841 : i32 to vector<16xi32>
      %sign3A_843 = arith.cmpi slt, %get3A_799, %sign3A_842 : vector<16xi32>
      %sign3A_844 = arith.extui %sign3A_843 : vector<16xi1> to vector<16xi32>
      %sign3A_845 = arith.subi %sign3A_840, %sign3A_844 : vector<16xi32>
      %sign3A_846 = arith.constant 0 : i32
      %sign3A_847 = arith.cmpi sgt, %jit3A_834, %sign3A_846 : i32
      %sign3A_848 = arith.extui %sign3A_847 : i1 to i32
      %sign3A_849 = arith.constant 0 : i32
      %sign3A_850 = arith.cmpi slt, %jit3A_834, %sign3A_849 : i32
      %sign3A_851 = arith.extui %sign3A_850 : i1 to i32
      %sign3A_852 = arith.subi %sign3A_848, %sign3A_851 : i32
      %ne3A_853 = vector.broadcast %sign3A_852 : i32 to vector<16xi32>
      %ne3A_854 = arith.cmpi ne, %sign3A_845, %ne3A_853 : vector<16xi32>
      %rem3A_855 = vector.broadcast %jit3A_834 : i32 to vector<16xi32>
      %rem3A_856 = arith.remsi %get3A_799, %rem3A_855 : vector<16xi32>
      %ne3A_857 = arith.constant 0 : i32
      %ne3A_858 = vector.broadcast %ne3A_857 : i32 to vector<16xi32>
      %ne3A_859 = arith.cmpi ne, %rem3A_856, %ne3A_858 : vector<16xi32>
      %and3A_860 = arith.andi %ne3A_854, %ne3A_859 : vector<16xi1>
      %sub3A_861 = arith.constant 1 : i32
      %sub3A_862 = vector.broadcast %sub3A_861 : i32 to vector<16xi32>
      %sub3A_863 = arith.subi %div3A_836, %sub3A_862 : vector<16xi32>
      %select_n3A_864 = arith.select %and3A_860, %sub3A_863, %div3A_836 : vector<16xi1>, vector<16xi32>
      %mul3A_865 = arith.constant 128 : i32
      %mul3A_866 = vector.broadcast %mul3A_865 : i32 to vector<16xi32>
      %mul3A_867 = arith.muli %select_n3A_864, %mul3A_866 : vector<16xi32>
      %slice3A_868 = vector.extract_strided_slice %mul3A_833 {offsets = [0], sizes = [1], strides = [1]} : vector<16xi32> to vector<1xi32>
      %squeeze3A_869 = vector.extract %slice3A_868[0] : i32 from vector<1xi32>
      %multiple_of3A_870 = tpu.assume_multiple %squeeze3A_869, 128 : i32
      %slice3A_871 = vector.extract_strided_slice %mul3A_867 {offsets = [0], sizes = [1], strides = [1]} : vector<16xi32> to vector<1xi32>
      %squeeze3A_872 = vector.extract %slice3A_871[0] : i32 from vector<1xi32>
      %multiple_of3A_873 = tpu.assume_multiple %squeeze3A_872, 128 : i32
      %dma_start3A_874 = arith.constant 0 : i32
      %dma_start3A_875 = arith.constant 0 : i32
      %dma_start3A_876 = arith.constant 0 : i32
      %dma_start3A_877 = arith.constant 0 : i32
      %dma_start3A_878 = tpu.memref_slice %arg9[%dma_start3A_874, %dma_start3A_875, %dma_start3A_876, %dma_start3A_877] : memref<2x8x32x128xf32, #tpu.memory_space<vmem>> -> memref<1x1x32x128xf32, #tpu.memory_space<vmem>>
      %dma_start3A_879 = tpu.memref_squeeze %dma_start3A_878 : memref<1x1x32x128xf32, #tpu.memory_space<vmem>> -> memref<32x128xf32, #tpu.memory_space<vmem>>
      %dma_start3A_880 = arith.constant 0 : i32
      %dma_start3A_881 = tpu.memref_slice %arg4[%dma_start3A_880, %multiple_of3A_870] : memref<32x1000000xf32, #tpu.memory_space<hbm>> -> memref<32x128xf32, #tpu.memory_space<hbm>>
      %dma_start3A_882 = arith.constant 0 : i32
      %dma_start3A_883 = arith.constant 0 : i32
      %dma_start3A_884 = tpu.memref_slice %arg9[%dma_start3A_874, %dma_start3A_875, %dma_start3A_882, %dma_start3A_883] : memref<2x8x32x128xf32, #tpu.memory_space<vmem>> -> memref<1x1x32x128xf32, #tpu.memory_space<vmem>>
      %dma_start3A_885 = tpu.memref_squeeze %dma_start3A_884 : memref<1x1x32x128xf32, #tpu.memory_space<vmem>> -> memref<32x128xf32, #tpu.memory_space<vmem>>
      %dma_start3A_886 = arith.constant 0 : i32
      %dma_start3A_887 = tpu.memref_slice %arg4[%dma_start3A_886, %multiple_of3A_870] : memref<32x1000000xf32, #tpu.memory_space<hbm>> -> memref<32x128xf32, #tpu.memory_space<hbm>>
      tpu.enqueue_dma source(%dma_start3A_887 : memref<32x128xf32, #tpu.memory_space<hbm>>) target(%dma_start3A_885 : memref<32x128xf32, #tpu.memory_space<vmem>>) target_semaphore(%arg12 : memref<!tpu.dma_semaphore, #tpu.memory_space<semaphore_mem>>)
      %dma_start3A_888 = arith.constant 0 : i32
      %dma_start3A_889 = arith.constant 1 : i32
      %dma_start3A_890 = arith.constant 0 : i32
      %dma_start3A_891 = arith.constant 0 : i32
      %dma_start3A_892 = tpu.memref_slice %arg9[%dma_start3A_888, %dma_start3A_889, %dma_start3A_890, %dma_start3A_891] : memref<2x8x32x128xf32, #tpu.memory_space<vmem>> -> memref<1x1x32x128xf32, #tpu.memory_space<vmem>>
      %dma_start3A_893 = tpu.memref_squeeze %dma_start3A_892 : memref<1x1x32x128xf32, #tpu.memory_space<vmem>> -> memref<32x128xf32, #tpu.memory_space<vmem>>
      %dma_start3A_894 = arith.constant 0 : i32
      %dma_start3A_895 = tpu.memref_slice %arg5[%dma_start3A_894, %multiple_of3A_873] : memref<32x1000000xf32, #tpu.memory_space<hbm>> -> memref<32x128xf32, #tpu.memory_space<hbm>>
      %dma_start3A_896 = arith.constant 0 : i32
      %dma_start3A_897 = arith.constant 0 : i32
      %dma_start3A_898 = tpu.memref_slice %arg9[%dma_start3A_888, %dma_start3A_889, %dma_start3A_896, %dma_start3A_897] : memref<2x8x32x128xf32, #tpu.memory_space<vmem>> -> memref<1x1x32x128xf32, #tpu.memory_space<vmem>>
      %dma_start3A_899 = tpu.memref_squeeze %dma_start3A_898 : memref<1x1x32x128xf32, #tpu.memory_space<vmem>> -> memref<32x128xf32, #tpu.memory_space<vmem>>
      %dma_start3A_900 = arith.constant 0 : i32
      %dma_start3A_901 = tpu.memref_slice %arg5[%dma_start3A_900, %multiple_of3A_873] : memref<32x1000000xf32, #tpu.memory_space<hbm>> -> memref<32x128xf32, #tpu.memory_space<hbm>>
      tpu.enqueue_dma source(%dma_start3A_901 : memref<32x128xf32, #tpu.memory_space<hbm>>) target(%dma_start3A_899 : memref<32x128xf32, #tpu.memory_space<vmem>>) target_semaphore(%arg12 : memref<!tpu.dma_semaphore, #tpu.memory_space<semaphore_mem>>)
      %slice3A_902 = vector.extract_strided_slice %mul3A_833 {offsets = [1], sizes = [1], strides = [1]} : vector<16xi32> to vector<1xi32>
      %squeeze3A_903 = vector.extract %slice3A_902[0] : i32 from vector<1xi32>
      %multiple_of3A_904 = tpu.assume_multiple %squeeze3A_903, 128 : i32
      %slice3A_905 = vector.extract_strided_slice %mul3A_867 {offsets = [1], sizes = [1], strides = [1]} : vector<16xi32> to vector<1xi32>
      %squeeze3A_906 = vector.extract %slice3A_905[0] : i32 from vector<1xi32>
      %multiple_of3A_907 = tpu.assume_multiple %squeeze3A_906, 128 : i32
      %dma_start3A_908 = arith.constant 0 : i32
      %dma_start3A_909 = arith.constant 2 : i32
      %dma_start3A_910 = arith.constant 0 : i32
      %dma_start3A_911 = arith.constant 0 : i32
      %dma_start3A_912 = tpu.memref_slice %arg9[%dma_start3A_908, %dma_start3A_909, %dma_start3A_910, %dma_start3A_911] : memref<2x8x32x128xf32, #tpu.memory_space<vmem>> -> memref<1x1x32x128xf32, #tpu.memory_space<vmem>>
      %dma_start3A_913 = tpu.memref_squeeze %dma_start3A_912 : memref<1x1x32x128xf32, #tpu.memory_space<vmem>> -> memref<32x128xf32, #tpu.memory_space<vmem>>
      %dma_start3A_914 = arith.constant 0 : i32
      %dma_start3A_915 = tpu.memref_slice %arg4[%dma_start3A_914, %multiple_of3A_904] : memref<32x1000000xf32, #tpu.memory_space<hbm>> -> memref<32x128xf32, #tpu.memory_space<hbm>>
      %dma_start3A_916 = arith.constant 0 : i32
      %dma_start3A_917 = arith.constant 0 : i32
      %dma_start3A_918 = tpu.memref_slice %arg9[%dma_start3A_908, %dma_start3A_909, %dma_start3A_916, %dma_start3A_917] : memref<2x8x32x128xf32, #tpu.memory_space<vmem>> -> memref<1x1x32x128xf32, #tpu.memory_space<vmem>>
      %dma_start3A_919 = tpu.memref_squeeze %dma_start3A_918 : memref<1x1x32x128xf32, #tpu.memory_space<vmem>> -> memref<32x128xf32, #tpu.memory_space<vmem>>
      %dma_start3A_920 = arith.constant 0 : i32
      %dma_start3A_921 = tpu.memref_slice %arg4[%dma_start3A_920, %multiple_of3A_904] : memref<32x1000000xf32, #tpu.memory_space<hbm>> -> memref<32x128xf32, #tpu.memory_space<hbm>>
      tpu.enqueue_dma source(%dma_start3A_921 : memref<32x128xf32, #tpu.memory_space<hbm>>) target(%dma_start3A_919 : memref<32x128xf32, #tpu.memory_space<vmem>>) target_semaphore(%arg12 : memref<!tpu.dma_semaphore, #tpu.memory_space<semaphore_mem>>)
      %dma_start3A_922 = arith.constant 0 : i32
      %dma_start3A_923 = arith.constant 3 : i32
      %dma_start3A_924 = arith.constant 0 : i32
      %dma_start3A_925 = arith.constant 0 : i32
      %dma_start3A_926 = tpu.memref_slice %arg9[%dma_start3A_922, %dma_start3A_923, %dma_start3A_924, %dma_start3A_925] : memref<2x8x32x128xf32, #tpu.memory_space<vmem>> -> memref<1x1x32x128xf32, #tpu.memory_space<vmem>>
      %dma_start3A_927 = tpu.memref_squeeze %dma_start3A_926 : memref<1x1x32x128xf32, #tpu.memory_space<vmem>> -> memref<32x128xf32, #tpu.memory_space<vmem>>
      %dma_start3A_928 = arith.constant 0 : i32
      %dma_start3A_929 = tpu.memref_slice %arg5[%dma_start3A_928, %multiple_of3A_907] : memref<32x1000000xf32, #tpu.memory_space<hbm>> -> memref<32x128xf32, #tpu.memory_space<hbm>>
      %dma_start3A_930 = arith.constant 0 : i32
      %dma_start3A_931 = arith.constant 0 : i32
      %dma_start3A_932 = tpu.memref_slice %arg9[%dma_start3A_922, %dma_start3A_923, %dma_start3A_930, %dma_start3A_931] : memref<2x8x32x128xf32, #tpu.memory_space<vmem>> -> memref<1x1x32x128xf32, #tpu.memory_space<vmem>>
      %dma_start3A_933 = tpu.memref_squeeze %dma_start3A_932 : memref<1x1x32x128xf32, #tpu.memory_space<vmem>> -> memref<32x128xf32, #tpu.memory_space<vmem>>
      %dma_start3A_934 = arith.constant 0 : i32
      %dma_start3A_935 = tpu.memref_slice %arg5[%dma_start3A_934, %multiple_of3A_907] : memref<32x1000000xf32, #tpu.memory_space<hbm>> -> memref<32x128xf32, #tpu.memory_space<hbm>>
      tpu.enqueue_dma source(%dma_start3A_935 : memref<32x128xf32, #tpu.memory_space<hbm>>) target(%dma_start3A_933 : memref<32x128xf32, #tpu.memory_space<vmem>>) target_semaphore(%arg12 : memref<!tpu.dma_semaphore, #tpu.memory_space<semaphore_mem>>)
      %slice3A_936 = vector.extract_strided_slice %mul3A_833 {offsets = [2], sizes = [1], strides = [1]} : vector<16xi32> to vector<1xi32>
      %squeeze3A_937 = vector.extract %slice3A_936[0] : i32 from vector<1xi32>
      %multiple_of3A_938 = tpu.assume_multiple %squeeze3A_937, 128 : i32
      %slice3A_939 = vector.extract_strided_slice %mul3A_867 {offsets = [2], sizes = [1], strides = [1]} : vector<16xi32> to vector<1xi32>
      %squeeze3A_940 = vector.extract %slice3A_939[0] : i32 from vector<1xi32>
      %multiple_of3A_941 = tpu.assume_multiple %squeeze3A_940, 128 : i32
      %dma_start3A_942 = arith.constant 0 : i32
      %dma_start3A_943 = arith.constant 4 : i32
      %dma_start3A_944 = arith.constant 0 : i32
      %dma_start3A_945 = arith.constant 0 : i32
      %dma_start3A_946 = tpu.memref_slice %arg9[%dma_start3A_942, %dma_start3A_943, %dma_start3A_944, %dma_start3A_945] : memref<2x8x32x128xf32, #tpu.memory_space<vmem>> -> memref<1x1x32x128xf32, #tpu.memory_space<vmem>>
      %dma_start3A_947 = tpu.memref_squeeze %dma_start3A_946 : memref<1x1x32x128xf32, #tpu.memory_space<vmem>> -> memref<32x128xf32, #tpu.memory_space<vmem>>
      %dma_start3A_948 = arith.constant 0 : i32
      %dma_start3A_949 = tpu.memref_slice %arg4[%dma_start3A_948, %multiple_of3A_938] : memref<32x1000000xf32, #tpu.memory_space<hbm>> -> memref<32x128xf32, #tpu.memory_space<hbm>>
      %dma_start3A_950 = arith.constant 0 : i32
      %dma_start3A_951 = arith.constant 0 : i32
      %dma_start3A_952 = tpu.memref_slice %arg9[%dma_start3A_942, %dma_start3A_943, %dma_start3A_950, %dma_start3A_951] : memref<2x8x32x128xf32, #tpu.memory_space<vmem>> -> memref<1x1x32x128xf32, #tpu.memory_space<vmem>>
      %dma_start3A_953 = tpu.memref_squeeze %dma_start3A_952 : memref<1x1x32x128xf32, #tpu.memory_space<vmem>> -> memref<32x128xf32, #tpu.memory_space<vmem>>
      %dma_start3A_954 = arith.constant 0 : i32
      %dma_start3A_955 = tpu.memref_slice %arg4[%dma_start3A_954, %multiple_of3A_938] : memref<32x1000000xf32, #tpu.memory_space<hbm>> -> memref<32x128xf32, #tpu.memory_space<hbm>>
      tpu.enqueue_dma source(%dma_start3A_955 : memref<32x128xf32, #tpu.memory_space<hbm>>) target(%dma_start3A_953 : memref<32x128xf32, #tpu.memory_space<vmem>>) target_semaphore(%arg12 : memref<!tpu.dma_semaphore, #tpu.memory_space<semaphore_mem>>)
      %dma_start3A_956 = arith.constant 0 : i32
      %dma_start3A_957 = arith.constant 5 : i32
      %dma_start3A_958 = arith.constant 0 : i32
      %dma_start3A_959 = arith.constant 0 : i32
      %dma_start3A_960 = tpu.memref_slice %arg9[%dma_start3A_956, %dma_start3A_957, %dma_start3A_958, %dma_start3A_959] : memref<2x8x32x128xf32, #tpu.memory_space<vmem>> -> memref<1x1x32x128xf32, #tpu.memory_space<vmem>>
      %dma_start3A_961 = tpu.memref_squeeze %dma_start3A_960 : memref<1x1x32x128xf32, #tpu.memory_space<vmem>> -> memref<32x128xf32, #tpu.memory_space<vmem>>
      %dma_start3A_962 = arith.constant 0 : i32
      %dma_start3A_963 = tpu.memref_slice %arg5[%dma_start3A_962, %multiple_of3A_941] : memref<32x1000000xf32, #tpu.memory_space<hbm>> -> memref<32x128xf32, #tpu.memory_space<hbm>>
      %dma_start3A_964 = arith.constant 0 : i32
      %dma_start3A_965 = arith.constant 0 : i32
      %dma_start3A_966 = tpu.memref_slice %arg9[%dma_start3A_956, %dma_start3A_957, %dma_start3A_964, %dma_start3A_965] : memref<2x8x32x128xf32, #tpu.memory_space<vmem>> -> memref<1x1x32x128xf32, #tpu.memory_space<vmem>>
      %dma_start3A_967 = tpu.memref_squeeze %dma_start3A_966 : memref<1x1x32x128xf32, #tpu.memory_space<vmem>> -> memref<32x128xf32, #tpu.memory_space<vmem>>
      %dma_start3A_968 = arith.constant 0 : i32
      %dma_start3A_969 = tpu.memref_slice %arg5[%dma_start3A_968, %multiple_of3A_941] : memref<32x1000000xf32, #tpu.memory_space<hbm>> -> memref<32x128xf32, #tpu.memory_space<hbm>>
      tpu.enqueue_dma source(%dma_start3A_969 : memref<32x128xf32, #tpu.memory_space<hbm>>) target(%dma_start3A_967 : memref<32x128xf32, #tpu.memory_space<vmem>>) target_semaphore(%arg12 : memref<!tpu.dma_semaphore, #tpu.memory_space<semaphore_mem>>)
      %slice3A_970 = vector.extract_strided_slice %mul3A_833 {offsets = [3], sizes = [1], strides = [1]} : vector<16xi32> to vector<1xi32>
      %squeeze3A_971 = vector.extract %slice3A_970[0] : i32 from vector<1xi32>
      %multiple_of3A_972 = tpu.assume_multiple %squeeze3A_971, 128 : i32
      %slice3A_973 = vector.extract_strided_slice %mul3A_867 {offsets = [3], sizes = [1], strides = [1]} : vector<16xi32> to vector<1xi32>
      %squeeze3A_974 = vector.extract %slice3A_973[0] : i32 from vector<1xi32>
      %multiple_of3A_975 = tpu.assume_multiple %squeeze3A_974, 128 : i32
      %dma_start3A_976 = arith.constant 0 : i32
      %dma_start3A_977 = arith.constant 6 : i32
      %dma_start3A_978 = arith.constant 0 : i32
      %dma_start3A_979 = arith.constant 0 : i32
      %dma_start3A_980 = tpu.memref_slice %arg9[%dma_start3A_976, %dma_start3A_977, %dma_start3A_978, %dma_start3A_979] : memref<2x8x32x128xf32, #tpu.memory_space<vmem>> -> memref<1x1x32x128xf32, #tpu.memory_space<vmem>>
      %dma_start3A_981 = tpu.memref_squeeze %dma_start3A_980 : memref<1x1x32x128xf32, #tpu.memory_space<vmem>> -> memref<32x128xf32, #tpu.memory_space<vmem>>
      %dma_start3A_982 = arith.constant 0 : i32
      %dma_start3A_983 = tpu.memref_slice %arg4[%dma_start3A_982, %multiple_of3A_972] : memref<32x1000000xf32, #tpu.memory_space<hbm>> -> memref<32x128xf32, #tpu.memory_space<hbm>>
      %dma_start3A_984 = arith.constant 0 : i32
      %dma_start3A_985 = arith.constant 0 : i32
      %dma_start3A_986 = tpu.memref_slice %arg9[%dma_start3A_976, %dma_start3A_977, %dma_start3A_984, %dma_start3A_985] : memref<2x8x32x128xf32, #tpu.memory_space<vmem>> -> memref<1x1x32x128xf32, #tpu.memory_space<vmem>>
      %dma_start3A_987 = tpu.memref_squeeze %dma_start3A_986 : memref<1x1x32x128xf32, #tpu.memory_space<vmem>> -> memref<32x128xf32, #tpu.memory_space<vmem>>
      %dma_start3A_988 = arith.constant 0 : i32
      %dma_start3A_989 = tpu.memref_slice %arg4[%dma_start3A_988, %multiple_of3A_972] : memref<32x1000000xf32, #tpu.memory_space<hbm>> -> memref<32x128xf32, #tpu.memory_space<hbm>>
      tpu.enqueue_dma source(%dma_start3A_989 : memref<32x128xf32, #tpu.memory_space<hbm>>) target(%dma_start3A_987 : memref<32x128xf32, #tpu.memory_space<vmem>>) target_semaphore(%arg12 : memref<!tpu.dma_semaphore, #tpu.memory_space<semaphore_mem>>)
      %dma_start3A_990 = arith.constant 0 : i32
      %dma_start3A_991 = arith.constant 7 : i32
      %dma_start3A_992 = arith.constant 0 : i32
      %dma_start3A_993 = arith.constant 0 : i32
      %dma_start3A_994 = tpu.memref_slice %arg9[%dma_start3A_990, %dma_start3A_991, %dma_start3A_992, %dma_start3A_993] : memref<2x8x32x128xf32, #tpu.memory_space<vmem>> -> memref<1x1x32x128xf32, #tpu.memory_space<vmem>>
      %dma_start3A_995 = tpu.memref_squeeze %dma_start3A_994 : memref<1x1x32x128xf32, #tpu.memory_space<vmem>> -> memref<32x128xf32, #tpu.memory_space<vmem>>
      %dma_start3A_996 = arith.constant 0 : i32
      %dma_start3A_997 = tpu.memref_slice %arg5[%dma_start3A_996, %multiple_of3A_975] : memref<32x1000000xf32, #tpu.memory_space<hbm>> -> memref<32x128xf32, #tpu.memory_space<hbm>>
      %dma_start3A_998 = arith.constant 0 : i32
      %dma_start3A_999 = arith.constant 0 : i32
      %dma_start3A_1000 = tpu.memref_slice %arg9[%dma_start3A_990, %dma_start3A_991, %dma_start3A_998, %dma_start3A_999] : memref<2x8x32x128xf32, #tpu.memory_space<vmem>> -> memref<1x1x32x128xf32, #tpu.memory_space<vmem>>
      %dma_start3A_1001 = tpu.memref_squeeze %dma_start3A_1000 : memref<1x1x32x128xf32, #tpu.memory_space<vmem>> -> memref<32x128xf32, #tpu.memory_space<vmem>>
      %dma_start3A_1002 = arith.constant 0 : i32
      %dma_start3A_1003 = tpu.memref_slice %arg5[%dma_start3A_1002, %multiple_of3A_975] : memref<32x1000000xf32, #tpu.memory_space<hbm>> -> memref<32x128xf32, #tpu.memory_space<hbm>>
      tpu.enqueue_dma source(%dma_start3A_1003 : memref<32x128xf32, #tpu.memory_space<hbm>>) target(%dma_start3A_1001 : memref<32x128xf32, #tpu.memory_space<vmem>>) target_semaphore(%arg12 : memref<!tpu.dma_semaphore, #tpu.memory_space<semaphore_mem>>)
      %dma_wait3A_1004 = arith.constant 1 : i32
      %dma_wait3A_1005 = arith.constant 0 : i32
      %dma_wait3A_1006 = arith.constant 0 : i32
      %dma_wait3A_1007 = arith.constant 0 : i32
      %dma_wait3A_1008 = tpu.memref_slice %arg9[%dma_wait3A_1004, %dma_wait3A_1005, %dma_wait3A_1006, %dma_wait3A_1007] : memref<2x8x32x128xf32, #tpu.memory_space<vmem>> -> memref<1x1x32x128xf32, #tpu.memory_space<vmem>>
      %dma_wait3A_1009 = tpu.memref_squeeze %dma_wait3A_1008 : memref<1x1x32x128xf32, #tpu.memory_space<vmem>> -> memref<32x128xf32, #tpu.memory_space<vmem>>
      %dma_wait3A_1010 = arith.constant 0 : i32
      %dma_wait3A_1011 = tpu.memref_slice %arg4[%dma_wait3A_1010, %multiple_of3A_413] : memref<32x1000000xf32, #tpu.memory_space<hbm>> -> memref<32x128xf32, #tpu.memory_space<hbm>>
      %dma_wait3A_1012 = arith.constant 0 : i32
      %dma_wait3A_1013 = arith.constant 0 : i32
      %dma_wait3A_1014 = tpu.memref_slice %arg9[%dma_wait3A_1004, %dma_wait3A_1005, %dma_wait3A_1012, %dma_wait3A_1013] : memref<2x8x32x128xf32, #tpu.memory_space<vmem>> -> memref<1x1x32x128xf32, #tpu.memory_space<vmem>>
      %dma_wait3A_1015 = tpu.memref_squeeze %dma_wait3A_1014 : memref<1x1x32x128xf32, #tpu.memory_space<vmem>> -> memref<32x128xf32, #tpu.memory_space<vmem>>
      %dma_wait3A_1016 = arith.constant 0 : i32
      %dma_wait3A_1017 = tpu.memref_slice %arg4[%dma_wait3A_1016, %multiple_of3A_413] : memref<32x1000000xf32, #tpu.memory_space<hbm>> -> memref<32x128xf32, #tpu.memory_space<hbm>>
      tpu.wait_dma2 semaphore(%arg13 : memref<!tpu.dma_semaphore, #tpu.memory_space<semaphore_mem>>) src(%dma_wait3A_1017 : memref<32x128xf32, #tpu.memory_space<hbm>>) dst(%dma_wait3A_1015 : memref<32x128xf32, #tpu.memory_space<vmem>>)
      %dma_wait3A_1018 = arith.constant 1 : i32
      %dma_wait3A_1019 = arith.constant 1 : i32
      %dma_wait3A_1020 = arith.constant 0 : i32
      %dma_wait3A_1021 = arith.constant 0 : i32
      %dma_wait3A_1022 = tpu.memref_slice %arg9[%dma_wait3A_1018, %dma_wait3A_1019, %dma_wait3A_1020, %dma_wait3A_1021] : memref<2x8x32x128xf32, #tpu.memory_space<vmem>> -> memref<1x1x32x128xf32, #tpu.memory_space<vmem>>
      %dma_wait3A_1023 = tpu.memref_squeeze %dma_wait3A_1022 : memref<1x1x32x128xf32, #tpu.memory_space<vmem>> -> memref<32x128xf32, #tpu.memory_space<vmem>>
      %dma_wait3A_1024 = arith.constant 0 : i32
      %dma_wait3A_1025 = tpu.memref_slice %arg5[%dma_wait3A_1024, %multiple_of3A_416] : memref<32x1000000xf32, #tpu.memory_space<hbm>> -> memref<32x128xf32, #tpu.memory_space<hbm>>
      %dma_wait3A_1026 = arith.constant 0 : i32
      %dma_wait3A_1027 = arith.constant 0 : i32
      %dma_wait3A_1028 = tpu.memref_slice %arg9[%dma_wait3A_1018, %dma_wait3A_1019, %dma_wait3A_1026, %dma_wait3A_1027] : memref<2x8x32x128xf32, #tpu.memory_space<vmem>> -> memref<1x1x32x128xf32, #tpu.memory_space<vmem>>
      %dma_wait3A_1029 = tpu.memref_squeeze %dma_wait3A_1028 : memref<1x1x32x128xf32, #tpu.memory_space<vmem>> -> memref<32x128xf32, #tpu.memory_space<vmem>>
      %dma_wait3A_1030 = arith.constant 0 : i32
      %dma_wait3A_1031 = tpu.memref_slice %arg5[%dma_wait3A_1030, %multiple_of3A_416] : memref<32x1000000xf32, #tpu.memory_space<hbm>> -> memref<32x128xf32, #tpu.memory_space<hbm>>
      tpu.wait_dma2 semaphore(%arg13 : memref<!tpu.dma_semaphore, #tpu.memory_space<semaphore_mem>>) src(%dma_wait3A_1031 : memref<32x128xf32, #tpu.memory_space<hbm>>) dst(%dma_wait3A_1029 : memref<32x128xf32, #tpu.memory_space<vmem>>)
      %dma_wait3A_1032 = arith.constant 1 : i32
      %dma_wait3A_1033 = arith.constant 2 : i32
      %dma_wait3A_1034 = arith.constant 0 : i32
      %dma_wait3A_1035 = arith.constant 0 : i32
      %dma_wait3A_1036 = tpu.memref_slice %arg9[%dma_wait3A_1032, %dma_wait3A_1033, %dma_wait3A_1034, %dma_wait3A_1035] : memref<2x8x32x128xf32, #tpu.memory_space<vmem>> -> memref<1x1x32x128xf32, #tpu.memory_space<vmem>>
      %dma_wait3A_1037 = tpu.memref_squeeze %dma_wait3A_1036 : memref<1x1x32x128xf32, #tpu.memory_space<vmem>> -> memref<32x128xf32, #tpu.memory_space<vmem>>
      %dma_wait3A_1038 = arith.constant 0 : i32
      %dma_wait3A_1039 = tpu.memref_slice %arg4[%dma_wait3A_1038, %multiple_of3A_447] : memref<32x1000000xf32, #tpu.memory_space<hbm>> -> memref<32x128xf32, #tpu.memory_space<hbm>>
      %dma_wait3A_1040 = arith.constant 0 : i32
      %dma_wait3A_1041 = arith.constant 0 : i32
      %dma_wait3A_1042 = tpu.memref_slice %arg9[%dma_wait3A_1032, %dma_wait3A_1033, %dma_wait3A_1040, %dma_wait3A_1041] : memref<2x8x32x128xf32, #tpu.memory_space<vmem>> -> memref<1x1x32x128xf32, #tpu.memory_space<vmem>>
      %dma_wait3A_1043 = tpu.memref_squeeze %dma_wait3A_1042 : memref<1x1x32x128xf32, #tpu.memory_space<vmem>> -> memref<32x128xf32, #tpu.memory_space<vmem>>
      %dma_wait3A_1044 = arith.constant 0 : i32
      %dma_wait3A_1045 = tpu.memref_slice %arg4[%dma_wait3A_1044, %multiple_of3A_447] : memref<32x1000000xf32, #tpu.memory_space<hbm>> -> memref<32x128xf32, #tpu.memory_space<hbm>>
      tpu.wait_dma2 semaphore(%arg13 : memref<!tpu.dma_semaphore, #tpu.memory_space<semaphore_mem>>) src(%dma_wait3A_1045 : memref<32x128xf32, #tpu.memory_space<hbm>>) dst(%dma_wait3A_1043 : memref<32x128xf32, #tpu.memory_space<vmem>>)
      %dma_wait3A_1046 = arith.constant 1 : i32
      %dma_wait3A_1047 = arith.constant 3 : i32
      %dma_wait3A_1048 = arith.constant 0 : i32
      %dma_wait3A_1049 = arith.constant 0 : i32
      %dma_wait3A_1050 = tpu.memref_slice %arg9[%dma_wait3A_1046, %dma_wait3A_1047, %dma_wait3A_1048, %dma_wait3A_1049] : memref<2x8x32x128xf32, #tpu.memory_space<vmem>> -> memref<1x1x32x128xf32, #tpu.memory_space<vmem>>
      %dma_wait3A_1051 = tpu.memref_squeeze %dma_wait3A_1050 : memref<1x1x32x128xf32, #tpu.memory_space<vmem>> -> memref<32x128xf32, #tpu.memory_space<vmem>>
      %dma_wait3A_1052 = arith.constant 0 : i32
      %dma_wait3A_1053 = tpu.memref_slice %arg5[%dma_wait3A_1052, %multiple_of3A_450] : memref<32x1000000xf32, #tpu.memory_space<hbm>> -> memref<32x128xf32, #tpu.memory_space<hbm>>
      %dma_wait3A_1054 = arith.constant 0 : i32
      %dma_wait3A_1055 = arith.constant 0 : i32
      %dma_wait3A_1056 = tpu.memref_slice %arg9[%dma_wait3A_1046, %dma_wait3A_1047, %dma_wait3A_1054, %dma_wait3A_1055] : memref<2x8x32x128xf32, #tpu.memory_space<vmem>> -> memref<1x1x32x128xf32, #tpu.memory_space<vmem>>
      %dma_wait3A_1057 = tpu.memref_squeeze %dma_wait3A_1056 : memref<1x1x32x128xf32, #tpu.memory_space<vmem>> -> memref<32x128xf32, #tpu.memory_space<vmem>>
      %dma_wait3A_1058 = arith.constant 0 : i32
      %dma_wait3A_1059 = tpu.memref_slice %arg5[%dma_wait3A_1058, %multiple_of3A_450] : memref<32x1000000xf32, #tpu.memory_space<hbm>> -> memref<32x128xf32, #tpu.memory_space<hbm>>
      tpu.wait_dma2 semaphore(%arg13 : memref<!tpu.dma_semaphore, #tpu.memory_space<semaphore_mem>>) src(%dma_wait3A_1059 : memref<32x128xf32, #tpu.memory_space<hbm>>) dst(%dma_wait3A_1057 : memref<32x128xf32, #tpu.memory_space<vmem>>)
      %dma_wait3A_1060 = arith.constant 1 : i32
      %dma_wait3A_1061 = arith.constant 4 : i32
      %dma_wait3A_1062 = arith.constant 0 : i32
      %dma_wait3A_1063 = arith.constant 0 : i32
      %dma_wait3A_1064 = tpu.memref_slice %arg9[%dma_wait3A_1060, %dma_wait3A_1061, %dma_wait3A_1062, %dma_wait3A_1063] : memref<2x8x32x128xf32, #tpu.memory_space<vmem>> -> memref<1x1x32x128xf32, #tpu.memory_space<vmem>>
      %dma_wait3A_1065 = tpu.memref_squeeze %dma_wait3A_1064 : memref<1x1x32x128xf32, #tpu.memory_space<vmem>> -> memref<32x128xf32, #tpu.memory_space<vmem>>
      %dma_wait3A_1066 = arith.constant 0 : i32
      %dma_wait3A_1067 = tpu.memref_slice %arg4[%dma_wait3A_1066, %multiple_of3A_481] : memref<32x1000000xf32, #tpu.memory_space<hbm>> -> memref<32x128xf32, #tpu.memory_space<hbm>>
      %dma_wait3A_1068 = arith.constant 0 : i32
      %dma_wait3A_1069 = arith.constant 0 : i32
      %dma_wait3A_1070 = tpu.memref_slice %arg9[%dma_wait3A_1060, %dma_wait3A_1061, %dma_wait3A_1068, %dma_wait3A_1069] : memref<2x8x32x128xf32, #tpu.memory_space<vmem>> -> memref<1x1x32x128xf32, #tpu.memory_space<vmem>>
      %dma_wait3A_1071 = tpu.memref_squeeze %dma_wait3A_1070 : memref<1x1x32x128xf32, #tpu.memory_space<vmem>> -> memref<32x128xf32, #tpu.memory_space<vmem>>
      %dma_wait3A_1072 = arith.constant 0 : i32
      %dma_wait3A_1073 = tpu.memref_slice %arg4[%dma_wait3A_1072, %multiple_of3A_481] : memref<32x1000000xf32, #tpu.memory_space<hbm>> -> memref<32x128xf32, #tpu.memory_space<hbm>>
      tpu.wait_dma2 semaphore(%arg13 : memref<!tpu.dma_semaphore, #tpu.memory_space<semaphore_mem>>) src(%dma_wait3A_1073 : memref<32x128xf32, #tpu.memory_space<hbm>>) dst(%dma_wait3A_1071 : memref<32x128xf32, #tpu.memory_space<vmem>>)
      %dma_wait3A_1074 = arith.constant 1 : i32
      %dma_wait3A_1075 = arith.constant 5 : i32
      %dma_wait3A_1076 = arith.constant 0 : i32
      %dma_wait3A_1077 = arith.constant 0 : i32
      %dma_wait3A_1078 = tpu.memref_slice %arg9[%dma_wait3A_1074, %dma_wait3A_1075, %dma_wait3A_1076, %dma_wait3A_1077] : memref<2x8x32x128xf32, #tpu.memory_space<vmem>> -> memref<1x1x32x128xf32, #tpu.memory_space<vmem>>
      %dma_wait3A_1079 = tpu.memref_squeeze %dma_wait3A_1078 : memref<1x1x32x128xf32, #tpu.memory_space<vmem>> -> memref<32x128xf32, #tpu.memory_space<vmem>>
      %dma_wait3A_1080 = arith.constant 0 : i32
      %dma_wait3A_1081 = tpu.memref_slice %arg5[%dma_wait3A_1080, %multiple_of3A_484] : memref<32x1000000xf32, #tpu.memory_space<hbm>> -> memref<32x128xf32, #tpu.memory_space<hbm>>
      %dma_wait3A_1082 = arith.constant 0 : i32
      %dma_wait3A_1083 = arith.constant 0 : i32
      %dma_wait3A_1084 = tpu.memref_slice %arg9[%dma_wait3A_1074, %dma_wait3A_1075, %dma_wait3A_1082, %dma_wait3A_1083] : memref<2x8x32x128xf32, #tpu.memory_space<vmem>> -> memref<1x1x32x128xf32, #tpu.memory_space<vmem>>
      %dma_wait3A_1085 = tpu.memref_squeeze %dma_wait3A_1084 : memref<1x1x32x128xf32, #tpu.memory_space<vmem>> -> memref<32x128xf32, #tpu.memory_space<vmem>>
      %dma_wait3A_1086 = arith.constant 0 : i32
      %dma_wait3A_1087 = tpu.memref_slice %arg5[%dma_wait3A_1086, %multiple_of3A_484] : memref<32x1000000xf32, #tpu.memory_space<hbm>> -> memref<32x128xf32, #tpu.memory_space<hbm>>
      tpu.wait_dma2 semaphore(%arg13 : memref<!tpu.dma_semaphore, #tpu.memory_space<semaphore_mem>>) src(%dma_wait3A_1087 : memref<32x128xf32, #tpu.memory_space<hbm>>) dst(%dma_wait3A_1085 : memref<32x128xf32, #tpu.memory_space<vmem>>)
      %dma_wait3A_1088 = arith.constant 1 : i32
      %dma_wait3A_1089 = arith.constant 6 : i32
      %dma_wait3A_1090 = arith.constant 0 : i32
      %dma_wait3A_1091 = arith.constant 0 : i32
      %dma_wait3A_1092 = tpu.memref_slice %arg9[%dma_wait3A_1088, %dma_wait3A_1089, %dma_wait3A_1090, %dma_wait3A_1091] : memref<2x8x32x128xf32, #tpu.memory_space<vmem>> -> memref<1x1x32x128xf32, #tpu.memory_space<vmem>>
      %dma_wait3A_1093 = tpu.memref_squeeze %dma_wait3A_1092 : memref<1x1x32x128xf32, #tpu.memory_space<vmem>> -> memref<32x128xf32, #tpu.memory_space<vmem>>
      %dma_wait3A_1094 = arith.constant 0 : i32
      %dma_wait3A_1095 = tpu.memref_slice %arg4[%dma_wait3A_1094, %multiple_of3A_515] : memref<32x1000000xf32, #tpu.memory_space<hbm>> -> memref<32x128xf32, #tpu.memory_space<hbm>>
      %dma_wait3A_1096 = arith.constant 0 : i32
      %dma_wait3A_1097 = arith.constant 0 : i32
      %dma_wait3A_1098 = tpu.memref_slice %arg9[%dma_wait3A_1088, %dma_wait3A_1089, %dma_wait3A_1096, %dma_wait3A_1097] : memref<2x8x32x128xf32, #tpu.memory_space<vmem>> -> memref<1x1x32x128xf32, #tpu.memory_space<vmem>>
      %dma_wait3A_1099 = tpu.memref_squeeze %dma_wait3A_1098 : memref<1x1x32x128xf32, #tpu.memory_space<vmem>> -> memref<32x128xf32, #tpu.memory_space<vmem>>
      %dma_wait3A_1100 = arith.constant 0 : i32
      %dma_wait3A_1101 = tpu.memref_slice %arg4[%dma_wait3A_1100, %multiple_of3A_515] : memref<32x1000000xf32, #tpu.memory_space<hbm>> -> memref<32x128xf32, #tpu.memory_space<hbm>>
      tpu.wait_dma2 semaphore(%arg13 : memref<!tpu.dma_semaphore, #tpu.memory_space<semaphore_mem>>) src(%dma_wait3A_1101 : memref<32x128xf32, #tpu.memory_space<hbm>>) dst(%dma_wait3A_1099 : memref<32x128xf32, #tpu.memory_space<vmem>>)
      %dma_wait3A_1102 = arith.constant 1 : i32
      %dma_wait3A_1103 = arith.constant 7 : i32
      %dma_wait3A_1104 = arith.constant 0 : i32
      %dma_wait3A_1105 = arith.constant 0 : i32
      %dma_wait3A_1106 = tpu.memref_slice %arg9[%dma_wait3A_1102, %dma_wait3A_1103, %dma_wait3A_1104, %dma_wait3A_1105] : memref<2x8x32x128xf32, #tpu.memory_space<vmem>> -> memref<1x1x32x128xf32, #tpu.memory_space<vmem>>
      %dma_wait3A_1107 = tpu.memref_squeeze %dma_wait3A_1106 : memref<1x1x32x128xf32, #tpu.memory_space<vmem>> -> memref<32x128xf32, #tpu.memory_space<vmem>>
      %dma_wait3A_1108 = arith.constant 0 : i32
      %dma_wait3A_1109 = tpu.memref_slice %arg5[%dma_wait3A_1108, %multiple_of3A_518] : memref<32x1000000xf32, #tpu.memory_space<hbm>> -> memref<32x128xf32, #tpu.memory_space<hbm>>
      %dma_wait3A_1110 = arith.constant 0 : i32
      %dma_wait3A_1111 = arith.constant 0 : i32
      %dma_wait3A_1112 = tpu.memref_slice %arg9[%dma_wait3A_1102, %dma_wait3A_1103, %dma_wait3A_1110, %dma_wait3A_1111] : memref<2x8x32x128xf32, #tpu.memory_space<vmem>> -> memref<1x1x32x128xf32, #tpu.memory_space<vmem>>
      %dma_wait3A_1113 = tpu.memref_squeeze %dma_wait3A_1112 : memref<1x1x32x128xf32, #tpu.memory_space<vmem>> -> memref<32x128xf32, #tpu.memory_space<vmem>>
      %dma_wait3A_1114 = arith.constant 0 : i32
      %dma_wait3A_1115 = tpu.memref_slice %arg5[%dma_wait3A_1114, %multiple_of3A_518] : memref<32x1000000xf32, #tpu.memory_space<hbm>> -> memref<32x128xf32, #tpu.memory_space<hbm>>
      tpu.wait_dma2 semaphore(%arg13 : memref<!tpu.dma_semaphore, #tpu.memory_space<semaphore_mem>>) src(%dma_wait3A_1115 : memref<32x128xf32, #tpu.memory_space<hbm>>) dst(%dma_wait3A_1113 : memref<32x128xf32, #tpu.memory_space<vmem>>)
      %mul3A_1116 = arith.constant 4 : i32
      %mul3A_1117 = arith.muli %add3A_331, %mul3A_1116 : i32
      %get3A_1118 = arith.index_cast %mul3A_1117 : i32 to index
      %get3A_1119 = tpu.vector_load %arg7[%get3A_1118] {strides = array<i32>} : memref<528xi32, #tpu.memory_space<vmem>>, vector<16xi32>,
      %mul3A_1120 = arith.constant 4 : i32
      %mul3A_1121 = arith.muli %add3A_331, %mul3A_1120 : i32
      %get3A_1122 = arith.index_cast %mul3A_1121 : i32 to index
      %get3A_1123 = tpu.vector_load %arg8[%get3A_1122] {strides = array<i32>} : memref<528xi32, #tpu.memory_space<vmem>>, vector<16xi32>,
      %jit3A_1124 = arith.constant 128 : i32
      %eq3A_1125 = arith.constant 0 : i32
      %eq3A_1126 = arith.cmpi eq, %jit3A_1124, %eq3A_1125 : i32
      %jit3A_1127 = arith.constant 1 : i32
      %select_n3A_1128 = arith.select %eq3A_1126, %jit3A_1127, %jit3A_1124 : i32
      %rem3A_1129 = vector.broadcast %select_n3A_1128 : i32 to vector<16xi32>
      %rem3A_1130 = arith.remsi %get3A_1119, %rem3A_1129 : vector<16xi32>
      %ne3A_1131 = arith.constant 0 : i32
      %ne3A_1132 = vector.broadcast %ne3A_1131 : i32 to vector<16xi32>
      %ne3A_1133 = arith.cmpi ne, %rem3A_1130, %ne3A_1132 : vector<16xi32>
      %lt3A_1134 = arith.constant 0 : i32
      %lt3A_1135 = vector.broadcast %lt3A_1134 : i32 to vector<16xi32>
      %lt3A_1136 = arith.cmpi slt, %rem3A_1130, %lt3A_1135 : vector<16xi32>
      %lt3A_1137 = arith.constant 0 : i32
      %lt3A_1138 = arith.cmpi slt, %select_n3A_1128, %lt3A_1137 : i32
      %ne3A_1139 = vector.broadcast %lt3A_1138 : i1 to vector<16xi1>
      %ne3A_1140 = vector.broadcast %ne3A_1139 : vector<16xi1> to vector<16xi1>
      %ne3A_1141 = arith.xori %lt3A_1136, %ne3A_1140 : vector<16xi1>
      %and3A_1142 = arith.andi %ne3A_1141, %ne3A_1133 : vector<16xi1>
      %add3A_1143 = vector.broadcast %select_n3A_1128 : i32 to vector<16xi32>
      %add3A_1144 = arith.addi %rem3A_1130, %add3A_1143 : vector<16xi32>
      %select_n3A_1145 = arith.select %and3A_1142, %add3A_1144, %rem3A_1130 : vector<16xi1>, vector<16xi32>
      %jit3A_1146 = arith.constant 128 : i32
      %eq3A_1147 = arith.constant 0 : i32
      %eq3A_1148 = arith.cmpi eq, %jit3A_1146, %eq3A_1147 : i32
      %jit3A_1149 = arith.constant 1 : i32
      %select_n3A_1150 = arith.select %eq3A_1148, %jit3A_1149, %jit3A_1146 : i32
      %rem3A_1151 = vector.broadcast %select_n3A_1150 : i32 to vector<16xi32>
      %rem3A_1152 = arith.remsi %get3A_1123, %rem3A_1151 : vector<16xi32>
      %ne3A_1153 = arith.constant 0 : i32
      %ne3A_1154 = vector.broadcast %ne3A_1153 : i32 to vector<16xi32>
      %ne3A_1155 = arith.cmpi ne, %rem3A_1152, %ne3A_1154 : vector<16xi32>
      %lt3A_1156 = arith.constant 0 : i32
      %lt3A_1157 = vector.broadcast %lt3A_1156 : i32 to vector<16xi32>
      %lt3A_1158 = arith.cmpi slt, %rem3A_1152, %lt3A_1157 : vector<16xi32>
      %lt3A_1159 = arith.constant 0 : i32
      %lt3A_1160 = arith.cmpi slt, %select_n3A_1150, %lt3A_1159 : i32
      %ne3A_1161 = vector.broadcast %lt3A_1160 : i1 to vector<16xi1>
      %ne3A_1162 = vector.broadcast %ne3A_1161 : vector<16xi1> to vector<16xi1>
      %ne3A_1163 = arith.xori %lt3A_1158, %ne3A_1162 : vector<16xi1>
      %and3A_1164 = arith.andi %ne3A_1163, %ne3A_1155 : vector<16xi1>
      %add3A_1165 = vector.broadcast %select_n3A_1150 : i32 to vector<16xi32>
      %add3A_1166 = arith.addi %rem3A_1152, %add3A_1165 : vector<16xi32>
      %select_n3A_1167 = arith.select %and3A_1164, %add3A_1166, %rem3A_1152 : vector<16xi1>, vector<16xi32>
      %slice3A_1168 = vector.extract_strided_slice %select_n3A_1145 {offsets = [0], sizes = [1], strides = [1]} : vector<16xi32> to vector<1xi32>
      %squeeze3A_1169 = vector.extract %slice3A_1168[0] : i32 from vector<1xi32>
      %broadcast_in_dim3A_1170 = vector.broadcast %squeeze3A_1169 : i32 to vector<16xi32>
      %slice3A_1171 = vector.extract_strided_slice %select_n3A_1167 {offsets = [0], sizes = [1], strides = [1]} : vector<16xi32> to vector<1xi32>
      %squeeze3A_1172 = vector.extract %slice3A_1171[0] : i32 from vector<1xi32>
      %broadcast_in_dim3A_1173 = vector.broadcast %squeeze3A_1172 : i32 to vector<16xi32>
      %gather3A_1174 = arith.constant 1 : i32
      %gather3A_1175 = arith.constant 0 : i32
      %gather3A_1176 = arith.constant 0 : i32
      %gather3A_1177 = arith.constant 0 : i32
      %gather3A_1178 = tpu.memref_slice %arg9[%gather3A_1174, %gather3A_1175, %gather3A_1176, %gather3A_1177] : memref<2x8x32x128xf32, #tpu.memory_space<vmem>> -> memref<1x1x32x128xf32, #tpu.memory_space<vmem>>
      %gather3A_1179 = tpu.memref_squeeze %gather3A_1178 : memref<1x1x32x128xf32, #tpu.memory_space<vmem>> -> memref<32x128xf32, #tpu.memory_space<vmem>>
      %gather3A_1180 = tpu.vector_load_idx %gather3A_1179[%iota3A, %broadcast_in_dim3A_1170] : memref<32x128xf32, #tpu.memory_space<vmem>>[vector<16xi32>, vector<16xi32>], vector<16xf32>,
      %add3A_1181 = arith.constant 16 : i32
      %add3A_1182 = vector.broadcast %add3A_1181 : i32 to vector<16xi32>
      %add3A_1183 = arith.addi %iota3A, %add3A_1182 : vector<16xi32>
      %gather3A_1184 = arith.constant 1 : i32
      %gather3A_1185 = arith.constant 0 : i32
      %gather3A_1186 = arith.constant 0 : i32
      %gather3A_1187 = arith.constant 0 : i32
      %gather3A_1188 = tpu.memref_slice %arg9[%gather3A_1184, %gather3A_1185, %gather3A_1186, %gather3A_1187] : memref<2x8x32x128xf32, #tpu.memory_space<vmem>> -> memref<1x1x32x128xf32, #tpu.memory_space<vmem>>
      %gather3A_1189 = tpu.memref_squeeze %gather3A_1188 : memref<1x1x32x128xf32, #tpu.memory_space<vmem>> -> memref<32x128xf32, #tpu.memory_space<vmem>>
      %gather3A_1190 = tpu.vector_load_idx %gather3A_1189[%add3A_1183, %broadcast_in_dim3A_1170] : memref<32x128xf32, #tpu.memory_space<vmem>>[vector<16xi32>, vector<16xi32>], vector<16xf32>,
      %gather3A_1191 = arith.constant 1 : i32
      %gather3A_1192 = arith.constant 1 : i32
      %gather3A_1193 = arith.constant 0 : i32
      %gather3A_1194 = arith.constant 0 : i32
      %gather3A_1195 = tpu.memref_slice %arg9[%gather3A_1191, %gather3A_1192, %gather3A_1193, %gather3A_1194] : memref<2x8x32x128xf32, #tpu.memory_space<vmem>> -> memref<1x1x32x128xf32, #tpu.memory_space<vmem>>
      %gather3A_1196 = tpu.memref_squeeze %gather3A_1195 : memref<1x1x32x128xf32, #tpu.memory_space<vmem>> -> memref<32x128xf32, #tpu.memory_space<vmem>>
      %gather3A_1197 = tpu.vector_load_idx %gather3A_1196[%iota3A, %broadcast_in_dim3A_1173] : memref<32x128xf32, #tpu.memory_space<vmem>>[vector<16xi32>, vector<16xi32>], vector<16xf32>,
      %add3A_1198 = arith.constant 16 : i32
      %add3A_1199 = vector.broadcast %add3A_1198 : i32 to vector<16xi32>
      %add3A_1200 = arith.addi %iota3A, %add3A_1199 : vector<16xi32>
      %gather3A_1201 = arith.constant 1 : i32
      %gather3A_1202 = arith.constant 1 : i32
      %gather3A_1203 = arith.constant 0 : i32
      %gather3A_1204 = arith.constant 0 : i32
      %gather3A_1205 = tpu.memref_slice %arg9[%gather3A_1201, %gather3A_1202, %gather3A_1203, %gather3A_1204] : memref<2x8x32x128xf32, #tpu.memory_space<vmem>> -> memref<1x1x32x128xf32, #tpu.memory_space<vmem>>
      %gather3A_1206 = tpu.memref_squeeze %gather3A_1205 : memref<1x1x32x128xf32, #tpu.memory_space<vmem>> -> memref<32x128xf32, #tpu.memory_space<vmem>>
      %gather3A_1207 = tpu.vector_load_idx %gather3A_1206[%add3A_1200, %broadcast_in_dim3A_1173] : memref<32x128xf32, #tpu.memory_space<vmem>>[vector<16xi32>, vector<16xi32>], vector<16xf32>,
      %mul3A_1208 = arith.mulf %gather3A_1180, %gather3A_1197 : vector<16xf32>
      %mul3A_1209 = arith.mulf %gather3A_1190, %gather3A_1207 : vector<16xf32>
      %add3A_1210 = arith.addf %mul3A_1208, %mul3A_1209 : vector<16xf32>
      %mul3A_1211 = arith.constant 4 : i32
      %mul3A_1212 = arith.muli %add3A_331, %mul3A_1211 : i32
      %add3A_1213 = arith.constant 0 : i32
      %add3A_1214 = arith.addi %mul3A_1212, %add3A_1213 : i32
      %add3A_1215 = vector.broadcast %add3A_1214 : i32 to vector<16xi32>
      %add3A_1216 = arith.addi %mul3A_9, %add3A_1215 : vector<16xi32>
      tpu.vector_store_idx %arg10[%add3A_1216], %add3A_1210 : memref<8192xf32, #tpu.memory_space<vmem>>[vector<16xi32>], vector<16xf32>,
      %slice3A_1217 = vector.extract_strided_slice %select_n3A_1145 {offsets = [1], sizes = [1], strides = [1]} : vector<16xi32> to vector<1xi32>
      %squeeze3A_1218 = vector.extract %slice3A_1217[0] : i32 from vector<1xi32>
      %broadcast_in_dim3A_1219 = vector.broadcast %squeeze3A_1218 : i32 to vector<16xi32>
      %slice3A_1220 = vector.extract_strided_slice %select_n3A_1167 {offsets = [1], sizes = [1], strides = [1]} : vector<16xi32> to vector<1xi32>
      %squeeze3A_1221 = vector.extract %slice3A_1220[0] : i32 from vector<1xi32>
      %broadcast_in_dim3A_1222 = vector.broadcast %squeeze3A_1221 : i32 to vector<16xi32>
      %gather3A_1223 = arith.constant 1 : i32
      %gather3A_1224 = arith.constant 2 : i32
      %gather3A_1225 = arith.constant 0 : i32
      %gather3A_1226 = arith.constant 0 : i32
      %gather3A_1227 = tpu.memref_slice %arg9[%gather3A_1223, %gather3A_1224, %gather3A_1225, %gather3A_1226] : memref<2x8x32x128xf32, #tpu.memory_space<vmem>> -> memref<1x1x32x128xf32, #tpu.memory_space<vmem>>
      %gather3A_1228 = tpu.memref_squeeze %gather3A_1227 : memref<1x1x32x128xf32, #tpu.memory_space<vmem>> -> memref<32x128xf32, #tpu.memory_space<vmem>>
      %gather3A_1229 = tpu.vector_load_idx %gather3A_1228[%iota3A, %broadcast_in_dim3A_1219] : memref<32x128xf32, #tpu.memory_space<vmem>>[vector<16xi32>, vector<16xi32>], vector<16xf32>,
      %add3A_1230 = arith.constant 16 : i32
      %add3A_1231 = vector.broadcast %add3A_1230 : i32 to vector<16xi32>
      %add3A_1232 = arith.addi %iota3A, %add3A_1231 : vector<16xi32>
      %gather3A_1233 = arith.constant 1 : i32
      %gather3A_1234 = arith.constant 2 : i32
      %gather3A_1235 = arith.constant 0 : i32
      %gather3A_1236 = arith.constant 0 : i32
      %gather3A_1237 = tpu.memref_slice %arg9[%gather3A_1233, %gather3A_1234, %gather3A_1235, %gather3A_1236] : memref<2x8x32x128xf32, #tpu.memory_space<vmem>> -> memref<1x1x32x128xf32, #tpu.memory_space<vmem>>
      %gather3A_1238 = tpu.memref_squeeze %gather3A_1237 : memref<1x1x32x128xf32, #tpu.memory_space<vmem>> -> memref<32x128xf32, #tpu.memory_space<vmem>>
      %gather3A_1239 = tpu.vector_load_idx %gather3A_1238[%add3A_1232, %broadcast_in_dim3A_1219] : memref<32x128xf32, #tpu.memory_space<vmem>>[vector<16xi32>, vector<16xi32>], vector<16xf32>,
      %gather3A_1240 = arith.constant 1 : i32
      %gather3A_1241 = arith.constant 3 : i32
      %gather3A_1242 = arith.constant 0 : i32
      %gather3A_1243 = arith.constant 0 : i32
      %gather3A_1244 = tpu.memref_slice %arg9[%gather3A_1240, %gather3A_1241, %gather3A_1242, %gather3A_1243] : memref<2x8x32x128xf32, #tpu.memory_space<vmem>> -> memref<1x1x32x128xf32, #tpu.memory_space<vmem>>
      %gather3A_1245 = tpu.memref_squeeze %gather3A_1244 : memref<1x1x32x128xf32, #tpu.memory_space<vmem>> -> memref<32x128xf32, #tpu.memory_space<vmem>>
      %gather3A_1246 = tpu.vector_load_idx %gather3A_1245[%iota3A, %broadcast_in_dim3A_1222] : memref<32x128xf32, #tpu.memory_space<vmem>>[vector<16xi32>, vector<16xi32>], vector<16xf32>,
      %add3A_1247 = arith.constant 16 : i32
      %add3A_1248 = vector.broadcast %add3A_1247 : i32 to vector<16xi32>
      %add3A_1249 = arith.addi %iota3A, %add3A_1248 : vector<16xi32>
      %gather3A_1250 = arith.constant 1 : i32
      %gather3A_1251 = arith.constant 3 : i32
      %gather3A_1252 = arith.constant 0 : i32
      %gather3A_1253 = arith.constant 0 : i32
      %gather3A_1254 = tpu.memref_slice %arg9[%gather3A_1250, %gather3A_1251, %gather3A_1252, %gather3A_1253] : memref<2x8x32x128xf32, #tpu.memory_space<vmem>> -> memref<1x1x32x128xf32, #tpu.memory_space<vmem>>
      %gather3A_1255 = tpu.memref_squeeze %gather3A_1254 : memref<1x1x32x128xf32, #tpu.memory_space<vmem>> -> memref<32x128xf32, #tpu.memory_space<vmem>>
      %gather3A_1256 = tpu.vector_load_idx %gather3A_1255[%add3A_1249, %broadcast_in_dim3A_1222] : memref<32x128xf32, #tpu.memory_space<vmem>>[vector<16xi32>, vector<16xi32>], vector<16xf32>,
      %mul3A_1257 = arith.mulf %gather3A_1229, %gather3A_1246 : vector<16xf32>
      %mul3A_1258 = arith.mulf %gather3A_1239, %gather3A_1256 : vector<16xf32>
      %add3A_1259 = arith.addf %mul3A_1257, %mul3A_1258 : vector<16xf32>
      %mul3A_1260 = arith.constant 4 : i32
      %mul3A_1261 = arith.muli %add3A_331, %mul3A_1260 : i32
      %add3A_1262 = arith.constant 1 : i32
      %add3A_1263 = arith.addi %mul3A_1261, %add3A_1262 : i32
      %add3A_1264 = vector.broadcast %add3A_1263 : i32 to vector<16xi32>
      %add3A_1265 = arith.addi %mul3A_9, %add3A_1264 : vector<16xi32>
      tpu.vector_store_idx %arg10[%add3A_1265], %add3A_1259 : memref<8192xf32, #tpu.memory_space<vmem>>[vector<16xi32>], vector<16xf32>,
      %slice3A_1266 = vector.extract_strided_slice %select_n3A_1145 {offsets = [2], sizes = [1], strides = [1]} : vector<16xi32> to vector<1xi32>
      %squeeze3A_1267 = vector.extract %slice3A_1266[0] : i32 from vector<1xi32>
      %broadcast_in_dim3A_1268 = vector.broadcast %squeeze3A_1267 : i32 to vector<16xi32>
      %slice3A_1269 = vector.extract_strided_slice %select_n3A_1167 {offsets = [2], sizes = [1], strides = [1]} : vector<16xi32> to vector<1xi32>
      %squeeze3A_1270 = vector.extract %slice3A_1269[0] : i32 from vector<1xi32>
      %broadcast_in_dim3A_1271 = vector.broadcast %squeeze3A_1270 : i32 to vector<16xi32>
      %gather3A_1272 = arith.constant 1 : i32
      %gather3A_1273 = arith.constant 4 : i32
      %gather3A_1274 = arith.constant 0 : i32
      %gather3A_1275 = arith.constant 0 : i32
      %gather3A_1276 = tpu.memref_slice %arg9[%gather3A_1272, %gather3A_1273, %gather3A_1274, %gather3A_1275] : memref<2x8x32x128xf32, #tpu.memory_space<vmem>> -> memref<1x1x32x128xf32, #tpu.memory_space<vmem>>
      %gather3A_1277 = tpu.memref_squeeze %gather3A_1276 : memref<1x1x32x128xf32, #tpu.memory_space<vmem>> -> memref<32x128xf32, #tpu.memory_space<vmem>>
      %gather3A_1278 = tpu.vector_load_idx %gather3A_1277[%iota3A, %broadcast_in_dim3A_1268] : memref<32x128xf32, #tpu.memory_space<vmem>>[vector<16xi32>, vector<16xi32>], vector<16xf32>,
      %add3A_1279 = arith.constant 16 : i32
      %add3A_1280 = vector.broadcast %add3A_1279 : i32 to vector<16xi32>
      %add3A_1281 = arith.addi %iota3A, %add3A_1280 : vector<16xi32>
      %gather3A_1282 = arith.constant 1 : i32
      %gather3A_1283 = arith.constant 4 : i32
      %gather3A_1284 = arith.constant 0 : i32
      %gather3A_1285 = arith.constant 0 : i32
      %gather3A_1286 = tpu.memref_slice %arg9[%gather3A_1282, %gather3A_1283, %gather3A_1284, %gather3A_1285] : memref<2x8x32x128xf32, #tpu.memory_space<vmem>> -> memref<1x1x32x128xf32, #tpu.memory_space<vmem>>
      %gather3A_1287 = tpu.memref_squeeze %gather3A_1286 : memref<1x1x32x128xf32, #tpu.memory_space<vmem>> -> memref<32x128xf32, #tpu.memory_space<vmem>>
      %gather3A_1288 = tpu.vector_load_idx %gather3A_1287[%add3A_1281, %broadcast_in_dim3A_1268] : memref<32x128xf32, #tpu.memory_space<vmem>>[vector<16xi32>, vector<16xi32>], vector<16xf32>,
      %gather3A_1289 = arith.constant 1 : i32
      %gather3A_1290 = arith.constant 5 : i32
      %gather3A_1291 = arith.constant 0 : i32
      %gather3A_1292 = arith.constant 0 : i32
      %gather3A_1293 = tpu.memref_slice %arg9[%gather3A_1289, %gather3A_1290, %gather3A_1291, %gather3A_1292] : memref<2x8x32x128xf32, #tpu.memory_space<vmem>> -> memref<1x1x32x128xf32, #tpu.memory_space<vmem>>
      %gather3A_1294 = tpu.memref_squeeze %gather3A_1293 : memref<1x1x32x128xf32, #tpu.memory_space<vmem>> -> memref<32x128xf32, #tpu.memory_space<vmem>>
      %gather3A_1295 = tpu.vector_load_idx %gather3A_1294[%iota3A, %broadcast_in_dim3A_1271] : memref<32x128xf32, #tpu.memory_space<vmem>>[vector<16xi32>, vector<16xi32>], vector<16xf32>,
      %add3A_1296 = arith.constant 16 : i32
      %add3A_1297 = vector.broadcast %add3A_1296 : i32 to vector<16xi32>
      %add3A_1298 = arith.addi %iota3A, %add3A_1297 : vector<16xi32>
      %gather3A_1299 = arith.constant 1 : i32
      %gather3A_1300 = arith.constant 5 : i32
      %gather3A_1301 = arith.constant 0 : i32
      %gather3A_1302 = arith.constant 0 : i32
      %gather3A_1303 = tpu.memref_slice %arg9[%gather3A_1299, %gather3A_1300, %gather3A_1301, %gather3A_1302] : memref<2x8x32x128xf32, #tpu.memory_space<vmem>> -> memref<1x1x32x128xf32, #tpu.memory_space<vmem>>
      %gather3A_1304 = tpu.memref_squeeze %gather3A_1303 : memref<1x1x32x128xf32, #tpu.memory_space<vmem>> -> memref<32x128xf32, #tpu.memory_space<vmem>>
      %gather3A_1305 = tpu.vector_load_idx %gather3A_1304[%add3A_1298, %broadcast_in_dim3A_1271] : memref<32x128xf32, #tpu.memory_space<vmem>>[vector<16xi32>, vector<16xi32>], vector<16xf32>,
      %mul3A_1306 = arith.mulf %gather3A_1278, %gather3A_1295 : vector<16xf32>
      %mul3A_1307 = arith.mulf %gather3A_1288, %gather3A_1305 : vector<16xf32>
      %add3A_1308 = arith.addf %mul3A_1306, %mul3A_1307 : vector<16xf32>
      %mul3A_1309 = arith.constant 4 : i32
      %mul3A_1310 = arith.muli %add3A_331, %mul3A_1309 : i32
      %add3A_1311 = arith.constant 2 : i32
      %add3A_1312 = arith.addi %mul3A_1310, %add3A_1311 : i32
      %add3A_1313 = vector.broadcast %add3A_1312 : i32 to vector<16xi32>
      %add3A_1314 = arith.addi %mul3A_9, %add3A_1313 : vector<16xi32>
      tpu.vector_store_idx %arg10[%add3A_1314], %add3A_1308 : memref<8192xf32, #tpu.memory_space<vmem>>[vector<16xi32>], vector<16xf32>,
      %slice3A_1315 = vector.extract_strided_slice %select_n3A_1145 {offsets = [3], sizes = [1], strides = [1]} : vector<16xi32> to vector<1xi32>
      %squeeze3A_1316 = vector.extract %slice3A_1315[0] : i32 from vector<1xi32>
      %broadcast_in_dim3A_1317 = vector.broadcast %squeeze3A_1316 : i32 to vector<16xi32>
      %slice3A_1318 = vector.extract_strided_slice %select_n3A_1167 {offsets = [3], sizes = [1], strides = [1]} : vector<16xi32> to vector<1xi32>
      %squeeze3A_1319 = vector.extract %slice3A_1318[0] : i32 from vector<1xi32>
      %broadcast_in_dim3A_1320 = vector.broadcast %squeeze3A_1319 : i32 to vector<16xi32>
      %gather3A_1321 = arith.constant 1 : i32
      %gather3A_1322 = arith.constant 6 : i32
      %gather3A_1323 = arith.constant 0 : i32
      %gather3A_1324 = arith.constant 0 : i32
      %gather3A_1325 = tpu.memref_slice %arg9[%gather3A_1321, %gather3A_1322, %gather3A_1323, %gather3A_1324] : memref<2x8x32x128xf32, #tpu.memory_space<vmem>> -> memref<1x1x32x128xf32, #tpu.memory_space<vmem>>
      %gather3A_1326 = tpu.memref_squeeze %gather3A_1325 : memref<1x1x32x128xf32, #tpu.memory_space<vmem>> -> memref<32x128xf32, #tpu.memory_space<vmem>>
      %gather3A_1327 = tpu.vector_load_idx %gather3A_1326[%iota3A, %broadcast_in_dim3A_1317] : memref<32x128xf32, #tpu.memory_space<vmem>>[vector<16xi32>, vector<16xi32>], vector<16xf32>,
      %add3A_1328 = arith.constant 16 : i32
      %add3A_1329 = vector.broadcast %add3A_1328 : i32 to vector<16xi32>
      %add3A_1330 = arith.addi %iota3A, %add3A_1329 : vector<16xi32>
      %gather3A_1331 = arith.constant 1 : i32
      %gather3A_1332 = arith.constant 6 : i32
      %gather3A_1333 = arith.constant 0 : i32
      %gather3A_1334 = arith.constant 0 : i32
      %gather3A_1335 = tpu.memref_slice %arg9[%gather3A_1331, %gather3A_1332, %gather3A_1333, %gather3A_1334] : memref<2x8x32x128xf32, #tpu.memory_space<vmem>> -> memref<1x1x32x128xf32, #tpu.memory_space<vmem>>
      %gather3A_1336 = tpu.memref_squeeze %gather3A_1335 : memref<1x1x32x128xf32, #tpu.memory_space<vmem>> -> memref<32x128xf32, #tpu.memory_space<vmem>>
      %gather3A_1337 = tpu.vector_load_idx %gather3A_1336[%add3A_1330, %broadcast_in_dim3A_1317] : memref<32x128xf32, #tpu.memory_space<vmem>>[vector<16xi32>, vector<16xi32>], vector<16xf32>,
      %gather3A_1338 = arith.constant 1 : i32
      %gather3A_1339 = arith.constant 7 : i32
      %gather3A_1340 = arith.constant 0 : i32
      %gather3A_1341 = arith.constant 0 : i32
      %gather3A_1342 = tpu.memref_slice %arg9[%gather3A_1338, %gather3A_1339, %gather3A_1340, %gather3A_1341] : memref<2x8x32x128xf32, #tpu.memory_space<vmem>> -> memref<1x1x32x128xf32, #tpu.memory_space<vmem>>
      %gather3A_1343 = tpu.memref_squeeze %gather3A_1342 : memref<1x1x32x128xf32, #tpu.memory_space<vmem>> -> memref<32x128xf32, #tpu.memory_space<vmem>>
      %gather3A_1344 = tpu.vector_load_idx %gather3A_1343[%iota3A, %broadcast_in_dim3A_1320] : memref<32x128xf32, #tpu.memory_space<vmem>>[vector<16xi32>, vector<16xi32>], vector<16xf32>,
      %add3A_1345 = arith.constant 16 : i32
      %add3A_1346 = vector.broadcast %add3A_1345 : i32 to vector<16xi32>
      %add3A_1347 = arith.addi %iota3A, %add3A_1346 : vector<16xi32>
      %gather3A_1348 = arith.constant 1 : i32
      %gather3A_1349 = arith.constant 7 : i32
      %gather3A_1350 = arith.constant 0 : i32
      %gather3A_1351 = arith.constant 0 : i32
      %gather3A_1352 = tpu.memref_slice %arg9[%gather3A_1348, %gather3A_1349, %gather3A_1350, %gather3A_1351] : memref<2x8x32x128xf32, #tpu.memory_space<vmem>> -> memref<1x1x32x128xf32, #tpu.memory_space<vmem>>
      %gather3A_1353 = tpu.memref_squeeze %gather3A_1352 : memref<1x1x32x128xf32, #tpu.memory_space<vmem>> -> memref<32x128xf32, #tpu.memory_space<vmem>>
      %gather3A_1354 = tpu.vector_load_idx %gather3A_1353[%add3A_1347, %broadcast_in_dim3A_1320] : memref<32x128xf32, #tpu.memory_space<vmem>>[vector<16xi32>, vector<16xi32>], vector<16xf32>,
      %mul3A_1355 = arith.mulf %gather3A_1327, %gather3A_1344 : vector<16xf32>
      %mul3A_1356 = arith.mulf %gather3A_1337, %gather3A_1354 : vector<16xf32>
      %add3A_1357 = arith.addf %mul3A_1355, %mul3A_1356 : vector<16xf32>
      %mul3A_1358 = arith.constant 4 : i32
      %mul3A_1359 = arith.muli %add3A_331, %mul3A_1358 : i32
      %add3A_1360 = arith.constant 3 : i32
      %add3A_1361 = arith.addi %mul3A_1359, %add3A_1360 : i32
      %add3A_1362 = vector.broadcast %add3A_1361 : i32 to vector<16xi32>
      %add3A_1363 = arith.addi %mul3A_9, %add3A_1362 : vector<16xi32>
      tpu.vector_store_idx %arg10[%add3A_1363], %add3A_1357 : memref<8192xf32, #tpu.memory_space<vmem>>[vector<16xi32>], vector<16xf32>,
      %dma_wait3A_1364 = arith.constant 0 : i32
      %dma_wait3A_1365 = arith.constant 0 : i32
      %dma_wait3A_1366 = arith.constant 0 : i32
      %dma_wait3A_1367 = arith.constant 0 : i32
      %dma_wait3A_1368 = tpu.memref_slice %arg9[%dma_wait3A_1364, %dma_wait3A_1365, %dma_wait3A_1366, %dma_wait3A_1367] : memref<2x8x32x128xf32, #tpu.memory_space<vmem>> -> memref<1x1x32x128xf32, #tpu.memory_space<vmem>>
      %dma_wait3A_1369 = tpu.memref_squeeze %dma_wait3A_1368 : memref<1x1x32x128xf32, #tpu.memory_space<vmem>> -> memref<32x128xf32, #tpu.memory_space<vmem>>
      %dma_wait3A_1370 = arith.constant 0 : i32
      %dma_wait3A_1371 = tpu.memref_slice %arg4[%dma_wait3A_1370, %multiple_of3A_870] : memref<32x1000000xf32, #tpu.memory_space<hbm>> -> memref<32x128xf32, #tpu.memory_space<hbm>>
      %dma_wait3A_1372 = arith.constant 0 : i32
      %dma_wait3A_1373 = arith.constant 0 : i32
      %dma_wait3A_1374 = tpu.memref_slice %arg9[%dma_wait3A_1364, %dma_wait3A_1365, %dma_wait3A_1372, %dma_wait3A_1373] : memref<2x8x32x128xf32, #tpu.memory_space<vmem>> -> memref<1x1x32x128xf32, #tpu.memory_space<vmem>>
      %dma_wait3A_1375 = tpu.memref_squeeze %dma_wait3A_1374 : memref<1x1x32x128xf32, #tpu.memory_space<vmem>> -> memref<32x128xf32, #tpu.memory_space<vmem>>
      %dma_wait3A_1376 = arith.constant 0 : i32
      %dma_wait3A_1377 = tpu.memref_slice %arg4[%dma_wait3A_1376, %multiple_of3A_870] : memref<32x1000000xf32, #tpu.memory_space<hbm>> -> memref<32x128xf32, #tpu.memory_space<hbm>>
      tpu.wait_dma2 semaphore(%arg12 : memref<!tpu.dma_semaphore, #tpu.memory_space<semaphore_mem>>) src(%dma_wait3A_1377 : memref<32x128xf32, #tpu.memory_space<hbm>>) dst(%dma_wait3A_1375 : memref<32x128xf32, #tpu.memory_space<vmem>>)
      %dma_wait3A_1378 = arith.constant 0 : i32
      %dma_wait3A_1379 = arith.constant 1 : i32
      %dma_wait3A_1380 = arith.constant 0 : i32
      %dma_wait3A_1381 = arith.constant 0 : i32
      %dma_wait3A_1382 = tpu.memref_slice %arg9[%dma_wait3A_1378, %dma_wait3A_1379, %dma_wait3A_1380, %dma_wait3A_1381] : memref<2x8x32x128xf32, #tpu.memory_space<vmem>> -> memref<1x1x32x128xf32, #tpu.memory_space<vmem>>
      %dma_wait3A_1383 = tpu.memref_squeeze %dma_wait3A_1382 : memref<1x1x32x128xf32, #tpu.memory_space<vmem>> -> memref<32x128xf32, #tpu.memory_space<vmem>>
      %dma_wait3A_1384 = arith.constant 0 : i32
      %dma_wait3A_1385 = tpu.memref_slice %arg5[%dma_wait3A_1384, %multiple_of3A_873] : memref<32x1000000xf32, #tpu.memory_space<hbm>> -> memref<32x128xf32, #tpu.memory_space<hbm>>
      %dma_wait3A_1386 = arith.constant 0 : i32
      %dma_wait3A_1387 = arith.constant 0 : i32
      %dma_wait3A_1388 = tpu.memref_slice %arg9[%dma_wait3A_1378, %dma_wait3A_1379, %dma_wait3A_1386, %dma_wait3A_1387] : memref<2x8x32x128xf32, #tpu.memory_space<vmem>> -> memref<1x1x32x128xf32, #tpu.memory_space<vmem>>
      %dma_wait3A_1389 = tpu.memref_squeeze %dma_wait3A_1388 : memref<1x1x32x128xf32, #tpu.memory_space<vmem>> -> memref<32x128xf32, #tpu.memory_space<vmem>>
      %dma_wait3A_1390 = arith.constant 0 : i32
      %dma_wait3A_1391 = tpu.memref_slice %arg5[%dma_wait3A_1390, %multiple_of3A_873] : memref<32x1000000xf32, #tpu.memory_space<hbm>> -> memref<32x128xf32, #tpu.memory_space<hbm>>
      tpu.wait_dma2 semaphore(%arg12 : memref<!tpu.dma_semaphore, #tpu.memory_space<semaphore_mem>>) src(%dma_wait3A_1391 : memref<32x128xf32, #tpu.memory_space<hbm>>) dst(%dma_wait3A_1389 : memref<32x128xf32, #tpu.memory_space<vmem>>)
      %dma_wait3A_1392 = arith.constant 0 : i32
      %dma_wait3A_1393 = arith.constant 2 : i32
      %dma_wait3A_1394 = arith.constant 0 : i32
      %dma_wait3A_1395 = arith.constant 0 : i32
      %dma_wait3A_1396 = tpu.memref_slice %arg9[%dma_wait3A_1392, %dma_wait3A_1393, %dma_wait3A_1394, %dma_wait3A_1395] : memref<2x8x32x128xf32, #tpu.memory_space<vmem>> -> memref<1x1x32x128xf32, #tpu.memory_space<vmem>>
      %dma_wait3A_1397 = tpu.memref_squeeze %dma_wait3A_1396 : memref<1x1x32x128xf32, #tpu.memory_space<vmem>> -> memref<32x128xf32, #tpu.memory_space<vmem>>
      %dma_wait3A_1398 = arith.constant 0 : i32
      %dma_wait3A_1399 = tpu.memref_slice %arg4[%dma_wait3A_1398, %multiple_of3A_904] : memref<32x1000000xf32, #tpu.memory_space<hbm>> -> memref<32x128xf32, #tpu.memory_space<hbm>>
      %dma_wait3A_1400 = arith.constant 0 : i32
      %dma_wait3A_1401 = arith.constant 0 : i32
      %dma_wait3A_1402 = tpu.memref_slice %arg9[%dma_wait3A_1392, %dma_wait3A_1393, %dma_wait3A_1400, %dma_wait3A_1401] : memref<2x8x32x128xf32, #tpu.memory_space<vmem>> -> memref<1x1x32x128xf32, #tpu.memory_space<vmem>>
      %dma_wait3A_1403 = tpu.memref_squeeze %dma_wait3A_1402 : memref<1x1x32x128xf32, #tpu.memory_space<vmem>> -> memref<32x128xf32, #tpu.memory_space<vmem>>
      %dma_wait3A_1404 = arith.constant 0 : i32
      %dma_wait3A_1405 = tpu.memref_slice %arg4[%dma_wait3A_1404, %multiple_of3A_904] : memref<32x1000000xf32, #tpu.memory_space<hbm>> -> memref<32x128xf32, #tpu.memory_space<hbm>>
      tpu.wait_dma2 semaphore(%arg12 : memref<!tpu.dma_semaphore, #tpu.memory_space<semaphore_mem>>) src(%dma_wait3A_1405 : memref<32x128xf32, #tpu.memory_space<hbm>>) dst(%dma_wait3A_1403 : memref<32x128xf32, #tpu.memory_space<vmem>>)
      %dma_wait3A_1406 = arith.constant 0 : i32
      %dma_wait3A_1407 = arith.constant 3 : i32
      %dma_wait3A_1408 = arith.constant 0 : i32
      %dma_wait3A_1409 = arith.constant 0 : i32
      %dma_wait3A_1410 = tpu.memref_slice %arg9[%dma_wait3A_1406, %dma_wait3A_1407, %dma_wait3A_1408, %dma_wait3A_1409] : memref<2x8x32x128xf32, #tpu.memory_space<vmem>> -> memref<1x1x32x128xf32, #tpu.memory_space<vmem>>
      %dma_wait3A_1411 = tpu.memref_squeeze %dma_wait3A_1410 : memref<1x1x32x128xf32, #tpu.memory_space<vmem>> -> memref<32x128xf32, #tpu.memory_space<vmem>>
      %dma_wait3A_1412 = arith.constant 0 : i32
      %dma_wait3A_1413 = tpu.memref_slice %arg5[%dma_wait3A_1412, %multiple_of3A_907] : memref<32x1000000xf32, #tpu.memory_space<hbm>> -> memref<32x128xf32, #tpu.memory_space<hbm>>
      %dma_wait3A_1414 = arith.constant 0 : i32
      %dma_wait3A_1415 = arith.constant 0 : i32
      %dma_wait3A_1416 = tpu.memref_slice %arg9[%dma_wait3A_1406, %dma_wait3A_1407, %dma_wait3A_1414, %dma_wait3A_1415] : memref<2x8x32x128xf32, #tpu.memory_space<vmem>> -> memref<1x1x32x128xf32, #tpu.memory_space<vmem>>
      %dma_wait3A_1417 = tpu.memref_squeeze %dma_wait3A_1416 : memref<1x1x32x128xf32, #tpu.memory_space<vmem>> -> memref<32x128xf32, #tpu.memory_space<vmem>>
      %dma_wait3A_1418 = arith.constant 0 : i32
      %dma_wait3A_1419 = tpu.memref_slice %arg5[%dma_wait3A_1418, %multiple_of3A_907] : memref<32x1000000xf32, #tpu.memory_space<hbm>> -> memref<32x128xf32, #tpu.memory_space<hbm>>
      tpu.wait_dma2 semaphore(%arg12 : memref<!tpu.dma_semaphore, #tpu.memory_space<semaphore_mem>>) src(%dma_wait3A_1419 : memref<32x128xf32, #tpu.memory_space<hbm>>) dst(%dma_wait3A_1417 : memref<32x128xf32, #tpu.memory_space<vmem>>)
      %dma_wait3A_1420 = arith.constant 0 : i32
      %dma_wait3A_1421 = arith.constant 4 : i32
      %dma_wait3A_1422 = arith.constant 0 : i32
      %dma_wait3A_1423 = arith.constant 0 : i32
      %dma_wait3A_1424 = tpu.memref_slice %arg9[%dma_wait3A_1420, %dma_wait3A_1421, %dma_wait3A_1422, %dma_wait3A_1423] : memref<2x8x32x128xf32, #tpu.memory_space<vmem>> -> memref<1x1x32x128xf32, #tpu.memory_space<vmem>>
      %dma_wait3A_1425 = tpu.memref_squeeze %dma_wait3A_1424 : memref<1x1x32x128xf32, #tpu.memory_space<vmem>> -> memref<32x128xf32, #tpu.memory_space<vmem>>
      %dma_wait3A_1426 = arith.constant 0 : i32
      %dma_wait3A_1427 = tpu.memref_slice %arg4[%dma_wait3A_1426, %multiple_of3A_938] : memref<32x1000000xf32, #tpu.memory_space<hbm>> -> memref<32x128xf32, #tpu.memory_space<hbm>>
      %dma_wait3A_1428 = arith.constant 0 : i32
      %dma_wait3A_1429 = arith.constant 0 : i32
      %dma_wait3A_1430 = tpu.memref_slice %arg9[%dma_wait3A_1420, %dma_wait3A_1421, %dma_wait3A_1428, %dma_wait3A_1429] : memref<2x8x32x128xf32, #tpu.memory_space<vmem>> -> memref<1x1x32x128xf32, #tpu.memory_space<vmem>>
      %dma_wait3A_1431 = tpu.memref_squeeze %dma_wait3A_1430 : memref<1x1x32x128xf32, #tpu.memory_space<vmem>> -> memref<32x128xf32, #tpu.memory_space<vmem>>
      %dma_wait3A_1432 = arith.constant 0 : i32
      %dma_wait3A_1433 = tpu.memref_slice %arg4[%dma_wait3A_1432, %multiple_of3A_938] : memref<32x1000000xf32, #tpu.memory_space<hbm>> -> memref<32x128xf32, #tpu.memory_space<hbm>>
      tpu.wait_dma2 semaphore(%arg12 : memref<!tpu.dma_semaphore, #tpu.memory_space<semaphore_mem>>) src(%dma_wait3A_1433 : memref<32x128xf32, #tpu.memory_space<hbm>>) dst(%dma_wait3A_1431 : memref<32x128xf32, #tpu.memory_space<vmem>>)
      %dma_wait3A_1434 = arith.constant 0 : i32
      %dma_wait3A_1435 = arith.constant 5 : i32
      %dma_wait3A_1436 = arith.constant 0 : i32
      %dma_wait3A_1437 = arith.constant 0 : i32
      %dma_wait3A_1438 = tpu.memref_slice %arg9[%dma_wait3A_1434, %dma_wait3A_1435, %dma_wait3A_1436, %dma_wait3A_1437] : memref<2x8x32x128xf32, #tpu.memory_space<vmem>> -> memref<1x1x32x128xf32, #tpu.memory_space<vmem>>
      %dma_wait3A_1439 = tpu.memref_squeeze %dma_wait3A_1438 : memref<1x1x32x128xf32, #tpu.memory_space<vmem>> -> memref<32x128xf32, #tpu.memory_space<vmem>>
      %dma_wait3A_1440 = arith.constant 0 : i32
      %dma_wait3A_1441 = tpu.memref_slice %arg5[%dma_wait3A_1440, %multiple_of3A_941] : memref<32x1000000xf32, #tpu.memory_space<hbm>> -> memref<32x128xf32, #tpu.memory_space<hbm>>
      %dma_wait3A_1442 = arith.constant 0 : i32
      %dma_wait3A_1443 = arith.constant 0 : i32
      %dma_wait3A_1444 = tpu.memref_slice %arg9[%dma_wait3A_1434, %dma_wait3A_1435, %dma_wait3A_1442, %dma_wait3A_1443] : memref<2x8x32x128xf32, #tpu.memory_space<vmem>> -> memref<1x1x32x128xf32, #tpu.memory_space<vmem>>
      %dma_wait3A_1445 = tpu.memref_squeeze %dma_wait3A_1444 : memref<1x1x32x128xf32, #tpu.memory_space<vmem>> -> memref<32x128xf32, #tpu.memory_space<vmem>>
      %dma_wait3A_1446 = arith.constant 0 : i32
      %dma_wait3A_1447 = tpu.memref_slice %arg5[%dma_wait3A_1446, %multiple_of3A_941] : memref<32x1000000xf32, #tpu.memory_space<hbm>> -> memref<32x128xf32, #tpu.memory_space<hbm>>
      tpu.wait_dma2 semaphore(%arg12 : memref<!tpu.dma_semaphore, #tpu.memory_space<semaphore_mem>>) src(%dma_wait3A_1447 : memref<32x128xf32, #tpu.memory_space<hbm>>) dst(%dma_wait3A_1445 : memref<32x128xf32, #tpu.memory_space<vmem>>)
      %dma_wait3A_1448 = arith.constant 0 : i32
      %dma_wait3A_1449 = arith.constant 6 : i32
      %dma_wait3A_1450 = arith.constant 0 : i32
      %dma_wait3A_1451 = arith.constant 0 : i32
      %dma_wait3A_1452 = tpu.memref_slice %arg9[%dma_wait3A_1448, %dma_wait3A_1449, %dma_wait3A_1450, %dma_wait3A_1451] : memref<2x8x32x128xf32, #tpu.memory_space<vmem>> -> memref<1x1x32x128xf32, #tpu.memory_space<vmem>>
      %dma_wait3A_1453 = tpu.memref_squeeze %dma_wait3A_1452 : memref<1x1x32x128xf32, #tpu.memory_space<vmem>> -> memref<32x128xf32, #tpu.memory_space<vmem>>
      %dma_wait3A_1454 = arith.constant 0 : i32
      %dma_wait3A_1455 = tpu.memref_slice %arg4[%dma_wait3A_1454, %multiple_of3A_972] : memref<32x1000000xf32, #tpu.memory_space<hbm>> -> memref<32x128xf32, #tpu.memory_space<hbm>>
      %dma_wait3A_1456 = arith.constant 0 : i32
      %dma_wait3A_1457 = arith.constant 0 : i32
      %dma_wait3A_1458 = tpu.memref_slice %arg9[%dma_wait3A_1448, %dma_wait3A_1449, %dma_wait3A_1456, %dma_wait3A_1457] : memref<2x8x32x128xf32, #tpu.memory_space<vmem>> -> memref<1x1x32x128xf32, #tpu.memory_space<vmem>>
      %dma_wait3A_1459 = tpu.memref_squeeze %dma_wait3A_1458 : memref<1x1x32x128xf32, #tpu.memory_space<vmem>> -> memref<32x128xf32, #tpu.memory_space<vmem>>
      %dma_wait3A_1460 = arith.constant 0 : i32
      %dma_wait3A_1461 = tpu.memref_slice %arg4[%dma_wait3A_1460, %multiple_of3A_972] : memref<32x1000000xf32, #tpu.memory_space<hbm>> -> memref<32x128xf32, #tpu.memory_space<hbm>>
      tpu.wait_dma2 semaphore(%arg12 : memref<!tpu.dma_semaphore, #tpu.memory_space<semaphore_mem>>) src(%dma_wait3A_1461 : memref<32x128xf32, #tpu.memory_space<hbm>>) dst(%dma_wait3A_1459 : memref<32x128xf32, #tpu.memory_space<vmem>>)
      %dma_wait3A_1462 = arith.constant 0 : i32
      %dma_wait3A_1463 = arith.constant 7 : i32
      %dma_wait3A_1464 = arith.constant 0 : i32
      %dma_wait3A_1465 = arith.constant 0 : i32
      %dma_wait3A_1466 = tpu.memref_slice %arg9[%dma_wait3A_1462, %dma_wait3A_1463, %dma_wait3A_1464, %dma_wait3A_1465] : memref<2x8x32x128xf32, #tpu.memory_space<vmem>> -> memref<1x1x32x128xf32, #tpu.memory_space<vmem>>
      %dma_wait3A_1467 = tpu.memref_squeeze %dma_wait3A_1466 : memref<1x1x32x128xf32, #tpu.memory_space<vmem>> -> memref<32x128xf32, #tpu.memory_space<vmem>>
      %dma_wait3A_1468 = arith.constant 0 : i32
      %dma_wait3A_1469 = tpu.memref_slice %arg5[%dma_wait3A_1468, %multiple_of3A_975] : memref<32x1000000xf32, #tpu.memory_space<hbm>> -> memref<32x128xf32, #tpu.memory_space<hbm>>
      %dma_wait3A_1470 = arith.constant 0 : i32
      %dma_wait3A_1471 = arith.constant 0 : i32
      %dma_wait3A_1472 = tpu.memref_slice %arg9[%dma_wait3A_1462, %dma_wait3A_1463, %dma_wait3A_1470, %dma_wait3A_1471] : memref<2x8x32x128xf32, #tpu.memory_space<vmem>> -> memref<1x1x32x128xf32, #tpu.memory_space<vmem>>
      %dma_wait3A_1473 = tpu.memref_squeeze %dma_wait3A_1472 : memref<1x1x32x128xf32, #tpu.memory_space<vmem>> -> memref<32x128xf32, #tpu.memory_space<vmem>>
      %dma_wait3A_1474 = arith.constant 0 : i32
      %dma_wait3A_1475 = tpu.memref_slice %arg5[%dma_wait3A_1474, %multiple_of3A_975] : memref<32x1000000xf32, #tpu.memory_space<hbm>> -> memref<32x128xf32, #tpu.memory_space<hbm>>
      tpu.wait_dma2 semaphore(%arg12 : memref<!tpu.dma_semaphore, #tpu.memory_space<semaphore_mem>>) src(%dma_wait3A_1475 : memref<32x128xf32, #tpu.memory_space<hbm>>) dst(%dma_wait3A_1473 : memref<32x128xf32, #tpu.memory_space<vmem>>)
    }
    %scan3A_320 = arith.constant 64 : i32
    %scan3A_321 = arith.constant 0 : i32
    %scan3A_322 = arith.constant 0 : i32
    %scan3A_323 = arith.constant 32 : i32
    %scan3A_324 = arith.addi %scan3A_322, %scan3A_323 : i32
    %scan3A_325 = arith.constant 1 : i32
    scf.for %scan3A_327 = %scan3A_322 to %scan3A_324 step %scan3A_325  : i32 {
      %broadcast_in_dim3A_328 = arith.constant 0.000000e+00 : f32
      %broadcast_in_dim3A_329 = vector.broadcast %broadcast_in_dim3A_328 : f32 to vector<16xf32>
      %mul3A_330 = arith.constant 16 : i32
      %mul3A_331 = arith.muli %scan3A_327, %mul3A_330 : i32
      %add3A_332 = arith.constant 0 : i32
      %add3A_333 = arith.addi %add3A_332, %mul3A_331 : i32
      %get3A_334 = arith.index_cast %add3A_333 : i32 to index
      %get3A_335 = tpu.vector_load %arg10[%get3A_334] {strides = array<i32>} : memref<8192xf32, #tpu.memory_space<vmem>>, vector<16xf32>,
      %add3A_336 = arith.addf %broadcast_in_dim3A_329, %get3A_335 : vector<16xf32>
      %mul3A_337 = arith.constant 16 : i32
      %mul3A_338 = arith.muli %scan3A_327, %mul3A_337 : i32
      %add3A_339 = arith.constant 512 : i32
      %add3A_340 = arith.addi %add3A_339, %mul3A_338 : i32
      %get3A_341 = arith.index_cast %add3A_340 : i32 to index
      %get3A_342 = tpu.vector_load %arg10[%get3A_341] {strides = array<i32>} : memref<8192xf32, #tpu.memory_space<vmem>>, vector<16xf32>,
      %add3A_343 = arith.addf %add3A_336, %get3A_342 : vector<16xf32>
      %mul3A_344 = arith.constant 16 : i32
      %mul3A_345 = arith.muli %scan3A_327, %mul3A_344 : i32
      %add3A_346 = arith.constant 1024 : i32
      %add3A_347 = arith.addi %add3A_346, %mul3A_345 : i32
      %get3A_348 = arith.index_cast %add3A_347 : i32 to index
      %get3A_349 = tpu.vector_load %arg10[%get3A_348] {strides = array<i32>} : memref<8192xf32, #tpu.memory_space<vmem>>, vector<16xf32>,
      %add3A_350 = arith.addf %add3A_343, %get3A_349 : vector<16xf32>
      %mul3A_351 = arith.constant 16 : i32
      %mul3A_352 = arith.muli %scan3A_327, %mul3A_351 : i32
      %add3A_353 = arith.constant 1536 : i32
      %add3A_354 = arith.addi %add3A_353, %mul3A_352 : i32
      %get3A_355 = arith.index_cast %add3A_354 : i32 to index
      %get3A_356 = tpu.vector_load %arg10[%get3A_355] {strides = array<i32>} : memref<8192xf32, #tpu.memory_space<vmem>>, vector<16xf32>,
      %add3A_357 = arith.addf %add3A_350, %get3A_356 : vector<16xf32>
      %mul3A_358 = arith.constant 16 : i32
      %mul3A_359 = arith.muli %scan3A_327, %mul3A_358 : i32
      %add3A_360 = arith.constant 2048 : i32
      %add3A_361 = arith.addi %add3A_360, %mul3A_359 : i32
      %get3A_362 = arith.index_cast %add3A_361 : i32 to index
      %get3A_363 = tpu.vector_load %arg10[%get3A_362] {strides = array<i32>} : memref<8192xf32, #tpu.memory_space<vmem>>, vector<16xf32>,
      %add3A_364 = arith.addf %add3A_357, %get3A_363 : vector<16xf32>
      %mul3A_365 = arith.constant 16 : i32
      %mul3A_366 = arith.muli %scan3A_327, %mul3A_365 : i32
      %add3A_367 = arith.constant 2560 : i32
      %add3A_368 = arith.addi %add3A_367, %mul3A_366 : i32
      %get3A_369 = arith.index_cast %add3A_368 : i32 to index
      %get3A_370 = tpu.vector_load %arg10[%get3A_369] {strides = array<i32>} : memref<8192xf32, #tpu.memory_space<vmem>>, vector<16xf32>,
      %add3A_371 = arith.addf %add3A_364, %get3A_370 : vector<16xf32>
      %mul3A_372 = arith.constant 16 : i32
      %mul3A_373 = arith.muli %scan3A_327, %mul3A_372 : i32
      %add3A_374 = arith.constant 3072 : i32
      %add3A_375 = arith.addi %add3A_374, %mul3A_373 : i32
      %get3A_376 = arith.index_cast %add3A_375 : i32 to index
      %get3A_377 = tpu.vector_load %arg10[%get3A_376] {strides = array<i32>} : memref<8192xf32, #tpu.memory_space<vmem>>, vector<16xf32>,
      %add3A_378 = arith.addf %add3A_371, %get3A_377 : vector<16xf32>
      %mul3A_379 = arith.constant 16 : i32
      %mul3A_380 = arith.muli %scan3A_327, %mul3A_379 : i32
      %add3A_381 = arith.constant 3584 : i32
      %add3A_382 = arith.addi %add3A_381, %mul3A_380 : i32
      %get3A_383 = arith.index_cast %add3A_382 : i32 to index
      %get3A_384 = tpu.vector_load %arg10[%get3A_383] {strides = array<i32>} : memref<8192xf32, #tpu.memory_space<vmem>>, vector<16xf32>,
      %add3A_385 = arith.addf %add3A_378, %get3A_384 : vector<16xf32>
      %mul3A_386 = arith.constant 16 : i32
      %mul3A_387 = arith.muli %scan3A_327, %mul3A_386 : i32
      %add3A_388 = arith.constant 4096 : i32
      %add3A_389 = arith.addi %add3A_388, %mul3A_387 : i32
      %get3A_390 = arith.index_cast %add3A_389 : i32 to index
      %get3A_391 = tpu.vector_load %arg10[%get3A_390] {strides = array<i32>} : memref<8192xf32, #tpu.memory_space<vmem>>, vector<16xf32>,
      %add3A_392 = arith.addf %add3A_385, %get3A_391 : vector<16xf32>
      %mul3A_393 = arith.constant 16 : i32
      %mul3A_394 = arith.muli %scan3A_327, %mul3A_393 : i32
      %add3A_395 = arith.constant 4608 : i32
      %add3A_396 = arith.addi %add3A_395, %mul3A_394 : i32
      %get3A_397 = arith.index_cast %add3A_396 : i32 to index
      %get3A_398 = tpu.vector_load %arg10[%get3A_397] {strides = array<i32>} : memref<8192xf32, #tpu.memory_space<vmem>>, vector<16xf32>,
      %add3A_399 = arith.addf %add3A_392, %get3A_398 : vector<16xf32>
      %mul3A_400 = arith.constant 16 : i32
      %mul3A_401 = arith.muli %scan3A_327, %mul3A_400 : i32
      %add3A_402 = arith.constant 5120 : i32
      %add3A_403 = arith.addi %add3A_402, %mul3A_401 : i32
      %get3A_404 = arith.index_cast %add3A_403 : i32 to index
      %get3A_405 = tpu.vector_load %arg10[%get3A_404] {strides = array<i32>} : memref<8192xf32, #tpu.memory_space<vmem>>, vector<16xf32>,
      %add3A_406 = arith.addf %add3A_399, %get3A_405 : vector<16xf32>
      %mul3A_407 = arith.constant 16 : i32
      %mul3A_408 = arith.muli %scan3A_327, %mul3A_407 : i32
      %add3A_409 = arith.constant 5632 : i32
      %add3A_410 = arith.addi %add3A_409, %mul3A_408 : i32
      %get3A_411 = arith.index_cast %add3A_410 : i32 to index
      %get3A_412 = tpu.vector_load %arg10[%get3A_411] {strides = array<i32>} : memref<8192xf32, #tpu.memory_space<vmem>>, vector<16xf32>,
      %add3A_413 = arith.addf %add3A_406, %get3A_412 : vector<16xf32>
      %mul3A_414 = arith.constant 16 : i32
      %mul3A_415 = arith.muli %scan3A_327, %mul3A_414 : i32
      %add3A_416 = arith.constant 6144 : i32
      %add3A_417 = arith.addi %add3A_416, %mul3A_415 : i32
      %get3A_418 = arith.index_cast %add3A_417 : i32 to index
      %get3A_419 = tpu.vector_load %arg10[%get3A_418] {strides = array<i32>} : memref<8192xf32, #tpu.memory_space<vmem>>, vector<16xf32>,
      %add3A_420 = arith.addf %add3A_413, %get3A_419 : vector<16xf32>
      %mul3A_421 = arith.constant 16 : i32
      %mul3A_422 = arith.muli %scan3A_327, %mul3A_421 : i32
      %add3A_423 = arith.constant 6656 : i32
      %add3A_424 = arith.addi %add3A_423, %mul3A_422 : i32
      %get3A_425 = arith.index_cast %add3A_424 : i32 to index
      %get3A_426 = tpu.vector_load %arg10[%get3A_425] {strides = array<i32>} : memref<8192xf32, #tpu.memory_space<vmem>>, vector<16xf32>,
      %add3A_427 = arith.addf %add3A_420, %get3A_426 : vector<16xf32>
      %mul3A_428 = arith.constant 16 : i32
      %mul3A_429 = arith.muli %scan3A_327, %mul3A_428 : i32
      %add3A_430 = arith.constant 7168 : i32
      %add3A_431 = arith.addi %add3A_430, %mul3A_429 : i32
      %get3A_432 = arith.index_cast %add3A_431 : i32 to index
      %get3A_433 = tpu.vector_load %arg10[%get3A_432] {strides = array<i32>} : memref<8192xf32, #tpu.memory_space<vmem>>, vector<16xf32>,
      %add3A_434 = arith.addf %add3A_427, %get3A_433 : vector<16xf32>
      %mul3A_435 = arith.constant 16 : i32
      %mul3A_436 = arith.muli %scan3A_327, %mul3A_435 : i32
      %add3A_437 = arith.constant 7680 : i32
      %add3A_438 = arith.addi %add3A_437, %mul3A_436 : i32
      %get3A_439 = arith.index_cast %add3A_438 : i32 to index
      %get3A_440 = tpu.vector_load %arg10[%get3A_439] {strides = array<i32>} : memref<8192xf32, #tpu.memory_space<vmem>>, vector<16xf32>,
      %add3A_441 = arith.addf %add3A_434, %get3A_440 : vector<16xf32>
      %mul3A_442 = arith.constant 16 : i32
      %mul3A_443 = arith.muli %scan3A_327, %mul3A_442 : i32
      %swap3A_444 = arith.index_cast %mul3A_443 : i32 to index
      %swap3A_445 = tpu.vector_load %arg11[%swap3A_444] {strides = array<i32>} : memref<512xf32, #tpu.memory_space<vmem>>, vector<16xf32>,
      tpu.vector_store %arg11[%swap3A_444], %add3A_441 {strides = array<i32>} : memref<512xf32, #tpu.memory_space<vmem>>, vector<16xf32>,
    }
    %scan3A_326 = arith.constant 32 : i32
    "tpu.region"() ({
      %run_scoped3A = tpu.sem_alloc : memref<!tpu.dma_semaphore, #tpu.memory_space<semaphore_mem>>
      %dma_start3A_327 = tpu.memref_slice %arg6[%mul3A_2] : memref<16384xf32, #tpu.memory_space<hbm>> -> memref<512xf32, #tpu.memory_space<hbm>>
      %dma_start3A_328 = tpu.memref_slice %arg6[%mul3A_2] : memref<16384xf32, #tpu.memory_space<hbm>> -> memref<512xf32, #tpu.memory_space<hbm>>
      tpu.enqueue_dma source(%arg11 : memref<512xf32, #tpu.memory_space<vmem>>) target(%dma_start3A_328 : memref<512xf32, #tpu.memory_space<hbm>>) target_semaphore(%run_scoped3A : memref<!tpu.dma_semaphore, #tpu.memory_space<semaphore_mem>>)
      %dma_wait3A_329 = tpu.memref_slice %arg6[%mul3A_2] : memref<16384xf32, #tpu.memory_space<hbm>> -> memref<512xf32, #tpu.memory_space<hbm>>
      %dma_wait3A_330 = tpu.memref_slice %arg6[%mul3A_2] : memref<16384xf32, #tpu.memory_space<hbm>> -> memref<512xf32, #tpu.memory_space<hbm>>
      tpu.wait_dma2 semaphore(%run_scoped3A : memref<!tpu.dma_semaphore, #tpu.memory_space<semaphore_mem>>) src(%arg11 : memref<512xf32, #tpu.memory_space<vmem>>) dst(%dma_wait3A_330 : memref<512xf32, #tpu.memory_space<hbm>>)
      tpu.yield
    }) : () -> ()
    return
  }
}

</mosaic_0001>

<sc_bundles>
// kernel: kernel.3.cloned.1.call-start
scs
__scs_entry_jumppad:
0x0: {  	(pc) =	sbr.rel $0x88, $3  }
0x1: {  	(tag) =	ssettag $0x0;
	lr =	simm.s32 $0x1  }
0x2: {  	[smem:$0x3F9D] =	sst lr;
	_ =	strace $0xD0000000  }
0x3: {  	_ = 	snop  }
0x4: {  	_ = 	snop  }
0x5: {  	_ = 	snop  }
0x6: {  	_ = 	snop  }
0x7: {  	_ = 	snop  }
__scs_overlays_trampoline_lowered:
0x8: {  	[smem:$0x3FAC] =	sst s0  }
0x9: {  	[smem:$0x3FAD] =	sst s1  }
0xa: {  	[smem:$0x3FAE] =	sst s2  }
0xb: {  	[smem:$0x3FAF] =	sst s3  }
0xc: {  	[smem:$0x3FB0] =	sst s4  }
0xd: {  	[smem:$0x3FB1] =	sst s5  }
0xe: {  	[smem:$0x3FB2] =	sst s6  }
0xf: {  	[smem:$0x3FB3] =	sst s7  }
0x10: {  	[smem:$0x3FB4] =	sst s8  }
0x11: {  	[smem:$0x3FB5] =	sst s9;
	s0 =	simm.s32 @!p0 $0x0  }
0x12: {  	s1 =	sld [smem:$0x3F9B];
	s0 =	simm.s32 @p0 $0x1  }
0x13: {  	[smem:$0x3FB6] =	sst s0;
	s0 =	simm.s32 @!p1 $0x0  }
0x14: {  	s2 =	sld [smem:$0x3F9A];
	s0 =	simm.s32 @p1 $0x1  }
0x15: {  	[smem:$0x3FB7] =	sst s0;
	s0 =	simm.s32 @!p2 $0x0  }
0x16: {  	s3 =	sld [smem:$0x3FDB];
	s0 =	simm.s32 @p2 $0x1  }
0x17: {  	s4 =	simm.s32 $0x1BF5;
	[smem:$0x3FB9] =	sst s0  }
0x18: {  	s0 =	sld [smem:$0x3F9C];
	_ =	swait.ge [sflag:s4], $0x0  }
0x19: {  	s7 =	sld [smem:$0x3F9D]  }
0x1a: {  	s8 =	sadd.s32 $0xFFFFE003, lr  }
0x1b: {  	s9 =	sadd.s32 $0xFFFFFEF7, lr;
	s5 =	simm.s32 $0xFFFFFFFF;
	p2 =	slt.u32 s8, $0xFFFFF086  }
0x1c: {  	p1 =	slt.u32 s9, $0xF7A;
	s5 =	simm.s32 @!p2 $0x0  }
0x1d: {  	s5 =	simm.s32 @p1 $0x1;
	p0 =	seq.s32 s7, s2  }
0x1e: {  	s7 =	smul.u32 @!p0 $0xF7A, s2;
	p2 =	seq.s32 @!p0 s5, $0x0  }
0x1f: {  	s9 =	smul.u32 $0xF7A, s1;
	s8 =	simm.s32 @!p0 $0x1BF5;
	p2 =	por !p2, p0  }
0x20: {  	[sflag:s8] =	ssyncset.s32 @!p0 $0xFFFFF086;
	s6 =	sadd.s32 @!p0 s3, s7;
	s7 =	simm.s32 @!p0 $0x108  }
0x21: {  	s3 =	sadd.s32 s3, s9;
	s6 =	sadd.s32 @!p0 $0x88, s6;
	s7 =	simm.s32 @p2 $0x1082  }
0x22: {  	[simem:s7], [sflag:s8] =	dma.local @!p0 [hbm:s6], $0xF7A  }
0x23: {  	s9 =	sor.u32 $0xD0000000, s2;
	s6 =	simm.s32 $0x108;
	_ =	swait.ge @!p0 [sflag:s8], $0x0  }
0x24: {  	s3 =	sadd.s32 $0x88, s3;
	s6 =	simm.s32 @!p1 $0x1082;
	[sflag:s4] =	ssyncset.s32 $0xFFFFF086  }
0x25: {  	[simem:s6], [sflag:s4] =	dma.local [hbm:s3], $0xF7A  }
0x26: {  	[smem:$0x3F9D] =	sst s1;
	(tag) =	ssettag s2;
	_ =	strace s9  }
0x27: {  	s1 =	sld [smem:$0x3FAD]  }
0x28: {  	s2 =	sld [smem:$0x3FAE]  }
0x29: {  	s4 =	sld [smem:$0x3FB0]  }
0x2a: {  	p0 =	seq.s32 s5, $0x0;
	s5 =	sld [smem:$0x3FB1]  }
0x2b: {  	s6 =	sld [smem:$0x3FB2]  }
0x2c: {  	s7 =	sld [smem:$0x3FB3]  }
0x2d: {  	s3 =	simm.s32 $0x108;
	s8 =	sld [smem:$0x3FB4]  }
0x2e: {  	s3 =	simm.s32 @!p0 $0x1082;
	s9 =	sld [smem:$0x3FB5]  }
0x2f: {  	lr =	sadd.s32 s0, s3;
	s0 =	sld [smem:$0x3FAC]  }
0x30: {  	s3 =	sld [smem:$0x3FAF]  }
0x31: {  	[smem:$0x3FB8] =	sst s10  }
0x32: {  	s10 =	sld [smem:$0x3FB6];
	_ =	sdelay $0x3  }
0x33: {  	p0 =	seq.s32 s10, $0x1;
	s10 =	sld [smem:$0x3FB8];
	_ =	sdelay $0x3  }
0x34: {  	[smem:$0x3FB8] =	sst s10  }
0x35: {  	s10 =	sld [smem:$0x3FB7];
	_ =	sdelay $0x3  }
0x36: {  	p1 =	seq.s32 s10, $0x1;
	s10 =	sld [smem:$0x3FB8];
	_ =	sdelay $0x3  }
0x37: {  	[smem:$0x3FB8] =	sst s10  }
0x38: {  	s10 =	sld [smem:$0x3FB9]  }
0x39: {  	_ = 	snop;
	(pc) =	sbr.ind lr, $3  }
0x3a: {  	_ = 	snop  }
0x3b: {  	_ = 	snop  }
0x3c: {  	p2 =	seq.s32 s10, $0x1;
	s10 =	sld [smem:$0x3FB8]  }
0x3d: {  	_ =	shalt  }
0x3e: {  	_ =	shalt  }
0x3f: {  	_ =	shalt  }
0x40: {  	_ =	shalt  }
0x41: {  	_ =	shalt  }
0x42: {  	_ =	shalt  }
0x43: {  	_ =	shalt  }
0x44: {  	_ =	shalt  }
0x45: {  	_ =	shalt  }
0x46: {  	_ =	shalt  }
0x47: {  	_ =	shalt  }
0x48: {  	_ =	shalt  }
0x49: {  	_ =	shalt  }
0x4a: {  	_ =	shalt  }
0x4b: {  	_ =	shalt  }
0x4c: {  	_ =	shalt  }
0x4d: {  	_ =	shalt  }
0x4e: {  	_ =	shalt  }
0x4f: {  	_ =	shalt  }
0x50: {  	_ =	shalt  }
0x51: {  	_ =	shalt  }
0x52: {  	_ =	shalt  }
0x53: {  	_ =	shalt  }
0x54: {  	_ =	shalt  }
0x55: {  	_ =	shalt  }
0x56: {  	_ =	shalt  }
0x57: {  	_ =	shalt  }
0x58: {  	_ =	shalt  }
0x59: {  	_ =	shalt  }
0x5a: {  	_ =	shalt  }
0x5b: {  	_ =	shalt  }
0x5c: {  	_ =	shalt  }
0x5d: {  	_ =	shalt  }
0x5e: {  	_ =	shalt  }
0x5f: {  	_ =	shalt  }
0x60: {  	_ =	shalt  }
0x61: {  	_ =	shalt  }
0x62: {  	_ =	shalt  }
0x63: {  	_ =	shalt  }
0x64: {  	_ =	shalt  }
0x65: {  	_ =	shalt  }
0x66: {  	_ =	shalt  }
0x67: {  	_ =	shalt  }
0x68: {  	_ =	shalt  }
0x69: {  	_ =	shalt  }
0x6a: {  	_ =	shalt  }
0x6b: {  	_ =	shalt  }
0x6c: {  	_ =	shalt  }
0x6d: {  	_ =	shalt  }
0x6e: {  	_ =	shalt  }
0x6f: {  	_ =	shalt  }
0x70: {  	_ =	shalt  }
0x71: {  	_ =	shalt  }
0x72: {  	_ =	shalt  }
0x73: {  	_ =	shalt  }
0x74: {  	_ =	shalt  }
0x75: {  	_ =	shalt  }
0x76: {  	_ =	shalt  }
0x77: {  	_ =	shalt  }
0x78: {  	_ =	shalt  }
0x79: {  	_ =	shalt  }
0x7a: {  	_ =	shalt  }
0x7b: {  	_ =	shalt  }
0x7c: {  	_ =	shalt  }
0x7d: {  	_ =	shalt  }
0x7e: {  	_ =	shalt  }
0x7f: {  	_ =	shalt  }
0x80: {  	_ =	shalt  }
0x81: {  	_ =	shalt  }
0x82: {  	_ =	shalt  }
0x83: {  	_ =	shalt  }
0x84: {  	_ =	shalt  }
0x85: {  	_ =	shalt  }
0x86: {  	_ =	shalt  }
0x87: {  	_ =	shalt  }
.Lfunc_end0:
.L_simem_size_0:
called_computation_lowered:
.L_overlay_start_0:
0x88: {  	s2 =	sld [smem:$0x3FD9]  }
0x89: {  	s3 =	sld [smem:$0x3FFE];
	_ =	sdelay $0x1  }
0x8a: {  	s1 =	srdreg.scid  }
0x8b: {  	s0 =	sand.u32 $0x1, s1  }
0x8c: {  	s18 =	sshll.u32 s0, $0xA;
	s2 =	sadd.s32 s3, s2  }
0x8d: {  	s2 =	sadd.s32 s2, s18  }
0x8e: {  	[smem:$0x3FC4] =	sst s2  }
0x8f: {  	_ = 	snop  }
0x90: {  	s2 =	sld [smem:$0x3FC9]  }
0x91: {  	s19 =	sld [smem:$0x3FC8]  }
0x92: {  	s4 =	sld [smem:$0x3FC7]  }
0x93: {  	s5 =	sld [smem:$0x3FC6]  }
0x94: {  	s6 =	sld [smem:$0x3FD0];
	(tm) =	ssettm $0x1  }
0x95: {  	s7 =	sld [smem:$0x3FFB];
	_ =	sdelay $0x3  }
0x96: {  	_ =	strace s7  }
0x97: {  	s7 =	sld [smem:$0x3FFC];
	_ =	sdelay $0x3  }
0x98: {  	_ =	strace s7  }
0x99: {  	s7 =	sld [smem:$0x3FFD];
	_ =	sdelay $0x3  }
0x9a: {  	_ =	strace s7  }
0x9b: {  	_ =	strace $0x8FFFFFFF  }
0x9c: {  	s20 =	sld [smem:$0x3FDB];
	_ =	sdelay $0x1  }
0x9d: {  	s8 =	simm.s32 $_scs_section_size  }
0x9e: {  	s9 =	simm.s32 $_size__tile_overlayer_lowered;
	s10 =	simm.s32 $_tile_overlayer_lowered  }
0x9f: {  	s23 =	simm.s32 $0x1BFF;
	s22 =	sshll.u32 s10, $0x1;
	s7 =	sadd.s32 s8, s20  }
0xa0: {  	s11 =	simm.s32 $0x0;
	s21 =	sshll.u32 s9, $0x1;
	s9 =	sadd.s32 s22, s7  }
0xa1: {  	[timem:s11], [sflag:s23] =	dma.local [hbm:s9], s21  }
0xa2: {  	_ =	swait.ge [sflag:s23], s21  }
0xa3: {  	s8 =	ssub.s32 $0x0, s21;
	[sflag:s23] =	ssyncset.done $0x0  }
0xa4: {  	[sflag:s23] =	ssyncadd.s32 s8;
	_ =	sdelay $0x1  }
0xa5: {  	s24 =	simm.s32 $0x1B8B  }
0xa6: {  	_ =	swait.ge [sflag:s24], $0x1  }
0xa7: {  	[sflag:s24] =	ssyncset.done $0x0  }
0xa8: {  	s25 =	simm.s32 $0x1B8E;
	[sflag:s24] =	ssyncadd.s32 $0xFFFFFFFF  }
0xa9: {  	s26 =	simm.s32 $execute0_lowered;
	[smem:$0x3FD2] =	sst s25  }
0xaa: {  	s8 =	sshll.u32 s26, $0x1;
	_ =	strace $0x80000046;
	[dreg:$0x1] =	wrdreg $0xFFFFFFFF  }
0xab: {  	s28 =	simm.s32 $_size_execute0_lowered;
	s7 =	sadd.s32 s7, s8;
	[dreg:$0x0] =	wrdreg $0x0  }
0xac: {  	s8 =	sshll.u32 s28, $0x1;
	[dreg:$0x2] =	wrdreg s7  }
0xad: {  	[dreg:$0x3] =	wrdreg s8  }
0xae: {  	[dreg:$0x4] =	wrdreg $0xC0  }
0xaf: {  	_ =	task [dreg:s11], $0x5FFFF  }
0xb0: {  	[dreg:$0x1] =	wrdreg $0xFFFFFFFF  }
0xb1: {  	[dreg:$0x0] =	wrdreg $0x60  }
0xb2: {  	[dreg:$0x2] =	wrdreg s2  }
0xb3: {  	[dreg:$0x3] =	wrdreg s19  }
0xb4: {  	[dreg:$0x4] =	wrdreg s4  }
0xb5: {  	[dreg:$0x5] =	wrdreg s5  }
0xb6: {  	[dreg:$0x6] =	wrdreg s6  }
0xb7: {  	[dreg:$0x7] =	wrdreg $0x9  }
0xb8: {  	_ =	task.clear_ibuf [dreg:s11], $0x8FFFF;
	_ =	strace $0x90000046  }
0xb9: {  	s29 =	simm.s32 $0x9;
	_ =	strace $0x80000048  }
0xba: {  	_ =	swait.ge [sflag:s29], $0x1  }
0xbb: {  	[sflag:s29] =	ssyncadd.s32 $0xFFFFFFFF  }
0xbc: {  	_ =	strace $0x90000048  }
0xbd: {  	_ =	sfence  }
0xbe: {  	s30 =	sld [smem:$0x0];
	_ =	sdelay $0x2  }
0xbf: {  	s31 =	sshll.u32 s1, $0xD;
	s1 =	sshrl.u32 s1, $0x2  }
0xc0: {  	s3 =	sand.u32 $0x4000, s31;
	s1 =	sadd.s32 s1, s30  }
0xc1: {  	s0 =	sor.u32 s3, s0;
	s1 =	sshll.u32 s1, $0x11  }
0xc2: {  	s0 =	sor.u32 s1, s0  }
0xc3: {  	s0 =	sadd.s32 $0x8F2B, s0  }
0xc4: {  	[sflag:s0] =	ssyncadd.remote.s32 $0x1  }
0xc5: {  	_ =	sfence.sel $0xFFFF  }
0xc6: {  	[dreg:$0x0] =	wrdreg $0xFFFFFFFF;
	(pc) =	sbr.abs _section_cstart, $3  }
0xc7: {  	[dreg:$0x1] =	wrdreg $0xFFFFFFFF  }
0xc8: {  	_ =	task.clear_ibuf [dreg:s11], $0x2FFFF;
	_ =	strace $0x9FFFFFFF  }
0xc9: {  	(tm) =	ssettm $0x7FFFFFFF  }
tec
execute0_lowered:
.L_overlay_start_1:
0x0: {  	(tag) =	ssettag $0x1  }
0x1: {  	s0 =	rddreg [dreg:$0x0]  }
0x2: {  	s3 =	rddreg [dreg:$0x1]  }
0x3: {  	s1 =	rddreg [dreg:$0x2]  }
0x4: {  	s2 =	rddreg [dreg:$0x3]  }
0x5: {  	s5 =	rddreg [dreg:$0x4]  }
0x6: {  	s6 =	srdreg.scid;
	s4 =	simm.s32 $0x0;
	s8 =	stileid.u32  }
0x7: {  	s11 =	simm.s32 $0x400;
	s12 =	simm.s32 $0x7A1400;
	s13 =	simm.s32 $0x500  }
0x8: {  	s14 =	simm.s32 $0x1500;
	s15 =	simm.s32 $0x2500;
	s16 =	simm.s32 $0x3500  }
0x9: {  	s17 =	simm.s32 $0x4500;
	s18 =	simm.s32 $0x5500;
	s19 =	simm.s32 $0x6500  }
0xa: {  	s20 =	simm.s32 $0x7500;
	s21 =	simm.s32 $0x1;
	s22 =	simm.s32 $0x8500  }
0xb: {  	s23 =	simm.s32 $0x9500;
	s28 =	simm.s32 $0xD500;
	s29 =	simm.s32 $0xE500  }
0xc: {  	s30 =	simm.s32 $0xF500;
	s31 =	simm.s32 $0x2;
	s6 =	sand.u32 $0x1, s6  }
0xd: {  	s8 =	sshll.u32 s8, $0x7;
	s7 =	ssub.s32 $0x2, s6;
	s6 =	sshll.u32 s6, $0x6  }
0xe: {  	[smem:$0x7FF] =	sst s4;
	s9 =	sshrl.u32 s7, $0x1;
	s6 =	sor.u32 s6, s8  }
0xf: {  	_ =	strace $0x80000047;
	s7 =	ssub.s32 s7, s9;
	s0 =	sadd.s32 s0, s6  }
0x10: {  	v3 =	vlaneseq.u32;
	s24 =	sadd.s32 s3, s6;
	s25 =	sadd.s32 s5, s6;
	[dreg:$0x6] =	wrdreg s0  }
0x11: {  	v0 =	vmul.u32 $0x80, v3;
	s9 =	simm.s32 $0x3;
	s3 =	simm.s32 $0x0;
	[dreg:$0x7] =	wrdreg s24  }
0x12: {  	[dreg:$0x8] =	wrdreg s25;
	s26 =	smax.u32 s7, $0x1;
	s24 =	simm.s32 $0xA500  }
0x13: {  	v1 =	vimm.s32 $0x0;
	v3 =	vmul.u32 $0x200, v3;
	v2 =	vor.u32 $0x800, v0;
	s25 =	simm.s32 $0xB500;
	[dreg:$0x9] =	wrdreg s26;
	s26 =	simm.s32 $0xC500  }
.LBB2_1:
0x14: {  	s0 =	rddreg [dreg:$0x6]  }
0x15: {  	[tilespmem:s4], [sflag:$0x3] =	stream.linear.gather [hbm4b:s0+s4], $0x200, $0x38;
	[tilespmem:$0x12700] =	vst v63  }
0x16: {  	_ =	swait.ge [sflag:s9], $0x200  }
0x17: {  	[sflag:s9] =	ssyncset.done $0x0  }
0x18: {  	s5 =	simm.s32 $0x280;
	s6 =	rddreg [dreg:$0x7];
	[sflag:s9] =	ssyncadd.s32 $0xFFFFFE00  }
0x19: {  	[tilespmem:s5], [sflag:$0x3] =	stream.linear.gather [hbm4b:s6+s4], $0x200, $0x38;
	[tilespmem:$0x12700] =	vst v63  }
0x1a: {  	_ =	swait.ge [sflag:s9], $0x200  }
0x1b: {  	[sflag:s9] =	ssyncset.done $0x0  }
0x1c: {  	[sflag:s9] =	ssyncadd.s32 $0xFFFFFE00  }
0x1d: {  	v4 =	vld [tilespmem:$0x0]  }
0x1e: {  	v5 =	vld [tilespmem:$0x280];
	_ =	sdelay $0x3  }
0x1f: {  	v6 =	vshra.s32 v4, $0x1F;
	v7 =	vand.u32 $0x7F, v4  }
0x20: {  	vm0 =	vlt.s32 v4, $0x1;
	v62 =	vshra.s32 v5, $0x1F;
	vm15 =	vlt.s32 v5, $0x1  }
0x21: {  	v6 =	vshrl.u32 v6, $0x19;
	vm1 =	vne.s32 v7, $0x0;
	v7 =	vshrl.u32 v62, $0x19  }
0x22: {  	v6 =	vadd.s32 v6, v4;
	v4 =	vand.u32 $0x7F, v5;
	vm0 =	vmand vm0, vm1  }
0x23: {  	v6 =	vshrl.u32 v6, $0x7;
	vm14 =	vne.s32 v4, $0x0;
	v4 =	vsel vm0, $0xFFFFFFFF, v1  }
0x24: {  	v5 =	vadd.s32 v7, v5;
	v4 =	vadd.s32 v4, v6;
	vm0 =	vmand vm15, vm14  }
0x25: {  	v5 =	vshrl.u32 v5, $0x7;
	v4 =	vshll.u32 v4, $0x7;
	v63 =	vsel vm0, $0xFFFFFFFF, v1  }
0x26: {  	v5 =	vadd.s32 v63, v5;
	v4 =	vadd.s32 s1, v4  }
0x27: {  	v5 =	vshll.u32 v5, $0x7;
	(v2sf) =	vpush v4, $0x0  }
0x28: {  	v5 =	vadd.s32 s2, v5  }
0x29: {  	(v2sf) =	vpush v5, $0x0;
	_ =	sdelay $0x1  }
0x2a: {  	(v2sf) =	vpush v4, $0x1;
	_ =	sdelay $0x1  }
0x2b: {  	(v2sf) =	vpush v5, $0x1;
	_ =	sdelay $0x1  }
0x2c: {  	(v2sf) =	vpush v4, $0x2;
	_ =	sdelay $0x1  }
0x2d: {  	(v2sf) =	vpush v5, $0x2;
	_ =	sdelay $0x1  }
0x2e: {  	(v2sf) =	vpush v4, $0x3;
	_ =	sdelay $0x1  }
0x2f: {  	[tilespmem:$0x200] =	vst v1;
	(v2sf) =	vpush v5, $0x3  }
0x30: {  	[tilespmem:$0x480] =	vst v1;
	s7 =	spop (v2sf)  }
0x31: {  	[tilespmem:s13], [sflag:$0x1] =	stream.strided.gather [hbm4b:s7+s11], $0x1000, s12, s11, $0x38;
	[tilespmem:$0x12700] =	vst v63  }
0x32: {  	s8 =	spop (v2sf)  }
0x33: {  	[tilespmem:s14], [sflag:$0x1] =	stream.strided.gather [hbm4b:s8+s11], $0x1000, s12, s11, $0x38;
	[tilespmem:$0x12700] =	vst v63  }
0x34: {  	s10 =	spop (v2sf)  }
0x35: {  	[tilespmem:s15], [sflag:$0x1] =	stream.strided.gather [hbm4b:s10+s11], $0x1000, s12, s11, $0x38;
	[tilespmem:$0x12700] =	vst v63  }
0x36: {  	s5 =	spop (v2sf)  }
0x37: {  	[tilespmem:s16], [sflag:$0x1] =	stream.strided.gather [hbm4b:s5+s11], $0x1000, s12, s11, $0x38;
	[tilespmem:$0x12700] =	vst v63  }
0x38: {  	s6 =	spop (v2sf)  }
0x39: {  	[tilespmem:s17], [sflag:$0x1] =	stream.strided.gather [hbm4b:s6+s11], $0x1000, s12, s11, $0x38;
	[tilespmem:$0x12700] =	vst v63  }
0x3a: {  	s7 =	spop (v2sf)  }
0x3b: {  	[tilespmem:s18], [sflag:$0x1] =	stream.strided.gather [hbm4b:s7+s11], $0x1000, s12, s11, $0x38;
	[tilespmem:$0x12700] =	vst v63  }
0x3c: {  	s8 =	spop (v2sf)  }
0x3d: {  	[tilespmem:s19], [sflag:$0x1] =	stream.strided.gather [hbm4b:s8+s11], $0x1000, s12, s11, $0x38;
	[tilespmem:$0x12700] =	vst v63  }
0x3e: {  	s10 =	spop (v2sf)  }
0x3f: {  	[tilespmem:s20], [sflag:$0x1] =	stream.strided.gather [hbm4b:s10+s11], $0x1000, s12, s11, $0x38;
	[tilespmem:$0x12700] =	vst v63  }
0x40: {  	_ =	swait.ge [sflag:s21], $0x1000  }
0x41: {  	[sflag:s21] =	ssyncset.done $0x0  }
0x42: {  	[sflag:s21] =	ssyncadd.s32 $0xFFFFF000  }
0x43: {  	_ =	swait.ge [sflag:s21], $0x1000  }
0x44: {  	[sflag:s21] =	ssyncset.done $0x0  }
0x45: {  	[sflag:s21] =	ssyncadd.s32 $0xFFFFF000  }
0x46: {  	_ =	swait.ge [sflag:s21], $0x1000  }
0x47: {  	[sflag:s21] =	ssyncset.done $0x0  }
0x48: {  	[sflag:s21] =	ssyncadd.s32 $0xFFFFF000  }
0x49: {  	_ =	swait.ge [sflag:s21], $0x1000  }
0x4a: {  	[sflag:s21] =	ssyncset.done $0x0  }
0x4b: {  	[sflag:s21] =	ssyncadd.s32 $0xFFFFF000  }
0x4c: {  	_ =	swait.ge [sflag:s21], $0x1000  }
0x4d: {  	[sflag:s21] =	ssyncset.done $0x0  }
0x4e: {  	[sflag:s21] =	ssyncadd.s32 $0xFFFFF000  }
0x4f: {  	_ =	swait.ge [sflag:s21], $0x1000  }
0x50: {  	[sflag:s21] =	ssyncset.done $0x0  }
0x51: {  	[sflag:s21] =	ssyncadd.s32 $0xFFFFF000  }
0x52: {  	_ =	swait.ge [sflag:s21], $0x1000  }
0x53: {  	[sflag:s21] =	ssyncset.done $0x0  }
0x54: {  	[sflag:s21] =	ssyncadd.s32 $0xFFFFF000  }
0x55: {  	_ =	swait.ge [sflag:s21], $0x1000  }
0x56: {  	s0 =	simm.s32 $0x284;
	s5 =	simm.s32 $0x0;
	[sflag:s21] =	ssyncset.done $0x0  }
0x57: {  	s6 =	simm.s32 $0x0;
	s10 =	simm.s32 $0x4;
	[sflag:s21] =	ssyncadd.s32 $0xFFFFF000  }
.LBB2_2:
0x58: {  	v4 =	vld [tilespmem:s10+$0x0]  }
0x59: {  	v5 =	vld [tilespmem:s0+$0x0];
	_ =	sdelay $0x3  }
0x5a: {  	v6 =	vshra.s32 v4, $0x1F;
	v7 =	vand.u32 $0x7F, v4  }
0x5b: {  	vm0 =	vlt.s32 v4, $0x1;
	v23 =	vshra.s32 v5, $0x1F;
	v8 =	vand.u32 $0x7F, v5  }
0x5c: {  	vm10 =	vlt.s32 v5, $0x1;
	v6 =	vshrl.u32 v6, $0x19;
	vm1 =	vne.s32 v7, $0x0  }
0x5d: {  	v7 =	vshrl.u32 v23, $0x19;
	v6 =	vadd.s32 v6, v4;
	vm0 =	vmand vm0, vm1  }
0x5e: {  	vm11 =	vne.s32 v8, $0x0;
	v4 =	vshrl.u32 v6, $0x7;
	v22 =	vsel vm0, $0xFFFFFFFF, v1  }
0x5f: {  	v5 =	vadd.s32 v7, v5;
	vm0 =	vmand vm10, vm11;
	v4 =	vadd.s32 v22, v4  }
0x60: {  	v5 =	vshrl.u32 v5, $0x7;
	v24 =	vsel vm0, $0xFFFFFFFF, v1;
	v4 =	vshll.u32 v4, $0x7  }
0x61: {  	v5 =	vadd.s32 v24, v5;
	v4 =	vadd.s32 s1, v4  }
0x62: {  	v5 =	vshll.u32 v5, $0x7;
	(v2sf) =	vpush v4, $0x0  }
0x63: {  	v5 =	vadd.s32 s2, v5  }
0x64: {  	(v2sf) =	vpush v5, $0x0;
	_ =	sdelay $0x1  }
0x65: {  	(v2sf) =	vpush v4, $0x1;
	_ =	sdelay $0x1  }
0x66: {  	(v2sf) =	vpush v5, $0x1;
	_ =	sdelay $0x1  }
0x67: {  	(v2sf) =	vpush v4, $0x2;
	_ =	sdelay $0x1  }
0x68: {  	(v2sf) =	vpush v5, $0x2;
	_ =	sdelay $0x1  }
0x69: {  	(v2sf) =	vpush v4, $0x3;
	_ =	sdelay $0x1  }
0x6a: {  	(v2sf) =	vpush v5, $0x3  }
0x6b: {  	s7 =	spop (v2sf)  }
0x6c: {  	[tilespmem:s22], [sflag:$0x2] =	stream.strided.gather [hbm4b:s7+s11], $0x1000, s12, s11, $0x38;
	[tilespmem:$0x12700] =	vst v63  }
0x6d: {  	s8 =	spop (v2sf)  }
0x6e: {  	[tilespmem:s23], [sflag:$0x2] =	stream.strided.gather [hbm4b:s8+s11], $0x1000, s12, s11, $0x38;
	[tilespmem:$0x12700] =	vst v63  }
0x6f: {  	s8 =	spop (v2sf)  }
0x70: {  	[tilespmem:s24], [sflag:$0x2] =	stream.strided.gather [hbm4b:s8+s11], $0x1000, s12, s11, $0x38;
	[tilespmem:$0x12700] =	vst v63  }
0x71: {  	s8 =	spop (v2sf)  }
0x72: {  	[tilespmem:s25], [sflag:$0x2] =	stream.strided.gather [hbm4b:s8+s11], $0x1000, s12, s11, $0x38;
	[tilespmem:$0x12700] =	vst v63  }
0x73: {  	s8 =	spop (v2sf)  }
0x74: {  	[tilespmem:s26], [sflag:$0x2] =	stream.strided.gather [hbm4b:s8+s11], $0x1000, s12, s11, $0x38;
	[tilespmem:$0x12700] =	vst v63  }
0x75: {  	s8 =	spop (v2sf)  }
0x76: {  	[tilespmem:s28], [sflag:$0x2] =	stream.strided.gather [hbm4b:s8+s11], $0x1000, s12, s11, $0x38;
	[tilespmem:$0x12700] =	vst v63  }
0x77: {  	s8 =	spop (v2sf)  }
0x78: {  	[tilespmem:s29], [sflag:$0x2] =	stream.strided.gather [hbm4b:s8+s11], $0x1000, s12, s11, $0x38;
	[tilespmem:$0x12700] =	vst v63  }
0x79: {  	s8 =	spop (v2sf)  }
0x7a: {  	[tilespmem:s30], [sflag:$0x2] =	stream.strided.gather [hbm4b:s8+s11], $0x1000, s12, s11, $0x38;
	[tilespmem:$0x12700] =	vst v63  }
0x7b: {  	v4 =	vld [tilespmem:s10+$0xFFFFFFFC];
	_ =	sdelay $0x1  }
0x7c: {  	v5 =	vld [tilespmem:s0+$0xFFFFFFFC];
	_ =	sdelay $0x2  }
0x7d: {  	v4 =	vand.u32 $0x7F, v4  }
0x7e: {  	v25 =	vbroadcast v4, $0x0  }
0x7f: {  	v5 =	vand.u32 $0x7F, v5  }
0x80: {  	v26 =	vbroadcast v5, $0x0;
	v27 =	vor.u32 v0, v25  }
0x81: {  	v6 =	vor.u32 v2, v25  }
0x82: {  	v9 =	vor.u32 v0, v26  }
0x83: {  	v7 =	vor.u32 v2, v26;
	_ =	sdelay $0x1  }
0x84: {  	v8 =	vld.idx.msk [tilespmem:v27+s13+$0x0], $0xffff  }
0x85: {  	v6 =	vld.idx.msk [tilespmem:v6+s13+$0x0], $0xffff  }
0x86: {  	v9 =	vld.idx.msk [tilespmem:v9+s14+$0x0], $0xffff  }
0x87: {  	v7 =	vld.idx.msk [tilespmem:v7+s14+$0x0], $0xffff;
	_ =	sdelay $0x2  }
0x88: {  	v10 =	vbroadcast v4, $0x1  }
0x89: {  	v28 =	vor.u32 s6, v3;
	v29 =	vbroadcast v5, $0x1  }
0x8a: {  	v11 =	vor.u32 v0, v10;
	v8 =	vmul.f32 v9, v8;
	v6 =	vmul.f32 v7, v6  }
0x8b: {  	v10 =	vor.u32 v2, v10  }
0x8c: {  	v30 =	vor.u32 v0, v29;
	v6 =	vadd.f32 v6, v8  }
0x8d: {  	s7 =	simm.s32 $0x10500;
	v7 =	vor.u32 v2, v29  }
0x8e: {  	[tilespmem:v28+s7+$0x0] =	vst.idx.msk $0xffff, v6  }
0x8f: {  	v6 =	vld.idx.msk [tilespmem:v11+s15+$0x0], $0xffff  }
0x90: {  	v9 =	vld.idx.msk [tilespmem:v10+s15+$0x0], $0xffff  }
0x91: {  	v8 =	vld.idx.msk [tilespmem:v30+s16+$0x0], $0xffff  }
0x92: {  	v7 =	vld.idx.msk [tilespmem:v7+s16+$0x0], $0xffff;
	_ =	sdelay $0x2  }
0x93: {  	s8 =	sadd.s32 $0x1, s6;
	v31 =	vbroadcast v4, $0x2  }
0x94: {  	v32 =	vor.u32 s8, v3;
	v33 =	vbroadcast v5, $0x2  }
0x95: {  	v34 =	vor.u32 v0, v31;
	v6 =	vmul.f32 v8, v6;
	v7 =	vmul.f32 v7, v9  }
0x96: {  	v10 =	vor.u32 v2, v31  }
0x97: {  	v35 =	vor.u32 v0, v33;
	v6 =	vadd.f32 v7, v6  }
0x98: {  	v9 =	vor.u32 v2, v33  }
0x99: {  	[tilespmem:v32+s7+$0x0] =	vst.idx.msk $0xffff, v6  }
0x9a: {  	v6 =	vld.idx.msk [tilespmem:v34+s17+$0x0], $0xffff  }
0x9b: {  	v8 =	vld.idx.msk [tilespmem:v10+s17+$0x0], $0xffff  }
0x9c: {  	v7 =	vld.idx.msk [tilespmem:v35+s18+$0x0], $0xffff  }
0x9d: {  	v9 =	vld.idx.msk [tilespmem:v9+s18+$0x0], $0xffff;
	_ =	sdelay $0x2  }
0x9e: {  	s8 =	sadd.s32 $0x2, s6;
	v4 =	vbroadcast v4, $0x3  }
0x9f: {  	v36 =	vor.u32 s8, v3;
	v5 =	vbroadcast v5, $0x3  }
0xa0: {  	v37 =	vor.u32 v0, v4;
	v6 =	vmul.f32 v7, v6;
	v8 =	vmul.f32 v9, v8  }
0xa1: {  	v4 =	vor.u32 v2, v4  }
0xa2: {  	v38 =	vor.u32 v0, v5;
	v6 =	vadd.f32 v8, v6  }
0xa3: {  	v5 =	vor.u32 v2, v5  }
0xa4: {  	[tilespmem:v36+s7+$0x0] =	vst.idx.msk $0xffff, v6  }
0xa5: {  	v6 =	vld.idx.msk [tilespmem:v37+s19+$0x0], $0xffff  }
0xa6: {  	v4 =	vld.idx.msk [tilespmem:v4+s19+$0x0], $0xffff  }
0xa7: {  	v7 =	vld.idx.msk [tilespmem:v38+s20+$0x0], $0xffff  }
0xa8: {  	v5 =	vld.idx.msk [tilespmem:v5+s20+$0x0], $0xffff;
	_ =	sdelay $0x2  }
0xa9: {  	s8 =	sadd.s32 $0x3, s6  }
0xaa: {  	v39 =	vor.u32 s8, v3  }
0xab: {  	v6 =	vmul.f32 v7, v6;
	v4 =	vmul.f32 v5, v4;
	_ =	sdelay $0x1  }
0xac: {  	v4 =	vadd.f32 v4, v6  }
0xad: {  	s8 =	smin.u32 s5, $0x7D  }
0xae: {  	s8 =	sshll.u32 s8, $0x2;
	[tilespmem:v39+s7+$0x0] =	vst.idx.msk $0xffff, v4  }
0xaf: {  	v4 =	vld [tilespmem:s8+$0x8]  }
0xb0: {  	v5 =	vld [tilespmem:s8+$0x288];
	_ =	sdelay $0x3  }
0xb1: {  	v40 =	vshra.s32 v4, $0x1F;
	v41 =	vand.u32 $0x7F, v4  }
0xb2: {  	vm12 =	vlt.s32 v4, $0x1;
	v43 =	vshra.s32 v5, $0x1F;
	v44 =	vand.u32 $0x7F, v5  }
0xb3: {  	vm14 =	vlt.s32 v5, $0x1;
	v6 =	vshrl.u32 v40, $0x19;
	vm13 =	vne.s32 v41, $0x0  }
0xb4: {  	v7 =	vshrl.u32 v43, $0x19;
	v6 =	vadd.s32 v6, v4;
	vm0 =	vmand vm12, vm13  }
0xb5: {  	vm15 =	vne.s32 v44, $0x0;
	v4 =	vshrl.u32 v6, $0x7;
	v42 =	vsel vm0, $0xFFFFFFFF, v1  }
0xb6: {  	v5 =	vadd.s32 v7, v5;
	vm0 =	vmand vm14, vm15;
	v4 =	vadd.s32 v42, v4  }
0xb7: {  	v5 =	vshrl.u32 v5, $0x7;
	v45 =	vsel vm0, $0xFFFFFFFF, v1;
	v4 =	vshll.u32 v4, $0x7  }
0xb8: {  	v5 =	vadd.s32 v45, v5;
	v4 =	vadd.s32 s1, v4  }
0xb9: {  	v5 =	vshll.u32 v5, $0x7;
	(v2sf) =	vpush v4, $0x0  }
0xba: {  	v5 =	vadd.s32 s2, v5  }
0xbb: {  	(v2sf) =	vpush v5, $0x0;
	_ =	sdelay $0x1  }
0xbc: {  	(v2sf) =	vpush v4, $0x1;
	_ =	sdelay $0x1  }
0xbd: {  	(v2sf) =	vpush v5, $0x1;
	_ =	sdelay $0x1  }
0xbe: {  	(v2sf) =	vpush v4, $0x2;
	_ =	sdelay $0x1  }
0xbf: {  	(v2sf) =	vpush v5, $0x2;
	_ =	sdelay $0x1  }
0xc0: {  	(v2sf) =	vpush v4, $0x3;
	_ =	sdelay $0x1  }
0xc1: {  	(v2sf) =	vpush v5, $0x3  }
0xc2: {  	s8 =	spop (v2sf)  }
0xc3: {  	[tilespmem:s13], [sflag:$0x1] =	stream.strided.gather [hbm4b:s8+s11], $0x1000, s12, s11, $0x38;
	[tilespmem:$0x12700] =	vst v63  }
0xc4: {  	s8 =	spop (v2sf)  }
0xc5: {  	[tilespmem:s14], [sflag:$0x1] =	stream.strided.gather [hbm4b:s8+s11], $0x1000, s12, s11, $0x38;
	[tilespmem:$0x12700] =	vst v63  }
0xc6: {  	s8 =	spop (v2sf)  }
0xc7: {  	[tilespmem:s15], [sflag:$0x1] =	stream.strided.gather [hbm4b:s8+s11], $0x1000, s12, s11, $0x38;
	[tilespmem:$0x12700] =	vst v63  }
0xc8: {  	s8 =	spop (v2sf)  }
0xc9: {  	[tilespmem:s16], [sflag:$0x1] =	stream.strided.gather [hbm4b:s8+s11], $0x1000, s12, s11, $0x38;
	[tilespmem:$0x12700] =	vst v63  }
0xca: {  	s8 =	spop (v2sf)  }
0xcb: {  	[tilespmem:s17], [sflag:$0x1] =	stream.strided.gather [hbm4b:s8+s11], $0x1000, s12, s11, $0x38;
	[tilespmem:$0x12700] =	vst v63  }
0xcc: {  	s8 =	spop (v2sf)  }
0xcd: {  	[tilespmem:s18], [sflag:$0x1] =	stream.strided.gather [hbm4b:s8+s11], $0x1000, s12, s11, $0x38;
	[tilespmem:$0x12700] =	vst v63  }
0xce: {  	s8 =	spop (v2sf)  }
0xcf: {  	[tilespmem:s19], [sflag:$0x1] =	stream.strided.gather [hbm4b:s8+s11], $0x1000, s12, s11, $0x38;
	[tilespmem:$0x12700] =	vst v63  }
0xd0: {  	s8 =	spop (v2sf)  }
0xd1: {  	[tilespmem:s20], [sflag:$0x1] =	stream.strided.gather [hbm4b:s8+s11], $0x1000, s12, s11, $0x38;
	[tilespmem:$0x12700] =	vst v63  }
0xd2: {  	_ =	swait.ge [sflag:s31], $0x1000  }
0xd3: {  	[sflag:s31] =	ssyncset.done $0x0  }
0xd4: {  	[sflag:s31] =	ssyncadd.s32 $0xFFFFF000  }
0xd5: {  	_ =	swait.ge [sflag:s31], $0x1000  }
0xd6: {  	[sflag:s31] =	ssyncset.done $0x0  }
0xd7: {  	[sflag:s31] =	ssyncadd.s32 $0xFFFFF000  }
0xd8: {  	_ =	swait.ge [sflag:s31], $0x1000  }
0xd9: {  	[sflag:s31] =	ssyncset.done $0x0  }
0xda: {  	[sflag:s31] =	ssyncadd.s32 $0xFFFFF000  }
0xdb: {  	_ =	swait.ge [sflag:s31], $0x1000  }
0xdc: {  	[sflag:s31] =	ssyncset.done $0x0  }
0xdd: {  	[sflag:s31] =	ssyncadd.s32 $0xFFFFF000  }
0xde: {  	_ =	swait.ge [sflag:s31], $0x1000  }
0xdf: {  	[sflag:s31] =	ssyncset.done $0x0  }
0xe0: {  	[sflag:s31] =	ssyncadd.s32 $0xFFFFF000  }
0xe1: {  	_ =	swait.ge [sflag:s31], $0x1000  }
0xe2: {  	[sflag:s31] =	ssyncset.done $0x0  }
0xe3: {  	[sflag:s31] =	ssyncadd.s32 $0xFFFFF000  }
0xe4: {  	_ =	swait.ge [sflag:s31], $0x1000  }
0xe5: {  	[sflag:s31] =	ssyncset.done $0x0  }
0xe6: {  	[sflag:s31] =	ssyncadd.s32 $0xFFFFF000  }
0xe7: {  	_ =	swait.ge [sflag:s31], $0x1000  }
0xe8: {  	[sflag:s31] =	ssyncset.done $0x0  }
0xe9: {  	[sflag:s31] =	ssyncadd.s32 $0xFFFFF000  }
0xea: {  	v4 =	vld [tilespmem:s10+$0x0];
	_ =	sdelay $0x1  }
0xeb: {  	v5 =	vld [tilespmem:s0+$0x0];
	_ =	sdelay $0x2  }
0xec: {  	v4 =	vand.u32 $0x7F, v4  }
0xed: {  	v46 =	vbroadcast v4, $0x0  }
0xee: {  	v5 =	vand.u32 $0x7F, v5  }
0xef: {  	v47 =	vbroadcast v5, $0x0;
	v48 =	vor.u32 v0, v46  }
0xf0: {  	v6 =	vor.u32 v2, v46  }
0xf1: {  	v49 =	vor.u32 v0, v47  }
0xf2: {  	v7 =	vor.u32 v2, v47;
	_ =	sdelay $0x1  }
0xf3: {  	v8 =	vld.idx.msk [tilespmem:v48+s22+$0x0], $0xffff  }
0xf4: {  	v6 =	vld.idx.msk [tilespmem:v6+s22+$0x0], $0xffff  }
0xf5: {  	v9 =	vld.idx.msk [tilespmem:v49+s23+$0x0], $0xffff  }
0xf6: {  	v7 =	vld.idx.msk [tilespmem:v7+s23+$0x0], $0xffff;
	_ =	sdelay $0x2  }
0xf7: {  	s8 =	sadd.s32 $0x4, s6;
	v50 =	vbroadcast v4, $0x1  }
0xf8: {  	v51 =	vor.u32 s8, v3;
	v52 =	vbroadcast v5, $0x1  }
0xf9: {  	v53 =	vor.u32 v0, v50;
	v8 =	vmul.f32 v9, v8;
	v6 =	vmul.f32 v7, v6  }
0xfa: {  	v10 =	vor.u32 v2, v50  }
0xfb: {  	v54 =	vor.u32 v0, v52;
	v6 =	vadd.f32 v6, v8  }
0xfc: {  	v7 =	vor.u32 v2, v52  }
0xfd: {  	[tilespmem:v51+s7+$0x0] =	vst.idx.msk $0xffff, v6  }
0xfe: {  	v6 =	vld.idx.msk [tilespmem:v53+s24+$0x0], $0xffff  }
0xff: {  	v9 =	vld.idx.msk [tilespmem:v10+s24+$0x0], $0xffff  }
0x100: {  	v8 =	vld.idx.msk [tilespmem:v54+s25+$0x0], $0xffff  }
0x101: {  	v7 =	vld.idx.msk [tilespmem:v7+s25+$0x0], $0xffff;
	_ =	sdelay $0x2  }
0x102: {  	s8 =	sadd.s32 $0x5, s6;
	v55 =	vbroadcast v4, $0x2  }
0x103: {  	v56 =	vor.u32 s8, v3;
	v57 =	vbroadcast v5, $0x2  }
0x104: {  	v58 =	vor.u32 v0, v55;
	v6 =	vmul.f32 v8, v6;
	v7 =	vmul.f32 v7, v9  }
0x105: {  	v10 =	vor.u32 v2, v55  }
0x106: {  	v59 =	vor.u32 v0, v57;
	v6 =	vadd.f32 v7, v6  }
0x107: {  	v9 =	vor.u32 v2, v57  }
0x108: {  	[tilespmem:v56+s7+$0x0] =	vst.idx.msk $0xffff, v6  }
0x109: {  	v6 =	vld.idx.msk [tilespmem:v58+s26+$0x0], $0xffff  }
0x10a: {  	v8 =	vld.idx.msk [tilespmem:v10+s26+$0x0], $0xffff  }
0x10b: {  	v7 =	vld.idx.msk [tilespmem:v59+s28+$0x0], $0xffff  }
0x10c: {  	v9 =	vld.idx.msk [tilespmem:v9+s28+$0x0], $0xffff;
	_ =	sdelay $0x2  }
0x10d: {  	s8 =	sadd.s32 $0x6, s6;
	v4 =	vbroadcast v4, $0x3  }
0x10e: {  	v60 =	vor.u32 s8, v3;
	v5 =	vbroadcast v5, $0x3  }
0x10f: {  	v61 =	vor.u32 v0, v4;
	v6 =	vmul.f32 v7, v6;
	v8 =	vmul.f32 v9, v8  }
0x110: {  	v4 =	vor.u32 v2, v4  }
0x111: {  	v62 =	vor.u32 v0, v5;
	v6 =	vadd.f32 v8, v6  }
0x112: {  	v5 =	vor.u32 v2, v5  }
0x113: {  	[tilespmem:v60+s7+$0x0] =	vst.idx.msk $0xffff, v6  }
0x114: {  	v6 =	vld.idx.msk [tilespmem:v61+s29+$0x0], $0xffff  }
0x115: {  	v4 =	vld.idx.msk [tilespmem:v4+s29+$0x0], $0xffff  }
0x116: {  	v7 =	vld.idx.msk [tilespmem:v62+s30+$0x0], $0xffff  }
0x117: {  	v5 =	vld.idx.msk [tilespmem:v5+s30+$0x0], $0xffff;
	_ =	sdelay $0x2  }
0x118: {  	s8 =	sadd.s32 $0x7, s6  }
0x119: {  	v63 =	vor.u32 s8, v3  }
0x11a: {  	v6 =	vmul.f32 v7, v6;
	v4 =	vmul.f32 v5, v4;
	_ =	sdelay $0x1  }
0x11b: {  	v4 =	vadd.f32 v4, v6;
	_ =	sdelay $0x1  }
0x11c: {  	[tilespmem:v63+s7+$0x0] =	vst.idx.msk $0xffff, v4  }
0x11d: {  	_ =	swait.ge [sflag:s21], $0x1000  }
0x11e: {  	[sflag:s21] =	ssyncset.done $0x0  }
0x11f: {  	[sflag:s21] =	ssyncadd.s32 $0xFFFFF000  }
0x120: {  	_ =	swait.ge [sflag:s21], $0x1000  }
0x121: {  	[sflag:s21] =	ssyncset.done $0x0  }
0x122: {  	[sflag:s21] =	ssyncadd.s32 $0xFFFFF000  }
0x123: {  	_ =	swait.ge [sflag:s21], $0x1000  }
0x124: {  	[sflag:s21] =	ssyncset.done $0x0  }
0x125: {  	[sflag:s21] =	ssyncadd.s32 $0xFFFFF000  }
0x126: {  	_ =	swait.ge [sflag:s21], $0x1000  }
0x127: {  	[sflag:s21] =	ssyncset.done $0x0  }
0x128: {  	[sflag:s21] =	ssyncadd.s32 $0xFFFFF000  }
0x129: {  	_ =	swait.ge [sflag:s21], $0x1000  }
0x12a: {  	[sflag:s21] =	ssyncset.done $0x0  }
0x12b: {  	[sflag:s21] =	ssyncadd.s32 $0xFFFFF000  }
0x12c: {  	_ =	swait.ge [sflag:s21], $0x1000  }
0x12d: {  	[sflag:s21] =	ssyncset.done $0x0  }
0x12e: {  	[sflag:s21] =	ssyncadd.s32 $0xFFFFF000  }
0x12f: {  	p0 =	sne.s32 s6, $0x1F8;
	_ =	swait.ge [sflag:s21], $0x1000  }
.Ltmp0:
0x130: {  	[sflag:s21] =	ssyncset.done $0x0;
	(pc) =	sbr.rel @p0 .LBB2_2-.Ltmp0, $4  }
0x131: {  	[sflag:s21] =	ssyncadd.s32 $0xFFFFF000  }
0x132: {  	_ =	swait.ge [sflag:s21], $0x1000  }
0x133: {  	s5 =	sadd.s32 $0x2, s5;
	s6 =	sadd.s32 $0x8, s6;
	[sflag:s21] =	ssyncset.done $0x0  }
0x134: {  	s10 =	sadd.s32 $0x8, s10;
	s0 =	sadd.s32 $0x8, s0;
	[sflag:s21] =	ssyncadd.s32 $0xFFFFF000  }
0x135: {  	s0 =	simm.s32 $0x0;
	v4 =	vld [tilespmem:s7+$0x0]  }
0x136: {  	s0 =	sand.u32 $0x1F0, s0  }
0x137: {  	v5 =	vld [tilespmem:s0+$0x10700];
	_ =	sdelay $0x1  }
0x138: {  	v6 =	vld [tilespmem:s0+$0x10900]  }
0x139: {  	v4 =	vadd.f32 $0.0e+00, v4  }
0x13a: {  	v7 =	vld [tilespmem:s0+$0x10B00]  }
0x13b: {  	v4 =	vadd.f32 v5, v4  }
0x13c: {  	v5 =	vld [tilespmem:s0+$0x10D00]  }
0x13d: {  	v4 =	vadd.f32 v6, v4  }
0x13e: {  	v6 =	vld [tilespmem:s0+$0x10F00]  }
0x13f: {  	v4 =	vadd.f32 v7, v4  }
0x140: {  	v7 =	vld [tilespmem:s0+$0x11100]  }
0x141: {  	v4 =	vadd.f32 v5, v4  }
0x142: {  	v5 =	vld [tilespmem:s0+$0x11300]  }
0x143: {  	v4 =	vadd.f32 v6, v4  }
0x144: {  	v6 =	vld [tilespmem:s0+$0x11500]  }
0x145: {  	v4 =	vadd.f32 v7, v4  }
0x146: {  	v7 =	vld [tilespmem:s0+$0x11700]  }
0x147: {  	v4 =	vadd.f32 v5, v4  }
0x148: {  	v5 =	vld [tilespmem:s0+$0x11900]  }
0x149: {  	v4 =	vadd.f32 v6, v4  }
0x14a: {  	v6 =	vld [tilespmem:s0+$0x11B00]  }
0x14b: {  	v4 =	vadd.f32 v7, v4  }
0x14c: {  	v7 =	vld [tilespmem:s0+$0x11D00]  }
0x14d: {  	v4 =	vadd.f32 v5, v4  }
0x14e: {  	v5 =	vld [tilespmem:s0+$0x11F00]  }
0x14f: {  	v4 =	vadd.f32 v6, v4  }
0x150: {  	v6 =	vld [tilespmem:s0+$0x12100]  }
0x151: {  	v4 =	vadd.f32 v7, v4  }
0x152: {  	v7 =	vld [tilespmem:s0+$0x12300]  }
0x153: {  	v4 =	vadd.f32 v5, v4;
	_ =	sdelay $0x1  }
0x154: {  	v4 =	vadd.f32 v6, v4;
	_ =	sdelay $0x1  }
0x155: {  	v4 =	vadd.f32 v7, v4  }
0x156: {  	s0 =	simm.s32 $0x12500  }
0x157: {  	s5 =	simm.s32 $0x10510;
	[tilespmem:s0+$0x0] =	vst v4  }
0x158: {  	s6 =	simm.s32 $0x10;
	s7 =	simm.s32 $0x20;
	v4 =	vld [tilespmem:s5+$0x0]  }
.LBB2_4:
0x159: {  	p0 =	sne.s32 s7, $0x1F0;
	s8 =	sand.u32 $0x1F0, s6;
	s6 =	smov.u32 s7  }
0x15a: {  	v5 =	vld [tilespmem:s8+$0x10700];
	_ =	sdelay $0x1  }
0x15b: {  	v6 =	vld [tilespmem:s8+$0x10900]  }
0x15c: {  	v4 =	vadd.f32 $0.0e+00, v4  }
0x15d: {  	v7 =	vld [tilespmem:s8+$0x10B00]  }
0x15e: {  	v4 =	vadd.f32 v5, v4  }
0x15f: {  	v5 =	vld [tilespmem:s8+$0x10D00]  }
0x160: {  	v4 =	vadd.f32 v6, v4  }
0x161: {  	v6 =	vld [tilespmem:s8+$0x10F00]  }
0x162: {  	v4 =	vadd.f32 v7, v4  }
0x163: {  	v7 =	vld [tilespmem:s8+$0x11100]  }
0x164: {  	v4 =	vadd.f32 v5, v4  }
0x165: {  	v5 =	vld [tilespmem:s8+$0x11300]  }
0x166: {  	v4 =	vadd.f32 v6, v4  }
0x167: {  	v6 =	vld [tilespmem:s8+$0x11500]  }
0x168: {  	v4 =	vadd.f32 v7, v4  }
0x169: {  	v7 =	vld [tilespmem:s8+$0x11700]  }
0x16a: {  	v4 =	vadd.f32 v5, v4  }
0x16b: {  	v5 =	vld [tilespmem:s8+$0x11900]  }
0x16c: {  	v4 =	vadd.f32 v6, v4  }
0x16d: {  	v6 =	vld [tilespmem:s8+$0x11B00]  }
0x16e: {  	v4 =	vadd.f32 v7, v4  }
0x16f: {  	v7 =	vld [tilespmem:s8+$0x11D00]  }
0x170: {  	v4 =	vadd.f32 v5, v4  }
0x171: {  	v5 =	vld [tilespmem:s8+$0x11F00]  }
0x172: {  	v4 =	vadd.f32 v6, v4  }
0x173: {  	v6 =	vld [tilespmem:s8+$0x12100]  }
0x174: {  	v4 =	vadd.f32 v7, v4  }
0x175: {  	v7 =	vld [tilespmem:s8+$0x12300]  }
0x176: {  	v4 =	vadd.f32 v5, v4;
	_ =	sdelay $0x1  }
0x177: {  	v4 =	vadd.f32 v6, v4  }
.Ltmp1:
0x178: {  	(pc) =	sbr.rel @p0 .LBB2_4-.Ltmp1, $4  }
0x179: {  	v4 =	vadd.f32 v7, v4  }
0x17a: {  	s0 =	sadd.s32 $0x10, s0  }
0x17b: {  	s5 =	sadd.s32 $0x10, s5;
	[tilespmem:s0+$0x0] =	vst v4  }
0x17c: {  	s7 =	sadd.s32 $0x10, s7;
	v4 =	vld [tilespmem:s5+$0x0]  }
0x17d: {  	s5 =	sand.u32 $0x1F0, s6  }
0x17e: {  	v5 =	vld [tilespmem:s5+$0x10700];
	_ =	sdelay $0x1  }
0x17f: {  	v6 =	vld [tilespmem:s5+$0x10900]  }
0x180: {  	v4 =	vadd.f32 $0.0e+00, v4  }
0x181: {  	v7 =	vld [tilespmem:s5+$0x10B00]  }
0x182: {  	v4 =	vadd.f32 v5, v4  }
0x183: {  	v5 =	vld [tilespmem:s5+$0x10D00]  }
0x184: {  	v4 =	vadd.f32 v6, v4  }
0x185: {  	v56 =	vld [tilespmem:s5+$0x10F00]  }
0x186: {  	v4 =	vadd.f32 v7, v4  }
0x187: {  	v57 =	vld [tilespmem:s5+$0x11100]  }
0x188: {  	v4 =	vadd.f32 v5, v4  }
0x189: {  	v5 =	vld [tilespmem:s5+$0x11300]  }
0x18a: {  	v4 =	vadd.f32 v56, v4  }
0x18b: {  	v58 =	vld [tilespmem:s5+$0x11500]  }
0x18c: {  	v4 =	vadd.f32 v57, v4  }
0x18d: {  	v59 =	vld [tilespmem:s5+$0x11700]  }
0x18e: {  	v4 =	vadd.f32 v5, v4  }
0x18f: {  	v5 =	vld [tilespmem:s5+$0x11900]  }
0x190: {  	v4 =	vadd.f32 v58, v4  }
0x191: {  	v60 =	vld [tilespmem:s5+$0x11B00]  }
0x192: {  	v4 =	vadd.f32 v59, v4  }
0x193: {  	v61 =	vld [tilespmem:s5+$0x11D00]  }
0x194: {  	v4 =	vadd.f32 v5, v4  }
0x195: {  	v5 =	vld [tilespmem:s5+$0x11F00]  }
0x196: {  	v4 =	vadd.f32 v60, v4  }
0x197: {  	v62 =	vld [tilespmem:s5+$0x12100]  }
0x198: {  	v4 =	vadd.f32 v61, v4  }
0x199: {  	v63 =	vld [tilespmem:s5+$0x12300]  }
0x19a: {  	v4 =	vadd.f32 v5, v4;
	_ =	sdelay $0x1  }
0x19b: {  	v4 =	vadd.f32 v62, v4;
	_ =	sdelay $0x1  }
0x19c: {  	v4 =	vadd.f32 v63, v4  }
0x19d: {  	s0 =	sadd.s32 $0x10, s0  }
0x19e: {  	s7 =	rddreg [dreg:$0x8];
	s8 =	simm.s32 $0x12500;
	[tilespmem:s0+$0x0] =	vst v4  }
0x19f: {  	[hbm4b:s7+s4] =	stream.linear.scatter [tilespmem:s8], [sflag:$0x3], $0x200, $0x38;
	[tilespmem:$0x12700] =	vst v63  }
0x1a0: {  	_ =	swait.ge [sflag:s9], $0x200  }
0x1a1: {  	s3 =	sadd.s32 $0x1, s3;
	s10 =	rddreg [dreg:$0x9]  }
0x1a2: {  	p0 =	sne.s32 s3, s10  }
.Ltmp2:
0x1a3: {  	_ = 	snop;
	(pc) =	sbr.rel @p0 .LBB2_1-.Ltmp2, $3  }
0x1a4: {  	_ =	sdelay $0x1  }
0x1a5: {  	[sflag:s9] =	ssyncset.done $0x0  }
0x1a6: {  	[sflag:s9] =	ssyncadd.s32 $0xFFFFFE00  }
0x1a7: {  	_ =	sfence.sel $0x180000  }
0x1a8: {  	[bflag:$0x0] =	sbarrier.arrive $0xFFFF  }
0x1a9: {  	_ =	strace $0x90000047  }
0x1aa: {  	s0 =	stileid.u32;
	[bflag:$0x2] =	sbarrier.arrive $0xFFFF  }
0x1ab: {  	p0 =	sne.s32 s0, $0x0;
	s0 =	rddreg [dreg:$0x5]  }
0x1ac: {  	s0 =	sadd.s32 @!p0 $0x100000, s0  }
0x1ad: {  	[sflag:s0] =	ssyncadd.tile.s32 @!p0 $0x1;
	_ =	shalt  }
.Lfunc_end2:
_tile_overlayer_lowered:
.L_overlay_start_2:
0x1ae: {  	(tag) =	ssettag $0x2  }
0x1af: {  	s0 =	rddreg [dreg:$0x0];
	s2 =	stileid.u32  }
0x1b0: {  	s1 =	rddreg [dreg:$0x1];
	p0 =	sne.s32 s2, $0x0  }
0x1b1: {  	s3 =	rddreg [dreg:$0x2];
	[bflag:$0x3] =	sbarrier.arrive $0xFFFF;
	s2 =	simm.s32 @!p0 $0x1C03  }
0x1b2: {  	[timem:s3], [sflag:s2] =	dma.local @!p0 [hbm:s0], s1  }
0x1b3: {  	s0 =	simm.s32 @!p0 $0x3  }
0x1b4: {  	_ =	swait.ge @!p0 [sflag:s0], s1  }
0x1b5: {  	s1 =	ssub.s32 @!p0 $0x0, s1;
	[sflag:s0] =	ssyncset.done @!p0 $0x0  }
0x1b6: {  	[sflag:s0] =	ssyncadd.s32 @!p0 s1  }
0x1b7: {  	[bflag:$0x3] =	sbarrier.arrive $0xFFFF  }
0x1b8: {  	_ =	shalt  }

</sc_bundles>
